<compile_context>
chip_gen: v7x
topology: tpu7x:2x2x1
jax: 0.10.2.dev20260603
libtpu: 0.0.44.dev20260713+nightly
codegen_flags: <defaults>
</compile_context>

<pallas_src>
import jax
import jax.numpy as jnp
from jax import lax
from jax.experimental import pallas as pl
from jax.experimental.pallas import tpu as pltpu
from jax.experimental.pallas import tpu_sc as plsc

_VOCAB = 1000000
_DIM = 64
_L = 16

_INFO = plsc.get_sparse_core_info()
_NC = _INFO.num_cores
_NS = _INFO.num_subcores
_NW = _NC * _NS

_ROWS = 16384
_B_TOTAL = _ROWS * 50
_B_PER_W = _B_TOTAL // _NW
_CHUNK = 400
_OROWS = _CHUNK // 50
_GRP = 80
_NG = _CHUNK // _GRP
_ITERS = _B_PER_W // _CHUNK


def _sc_body(tab_hbm, idx_hbm, out_hbm,
             idx_v, g_v, emb0_v, emb1_v, sem_i, sem_g, sem_o):
    wid = lax.axis_index("s") * _NC + lax.axis_index("c")
    base = wid * _B_PER_W
    embs = (emb0_v, emb1_v)

    def load_idx(t):
        pltpu.sync_copy(idx_hbm.at[pl.ds(base + t * _CHUNK, _CHUNK)], idx_v)
        for i in range(_CHUNK // _L):
            v = idx_v[pl.ds(i * _L, _L)]
            g = jnp.where(v == 0, _VOCAB - 1, v - 1)
            r, c = divmod(i * _L, _GRP)
            g_v[r, pl.ds(c, _L)] = g

    def fire_gathers(buf):
        return [pltpu.async_copy(
            tab_hbm.at[g_v.at[r]], buf.at[pl.ds(r * _GRP, _GRP)], sem_g)
            for r in range(_NG)]

    def fire_out(t, buf):
        return [pltpu.async_copy(
            buf, out_hbm.at[pl.ds(base + t * _CHUNK, _CHUNK)], sem_o)]

    load_idx(0)
    for h in fire_gathers(embs[0]):
        h.wait()

    def chunk_body(t, carry):
        b_cur = lax.rem(t, 2)

        def do(parity):
            cur = embs[parity]
            nxt = embs[1 - parity]
            ohs = fire_out(t, cur)
            load_idx(t + 1)
            ghs = fire_gathers(nxt)
            for h in ohs:
                h.wait()
            for h in ghs:
                h.wait()

        @pl.when(b_cur == 0)
        def _():
            do(0)

        @pl.when(b_cur == 1)
        def _():
            do(1)

        return carry

    lax.fori_loop(0, _ITERS - 1, chunk_body, 0, unroll=False)

    last = (_ITERS - 1) % 2
    for h in fire_out(_ITERS - 1, embs[last]):
        h.wait()


@jax.jit
def _sc_gather(tab, idx_flat):
    mesh = plsc.VectorSubcoreMesh(core_axis_name="c", subcore_axis_name="s")
    fn = pl.kernel(
        _sc_body,
        mesh=mesh,
        compiler_params=pltpu.CompilerParams(use_tc_tiling_on_sc=False),
        out_type=jax.ShapeDtypeStruct((_B_TOTAL, _DIM), jnp.float32),
        scratch_types=[
            pltpu.VMEM((_CHUNK,), jnp.int32),
            pltpu.VMEM((_NG, _GRP), jnp.int32),
            pltpu.VMEM((_CHUNK, _DIM), jnp.float32),
            pltpu.VMEM((_CHUNK, _DIM), jnp.float32),
            pltpu.SemaphoreType.DMA,
            pltpu.SemaphoreType.DMA,
            pltpu.SemaphoreType.DMA,
        ],
    )
    return fn(tab, idx_flat)


def kernel(idx, embedding, nan_mask, impute_values, missing_vector):
    idx_flat = idx.reshape(-1).astype(jnp.int32)
    emb2 = embedding.reshape(_VOCAB // 2, 2 * _DIM)
    msk2 = nan_mask.reshape(_VOCAB // 2, 2 * _DIM)
    imp2 = jnp.tile(impute_values.astype(jnp.float32), 2)[None, :]
    mv2 = jnp.tile(missing_vector.reshape(_DIM), 2)[None, :]
    rows2 = lax.broadcasted_iota(jnp.int32, (_VOCAB // 2, 1), 0)
    cols2 = lax.broadcasted_iota(jnp.int32, (1, 2 * _DIM), 1)
    tab2 = jnp.where(msk2, imp2, emb2)
    tab2 = jnp.where((rows2 == _VOCAB // 2 - 1) & (cols2 >= _DIM),
                     mv2, tab2)
    out = _sc_gather(tab2.reshape(_VOCAB, _DIM), idx_flat)
    return out.reshape(idx.shape + (_DIM,))

# --- scband reference (transcript-rebuilt; emitter-appended) ---
"""Pipeline reference for scband-sparse-embedding-block-85581518340351 (READ-ONLY COPY).

The authoritative reference and input builder live on the scoring server;
editing this copy changes nothing except your own understanding.
"""

import jax, jax.numpy as jnp
import numpy as np

VOCAB = 1000000
DIM = 64
MISSING_IDX = 0

def setup_inputs(seed: int = 0) -> dict:
    key = jax.random.key(seed)
    k_idx, k_emb, k_nan, k_miss = jax.random.split(key, 4)
    idx = jax.random.randint(k_idx, (16384, 50), 0, VOCAB, dtype=jnp.int64)
    # context embedding (already NaN-cleaned, as in set_context) plus its nan mask
    embedding = jax.random.normal(k_emb, (VOCAB, DIM), dtype=jnp.float32)
    nan_mask = jax.random.bernoulli(k_nan, 0.05, (VOCAB, DIM))
    # learned parameters
    impute_values = jnp.zeros((DIM,), dtype=jnp.float32)
    missing_vector = jax.random.normal(k_miss, (1, DIM), dtype=jnp.float32) * 0.02
    return {"idx": idx, "embedding": embedding, "nan_mask": nan_mask,
            "impute_values": impute_values, "missing_vector": missing_vector}

def reference(idx, embedding, nan_mask, impute_values, missing_vector):
    is_missing_entity = (idx == MISSING_IDX)[..., None]
    shifted = idx - 1  # idx==0 -> -1, wraps to last row, matching torch semantics
    vectors = jnp.take(embedding, shifted, axis=0)
    feature_nan_mask = jnp.take(nan_mask, shifted, axis=0)
    vectors = jnp.where(feature_nan_mask, impute_values, vectors)
    return jnp.where(is_missing_entity, missing_vector, vectors)

if __name__ == "__main__":
    import jax
    _d = setup_inputs()
    print(jax.jit(kernel)(*tuple(_d.values())))

</pallas_src>

<mosaic_0001>
#map = affine_map<(d0, d1) -> (0, 0)>
#map1 = affine_map<(d0, d1) -> (0)>
module attributes {stable_mosaic.version = 14 : i64} {
  func.func @_sc_body(%arg0: i32, %arg1: i32, %arg2: memref<1000000x64xf32, #tpu.memory_space<hbm>>, %arg3: memref<819200xi32, #tpu.memory_space<hbm>>, %arg4: memref<819200x64xf32, #tpu.memory_space<hbm>>, %arg5: memref<400xi32, #tpu.memory_space<vmem>>, %arg6: memref<5x80xi32, #tpu.memory_space<vmem>>, %arg7: memref<400x64xf32, #tpu.memory_space<vmem>>, %arg8: memref<400x64xf32, #tpu.memory_space<vmem>>, %arg9: memref<!tpu.dma_semaphore, #tpu.memory_space<semaphore_mem>>, %arg10: memref<!tpu.dma_semaphore, #tpu.memory_space<semaphore_mem>>, %arg11: memref<!tpu.dma_semaphore, #tpu.memory_space<semaphore_mem>>) attributes {dimension_semantics = [#tpu.dimension_semantics<core_parallel>, #tpu.dimension_semantics<subcore_parallel>], iteration_bounds = array<i64: 2, 16>, scalar_prefetch = 0 : i64, scratch_operands = 7 : i64, tpu.core_type = #tpu.core_type<sc_vector_subcore>, window_params = [{transform_indices = #map}, {transform_indices = #map1}, {transform_indices = #map}]} {
    %mul3A = arith.constant 2 : i32
    %mul3A_0 = arith.muli %arg1, %mul3A : i32
    %add3A = arith.addi %mul3A_0, %arg0 : i32
    %mul3A_1 = arith.constant 25600 : i32
    %mul3A_2 = arith.muli %add3A, %mul3A_1 : i32
    %add3A_3 = arith.constant 0 : i32
    %add3A_4 = arith.addi %mul3A_2, %add3A_3 : i32
    "tpu.region"() ({
      %run_scoped3A = tpu.sem_alloc : memref<!tpu.dma_semaphore, #tpu.memory_space<semaphore_mem>>
      %dma_start3A_561 = tpu.memref_slice %arg3[%add3A_4] : memref<819200xi32, #tpu.memory_space<hbm>> -> memref<400xi32, #tpu.memory_space<hbm>>
      %dma_start3A_562 = tpu.memref_slice %arg3[%add3A_4] : memref<819200xi32, #tpu.memory_space<hbm>> -> memref<400xi32, #tpu.memory_space<hbm>>
      tpu.enqueue_dma source(%dma_start3A_562 : memref<400xi32, #tpu.memory_space<hbm>>) target(%arg5 : memref<400xi32, #tpu.memory_space<vmem>>) target_semaphore(%run_scoped3A : memref<!tpu.dma_semaphore, #tpu.memory_space<semaphore_mem>>)
      %dma_wait3A_563 = tpu.memref_slice %arg3[%add3A_4] : memref<819200xi32, #tpu.memory_space<hbm>> -> memref<400xi32, #tpu.memory_space<hbm>>
      %dma_wait3A_564 = tpu.memref_slice %arg3[%add3A_4] : memref<819200xi32, #tpu.memory_space<hbm>> -> memref<400xi32, #tpu.memory_space<hbm>>
      tpu.wait_dma2 semaphore(%run_scoped3A : memref<!tpu.dma_semaphore, #tpu.memory_space<semaphore_mem>>) src(%dma_wait3A_564 : memref<400xi32, #tpu.memory_space<hbm>>) dst(%arg5 : memref<400xi32, #tpu.memory_space<vmem>>)
      tpu.yield
    }) : () -> ()
    %get3A = arith.constant 0 : index
    %get3A_5 = tpu.vector_load %arg5[%get3A] {strides = array<i32>} : memref<400xi32, #tpu.memory_space<vmem>>, vector<16xi32>,
    %get3A_6 = vector.shape_cast %get3A_5 : vector<16xi32> to vector<16xi32>
    %eq3A = arith.constant 0 : i32
    %eq3A_7 = vector.broadcast %eq3A : i32 to vector<16xi32>
    %eq3A_8 = arith.cmpi eq, %get3A_6, %eq3A_7 : vector<16xi32>
    %sub3A = arith.constant 1 : i32
    %sub3A_9 = vector.broadcast %sub3A : i32 to vector<16xi32>
    %sub3A_10 = arith.subi %get3A_6, %sub3A_9 : vector<16xi32>
    %jit3A = arith.constant 999999 : i32
    %broadcast_in_dim3A = vector.broadcast %jit3A : i32 to vector<16xi32>
    %select_n3A = arith.select %eq3A_8, %broadcast_in_dim3A, %sub3A_10 : vector<16xi1>, vector<16xi32>
    %swap3A = arith.constant 0 : i32
    %swap3A_11 = arith.index_cast %swap3A : i32 to index
    %swap3A_12 = arith.constant 0 : index
    %swap3A_13 = tpu.vector_load %arg6[%swap3A_11, %swap3A_12] {strides = array<i32>} : memref<5x80xi32, #tpu.memory_space<vmem>>, vector<1x16xi32>,
    %swap3A_14 = vector.shape_cast %swap3A_13 : vector<1x16xi32> to vector<16xi32>
    %swap3A_15 = vector.shape_cast %select_n3A : vector<16xi32> to vector<1x16xi32>
    tpu.vector_store %arg6[%swap3A_11, %swap3A_12], %swap3A_15 {strides = array<i32>} : memref<5x80xi32, #tpu.memory_space<vmem>>, vector<1x16xi32>,
    %get3A_16 = arith.constant 16 : index
    %get3A_17 = tpu.vector_load %arg5[%get3A_16] {strides = array<i32>} : memref<400xi32, #tpu.memory_space<vmem>>, vector<16xi32>,
    %get3A_18 = vector.shape_cast %get3A_17 : vector<16xi32> to vector<16xi32>
    %eq3A_19 = arith.constant 0 : i32
    %eq3A_20 = vector.broadcast %eq3A_19 : i32 to vector<16xi32>
    %eq3A_21 = arith.cmpi eq, %get3A_18, %eq3A_20 : vector<16xi32>
    %sub3A_22 = arith.constant 1 : i32
    %sub3A_23 = vector.broadcast %sub3A_22 : i32 to vector<16xi32>
    %sub3A_24 = arith.subi %get3A_18, %sub3A_23 : vector<16xi32>
    %jit3A_25 = arith.constant 999999 : i32
    %broadcast_in_dim3A_26 = vector.broadcast %jit3A_25 : i32 to vector<16xi32>
    %select_n3A_27 = arith.select %eq3A_21, %broadcast_in_dim3A_26, %sub3A_24 : vector<16xi1>, vector<16xi32>
    %swap3A_28 = arith.constant 0 : i32
    %swap3A_29 = arith.index_cast %swap3A_28 : i32 to index
    %swap3A_30 = arith.constant 16 : index
    %swap3A_31 = tpu.vector_load %arg6[%swap3A_29, %swap3A_30] {strides = array<i32>} : memref<5x80xi32, #tpu.memory_space<vmem>>, vector<1x16xi32>,
    %swap3A_32 = vector.shape_cast %swap3A_31 : vector<1x16xi32> to vector<16xi32>
    %swap3A_33 = vector.shape_cast %select_n3A_27 : vector<16xi32> to vector<1x16xi32>
    tpu.vector_store %arg6[%swap3A_29, %swap3A_30], %swap3A_33 {strides = array<i32>} : memref<5x80xi32, #tpu.memory_space<vmem>>, vector<1x16xi32>,
    %get3A_34 = arith.constant 32 : index
    %get3A_35 = tpu.vector_load %arg5[%get3A_34] {strides = array<i32>} : memref<400xi32, #tpu.memory_space<vmem>>, vector<16xi32>,
    %get3A_36 = vector.shape_cast %get3A_35 : vector<16xi32> to vector<16xi32>
    %eq3A_37 = arith.constant 0 : i32
    %eq3A_38 = vector.broadcast %eq3A_37 : i32 to vector<16xi32>
    %eq3A_39 = arith.cmpi eq, %get3A_36, %eq3A_38 : vector<16xi32>
    %sub3A_40 = arith.constant 1 : i32
    %sub3A_41 = vector.broadcast %sub3A_40 : i32 to vector<16xi32>
    %sub3A_42 = arith.subi %get3A_36, %sub3A_41 : vector<16xi32>
    %jit3A_43 = arith.constant 999999 : i32
    %broadcast_in_dim3A_44 = vector.broadcast %jit3A_43 : i32 to vector<16xi32>
    %select_n3A_45 = arith.select %eq3A_39, %broadcast_in_dim3A_44, %sub3A_42 : vector<16xi1>, vector<16xi32>
    %swap3A_46 = arith.constant 0 : i32
    %swap3A_47 = arith.index_cast %swap3A_46 : i32 to index
    %swap3A_48 = arith.constant 32 : index
    %swap3A_49 = tpu.vector_load %arg6[%swap3A_47, %swap3A_48] {strides = array<i32>} : memref<5x80xi32, #tpu.memory_space<vmem>>, vector<1x16xi32>,
    %swap3A_50 = vector.shape_cast %swap3A_49 : vector<1x16xi32> to vector<16xi32>
    %swap3A_51 = vector.shape_cast %select_n3A_45 : vector<16xi32> to vector<1x16xi32>
    tpu.vector_store %arg6[%swap3A_47, %swap3A_48], %swap3A_51 {strides = array<i32>} : memref<5x80xi32, #tpu.memory_space<vmem>>, vector<1x16xi32>,
    %get3A_52 = arith.constant 48 : index
    %get3A_53 = tpu.vector_load %arg5[%get3A_52] {strides = array<i32>} : memref<400xi32, #tpu.memory_space<vmem>>, vector<16xi32>,
    %get3A_54 = vector.shape_cast %get3A_53 : vector<16xi32> to vector<16xi32>
    %eq3A_55 = arith.constant 0 : i32
    %eq3A_56 = vector.broadcast %eq3A_55 : i32 to vector<16xi32>
    %eq3A_57 = arith.cmpi eq, %get3A_54, %eq3A_56 : vector<16xi32>
    %sub3A_58 = arith.constant 1 : i32
    %sub3A_59 = vector.broadcast %sub3A_58 : i32 to vector<16xi32>
    %sub3A_60 = arith.subi %get3A_54, %sub3A_59 : vector<16xi32>
    %jit3A_61 = arith.constant 999999 : i32
    %broadcast_in_dim3A_62 = vector.broadcast %jit3A_61 : i32 to vector<16xi32>
    %select_n3A_63 = arith.select %eq3A_57, %broadcast_in_dim3A_62, %sub3A_60 : vector<16xi1>, vector<16xi32>
    %swap3A_64 = arith.constant 0 : i32
    %swap3A_65 = arith.index_cast %swap3A_64 : i32 to index
    %swap3A_66 = arith.constant 48 : index
    %swap3A_67 = tpu.vector_load %arg6[%swap3A_65, %swap3A_66] {strides = array<i32>} : memref<5x80xi32, #tpu.memory_space<vmem>>, vector<1x16xi32>,
    %swap3A_68 = vector.shape_cast %swap3A_67 : vector<1x16xi32> to vector<16xi32>
    %swap3A_69 = vector.shape_cast %select_n3A_63 : vector<16xi32> to vector<1x16xi32>
    tpu.vector_store %arg6[%swap3A_65, %swap3A_66], %swap3A_69 {strides = array<i32>} : memref<5x80xi32, #tpu.memory_space<vmem>>, vector<1x16xi32>,
    %get3A_70 = arith.constant 64 : index
    %get3A_71 = tpu.vector_load %arg5[%get3A_70] {strides = array<i32>} : memref<400xi32, #tpu.memory_space<vmem>>, vector<16xi32>,
    %get3A_72 = vector.shape_cast %get3A_71 : vector<16xi32> to vector<16xi32>
    %eq3A_73 = arith.constant 0 : i32
    %eq3A_74 = vector.broadcast %eq3A_73 : i32 to vector<16xi32>
    %eq3A_75 = arith.cmpi eq, %get3A_72, %eq3A_74 : vector<16xi32>
    %sub3A_76 = arith.constant 1 : i32
    %sub3A_77 = vector.broadcast %sub3A_76 : i32 to vector<16xi32>
    %sub3A_78 = arith.subi %get3A_72, %sub3A_77 : vector<16xi32>
    %jit3A_79 = arith.constant 999999 : i32
    %broadcast_in_dim3A_80 = vector.broadcast %jit3A_79 : i32 to vector<16xi32>
    %select_n3A_81 = arith.select %eq3A_75, %broadcast_in_dim3A_80, %sub3A_78 : vector<16xi1>, vector<16xi32>
    %swap3A_82 = arith.constant 0 : i32
    %swap3A_83 = arith.index_cast %swap3A_82 : i32 to index
    %swap3A_84 = arith.constant 64 : index
    %swap3A_85 = tpu.vector_load %arg6[%swap3A_83, %swap3A_84] {strides = array<i32>} : memref<5x80xi32, #tpu.memory_space<vmem>>, vector<1x16xi32>,
    %swap3A_86 = vector.shape_cast %swap3A_85 : vector<1x16xi32> to vector<16xi32>
    %swap3A_87 = vector.shape_cast %select_n3A_81 : vector<16xi32> to vector<1x16xi32>
    tpu.vector_store %arg6[%swap3A_83, %swap3A_84], %swap3A_87 {strides = array<i32>} : memref<5x80xi32, #tpu.memory_space<vmem>>, vector<1x16xi32>,
    %get3A_88 = arith.constant 80 : index
    %get3A_89 = tpu.vector_load %arg5[%get3A_88] {strides = array<i32>} : memref<400xi32, #tpu.memory_space<vmem>>, vector<16xi32>,
    %get3A_90 = vector.shape_cast %get3A_89 : vector<16xi32> to vector<16xi32>
    %eq3A_91 = arith.constant 0 : i32
    %eq3A_92 = vector.broadcast %eq3A_91 : i32 to vector<16xi32>
    %eq3A_93 = arith.cmpi eq, %get3A_90, %eq3A_92 : vector<16xi32>
    %sub3A_94 = arith.constant 1 : i32
    %sub3A_95 = vector.broadcast %sub3A_94 : i32 to vector<16xi32>
    %sub3A_96 = arith.subi %get3A_90, %sub3A_95 : vector<16xi32>
    %jit3A_97 = arith.constant 999999 : i32
    %broadcast_in_dim3A_98 = vector.broadcast %jit3A_97 : i32 to vector<16xi32>
    %select_n3A_99 = arith.select %eq3A_93, %broadcast_in_dim3A_98, %sub3A_96 : vector<16xi1>, vector<16xi32>
    %swap3A_100 = arith.constant 1 : i32
    %swap3A_101 = arith.index_cast %swap3A_100 : i32 to index
    %swap3A_102 = arith.constant 0 : index
    %swap3A_103 = tpu.vector_load %arg6[%swap3A_101, %swap3A_102] {strides = array<i32>} : memref<5x80xi32, #tpu.memory_space<vmem>>, vector<1x16xi32>,
    %swap3A_104 = vector.shape_cast %swap3A_103 : vector<1x16xi32> to vector<16xi32>
    %swap3A_105 = vector.shape_cast %select_n3A_99 : vector<16xi32> to vector<1x16xi32>
    tpu.vector_store %arg6[%swap3A_101, %swap3A_102], %swap3A_105 {strides = array<i32>} : memref<5x80xi32, #tpu.memory_space<vmem>>, vector<1x16xi32>,
    %get3A_106 = arith.constant 96 : index
    %get3A_107 = tpu.vector_load %arg5[%get3A_106] {strides = array<i32>} : memref<400xi32, #tpu.memory_space<vmem>>, vector<16xi32>,
    %get3A_108 = vector.shape_cast %get3A_107 : vector<16xi32> to vector<16xi32>
    %eq3A_109 = arith.constant 0 : i32
    %eq3A_110 = vector.broadcast %eq3A_109 : i32 to vector<16xi32>
    %eq3A_111 = arith.cmpi eq, %get3A_108, %eq3A_110 : vector<16xi32>
    %sub3A_112 = arith.constant 1 : i32
    %sub3A_113 = vector.broadcast %sub3A_112 : i32 to vector<16xi32>
    %sub3A_114 = arith.subi %get3A_108, %sub3A_113 : vector<16xi32>
    %jit3A_115 = arith.constant 999999 : i32
    %broadcast_in_dim3A_116 = vector.broadcast %jit3A_115 : i32 to vector<16xi32>
    %select_n3A_117 = arith.select %eq3A_111, %broadcast_in_dim3A_116, %sub3A_114 : vector<16xi1>, vector<16xi32>
    %swap3A_118 = arith.constant 1 : i32
    %swap3A_119 = arith.index_cast %swap3A_118 : i32 to index
    %swap3A_120 = arith.constant 16 : index
    %swap3A_121 = tpu.vector_load %arg6[%swap3A_119, %swap3A_120] {strides = array<i32>} : memref<5x80xi32, #tpu.memory_space<vmem>>, vector<1x16xi32>,
    %swap3A_122 = vector.shape_cast %swap3A_121 : vector<1x16xi32> to vector<16xi32>
    %swap3A_123 = vector.shape_cast %select_n3A_117 : vector<16xi32> to vector<1x16xi32>
    tpu.vector_store %arg6[%swap3A_119, %swap3A_120], %swap3A_123 {strides = array<i32>} : memref<5x80xi32, #tpu.memory_space<vmem>>, vector<1x16xi32>,
    %get3A_124 = arith.constant 112 : index
    %get3A_125 = tpu.vector_load %arg5[%get3A_124] {strides = array<i32>} : memref<400xi32, #tpu.memory_space<vmem>>, vector<16xi32>,
    %get3A_126 = vector.shape_cast %get3A_125 : vector<16xi32> to vector<16xi32>
    %eq3A_127 = arith.constant 0 : i32
    %eq3A_128 = vector.broadcast %eq3A_127 : i32 to vector<16xi32>
    %eq3A_129 = arith.cmpi eq, %get3A_126, %eq3A_128 : vector<16xi32>
    %sub3A_130 = arith.constant 1 : i32
    %sub3A_131 = vector.broadcast %sub3A_130 : i32 to vector<16xi32>
    %sub3A_132 = arith.subi %get3A_126, %sub3A_131 : vector<16xi32>
    %jit3A_133 = arith.constant 999999 : i32
    %broadcast_in_dim3A_134 = vector.broadcast %jit3A_133 : i32 to vector<16xi32>
    %select_n3A_135 = arith.select %eq3A_129, %broadcast_in_dim3A_134, %sub3A_132 : vector<16xi1>, vector<16xi32>
    %swap3A_136 = arith.constant 1 : i32
    %swap3A_137 = arith.index_cast %swap3A_136 : i32 to index
    %swap3A_138 = arith.constant 32 : index
    %swap3A_139 = tpu.vector_load %arg6[%swap3A_137, %swap3A_138] {strides = array<i32>} : memref<5x80xi32, #tpu.memory_space<vmem>>, vector<1x16xi32>,
    %swap3A_140 = vector.shape_cast %swap3A_139 : vector<1x16xi32> to vector<16xi32>
    %swap3A_141 = vector.shape_cast %select_n3A_135 : vector<16xi32> to vector<1x16xi32>
    tpu.vector_store %arg6[%swap3A_137, %swap3A_138], %swap3A_141 {strides = array<i32>} : memref<5x80xi32, #tpu.memory_space<vmem>>, vector<1x16xi32>,
    %get3A_142 = arith.constant 128 : index
    %get3A_143 = tpu.vector_load %arg5[%get3A_142] {strides = array<i32>} : memref<400xi32, #tpu.memory_space<vmem>>, vector<16xi32>,
    %get3A_144 = vector.shape_cast %get3A_143 : vector<16xi32> to vector<16xi32>
    %eq3A_145 = arith.constant 0 : i32
    %eq3A_146 = vector.broadcast %eq3A_145 : i32 to vector<16xi32>
    %eq3A_147 = arith.cmpi eq, %get3A_144, %eq3A_146 : vector<16xi32>
    %sub3A_148 = arith.constant 1 : i32
    %sub3A_149 = vector.broadcast %sub3A_148 : i32 to vector<16xi32>
    %sub3A_150 = arith.subi %get3A_144, %sub3A_149 : vector<16xi32>
    %jit3A_151 = arith.constant 999999 : i32
    %broadcast_in_dim3A_152 = vector.broadcast %jit3A_151 : i32 to vector<16xi32>
    %select_n3A_153 = arith.select %eq3A_147, %broadcast_in_dim3A_152, %sub3A_150 : vector<16xi1>, vector<16xi32>
    %swap3A_154 = arith.constant 1 : i32
    %swap3A_155 = arith.index_cast %swap3A_154 : i32 to index
    %swap3A_156 = arith.constant 48 : index
    %swap3A_157 = tpu.vector_load %arg6[%swap3A_155, %swap3A_156] {strides = array<i32>} : memref<5x80xi32, #tpu.memory_space<vmem>>, vector<1x16xi32>,
    %swap3A_158 = vector.shape_cast %swap3A_157 : vector<1x16xi32> to vector<16xi32>
    %swap3A_159 = vector.shape_cast %select_n3A_153 : vector<16xi32> to vector<1x16xi32>
    tpu.vector_store %arg6[%swap3A_155, %swap3A_156], %swap3A_159 {strides = array<i32>} : memref<5x80xi32, #tpu.memory_space<vmem>>, vector<1x16xi32>,
    %get3A_160 = arith.constant 144 : index
    %get3A_161 = tpu.vector_load %arg5[%get3A_160] {strides = array<i32>} : memref<400xi32, #tpu.memory_space<vmem>>, vector<16xi32>,
    %get3A_162 = vector.shape_cast %get3A_161 : vector<16xi32> to vector<16xi32>
    %eq3A_163 = arith.constant 0 : i32
    %eq3A_164 = vector.broadcast %eq3A_163 : i32 to vector<16xi32>
    %eq3A_165 = arith.cmpi eq, %get3A_162, %eq3A_164 : vector<16xi32>
    %sub3A_166 = arith.constant 1 : i32
    %sub3A_167 = vector.broadcast %sub3A_166 : i32 to vector<16xi32>
    %sub3A_168 = arith.subi %get3A_162, %sub3A_167 : vector<16xi32>
    %jit3A_169 = arith.constant 999999 : i32
    %broadcast_in_dim3A_170 = vector.broadcast %jit3A_169 : i32 to vector<16xi32>
    %select_n3A_171 = arith.select %eq3A_165, %broadcast_in_dim3A_170, %sub3A_168 : vector<16xi1>, vector<16xi32>
    %swap3A_172 = arith.constant 1 : i32
    %swap3A_173 = arith.index_cast %swap3A_172 : i32 to index
    %swap3A_174 = arith.constant 64 : index
    %swap3A_175 = tpu.vector_load %arg6[%swap3A_173, %swap3A_174] {strides = array<i32>} : memref<5x80xi32, #tpu.memory_space<vmem>>, vector<1x16xi32>,
    %swap3A_176 = vector.shape_cast %swap3A_175 : vector<1x16xi32> to vector<16xi32>
    %swap3A_177 = vector.shape_cast %select_n3A_171 : vector<16xi32> to vector<1x16xi32>
    tpu.vector_store %arg6[%swap3A_173, %swap3A_174], %swap3A_177 {strides = array<i32>} : memref<5x80xi32, #tpu.memory_space<vmem>>, vector<1x16xi32>,
    %get3A_178 = arith.constant 160 : index
    %get3A_179 = tpu.vector_load %arg5[%get3A_178] {strides = array<i32>} : memref<400xi32, #tpu.memory_space<vmem>>, vector<16xi32>,
    %get3A_180 = vector.shape_cast %get3A_179 : vector<16xi32> to vector<16xi32>
    %eq3A_181 = arith.constant 0 : i32
    %eq3A_182 = vector.broadcast %eq3A_181 : i32 to vector<16xi32>
    %eq3A_183 = arith.cmpi eq, %get3A_180, %eq3A_182 : vector<16xi32>
    %sub3A_184 = arith.constant 1 : i32
    %sub3A_185 = vector.broadcast %sub3A_184 : i32 to vector<16xi32>
    %sub3A_186 = arith.subi %get3A_180, %sub3A_185 : vector<16xi32>
    %jit3A_187 = arith.constant 999999 : i32
    %broadcast_in_dim3A_188 = vector.broadcast %jit3A_187 : i32 to vector<16xi32>
    %select_n3A_189 = arith.select %eq3A_183, %broadcast_in_dim3A_188, %sub3A_186 : vector<16xi1>, vector<16xi32>
    %swap3A_190 = arith.constant 2 : i32
    %swap3A_191 = arith.index_cast %swap3A_190 : i32 to index
    %swap3A_192 = arith.constant 0 : index
    %swap3A_193 = tpu.vector_load %arg6[%swap3A_191, %swap3A_192] {strides = array<i32>} : memref<5x80xi32, #tpu.memory_space<vmem>>, vector<1x16xi32>,
    %swap3A_194 = vector.shape_cast %swap3A_193 : vector<1x16xi32> to vector<16xi32>
    %swap3A_195 = vector.shape_cast %select_n3A_189 : vector<16xi32> to vector<1x16xi32>
    tpu.vector_store %arg6[%swap3A_191, %swap3A_192], %swap3A_195 {strides = array<i32>} : memref<5x80xi32, #tpu.memory_space<vmem>>, vector<1x16xi32>,
    %get3A_196 = arith.constant 176 : index
    %get3A_197 = tpu.vector_load %arg5[%get3A_196] {strides = array<i32>} : memref<400xi32, #tpu.memory_space<vmem>>, vector<16xi32>,
    %get3A_198 = vector.shape_cast %get3A_197 : vector<16xi32> to vector<16xi32>
    %eq3A_199 = arith.constant 0 : i32
    %eq3A_200 = vector.broadcast %eq3A_199 : i32 to vector<16xi32>
    %eq3A_201 = arith.cmpi eq, %get3A_198, %eq3A_200 : vector<16xi32>
    %sub3A_202 = arith.constant 1 : i32
    %sub3A_203 = vector.broadcast %sub3A_202 : i32 to vector<16xi32>
    %sub3A_204 = arith.subi %get3A_198, %sub3A_203 : vector<16xi32>
    %jit3A_205 = arith.constant 999999 : i32
    %broadcast_in_dim3A_206 = vector.broadcast %jit3A_205 : i32 to vector<16xi32>
    %select_n3A_207 = arith.select %eq3A_201, %broadcast_in_dim3A_206, %sub3A_204 : vector<16xi1>, vector<16xi32>
    %swap3A_208 = arith.constant 2 : i32
    %swap3A_209 = arith.index_cast %swap3A_208 : i32 to index
    %swap3A_210 = arith.constant 16 : index
    %swap3A_211 = tpu.vector_load %arg6[%swap3A_209, %swap3A_210] {strides = array<i32>} : memref<5x80xi32, #tpu.memory_space<vmem>>, vector<1x16xi32>,
    %swap3A_212 = vector.shape_cast %swap3A_211 : vector<1x16xi32> to vector<16xi32>
    %swap3A_213 = vector.shape_cast %select_n3A_207 : vector<16xi32> to vector<1x16xi32>
    tpu.vector_store %arg6[%swap3A_209, %swap3A_210], %swap3A_213 {strides = array<i32>} : memref<5x80xi32, #tpu.memory_space<vmem>>, vector<1x16xi32>,
    %get3A_214 = arith.constant 192 : index
    %get3A_215 = tpu.vector_load %arg5[%get3A_214] {strides = array<i32>} : memref<400xi32, #tpu.memory_space<vmem>>, vector<16xi32>,
    %get3A_216 = vector.shape_cast %get3A_215 : vector<16xi32> to vector<16xi32>
    %eq3A_217 = arith.constant 0 : i32
    %eq3A_218 = vector.broadcast %eq3A_217 : i32 to vector<16xi32>
    %eq3A_219 = arith.cmpi eq, %get3A_216, %eq3A_218 : vector<16xi32>
    %sub3A_220 = arith.constant 1 : i32
    %sub3A_221 = vector.broadcast %sub3A_220 : i32 to vector<16xi32>
    %sub3A_222 = arith.subi %get3A_216, %sub3A_221 : vector<16xi32>
    %jit3A_223 = arith.constant 999999 : i32
    %broadcast_in_dim3A_224 = vector.broadcast %jit3A_223 : i32 to vector<16xi32>
    %select_n3A_225 = arith.select %eq3A_219, %broadcast_in_dim3A_224, %sub3A_222 : vector<16xi1>, vector<16xi32>
    %swap3A_226 = arith.constant 2 : i32
    %swap3A_227 = arith.index_cast %swap3A_226 : i32 to index
    %swap3A_228 = arith.constant 32 : index
    %swap3A_229 = tpu.vector_load %arg6[%swap3A_227, %swap3A_228] {strides = array<i32>} : memref<5x80xi32, #tpu.memory_space<vmem>>, vector<1x16xi32>,
    %swap3A_230 = vector.shape_cast %swap3A_229 : vector<1x16xi32> to vector<16xi32>
    %swap3A_231 = vector.shape_cast %select_n3A_225 : vector<16xi32> to vector<1x16xi32>
    tpu.vector_store %arg6[%swap3A_227, %swap3A_228], %swap3A_231 {strides = array<i32>} : memref<5x80xi32, #tpu.memory_space<vmem>>, vector<1x16xi32>,
    %get3A_232 = arith.constant 208 : index
    %get3A_233 = tpu.vector_load %arg5[%get3A_232] {strides = array<i32>} : memref<400xi32, #tpu.memory_space<vmem>>, vector<16xi32>,
    %get3A_234 = vector.shape_cast %get3A_233 : vector<16xi32> to vector<16xi32>
    %eq3A_235 = arith.constant 0 : i32
    %eq3A_236 = vector.broadcast %eq3A_235 : i32 to vector<16xi32>
    %eq3A_237 = arith.cmpi eq, %get3A_234, %eq3A_236 : vector<16xi32>
    %sub3A_238 = arith.constant 1 : i32
    %sub3A_239 = vector.broadcast %sub3A_238 : i32 to vector<16xi32>
    %sub3A_240 = arith.subi %get3A_234, %sub3A_239 : vector<16xi32>
    %jit3A_241 = arith.constant 999999 : i32
    %broadcast_in_dim3A_242 = vector.broadcast %jit3A_241 : i32 to vector<16xi32>
    %select_n3A_243 = arith.select %eq3A_237, %broadcast_in_dim3A_242, %sub3A_240 : vector<16xi1>, vector<16xi32>
    %swap3A_244 = arith.constant 2 : i32
    %swap3A_245 = arith.index_cast %swap3A_244 : i32 to index
    %swap3A_246 = arith.constant 48 : index
    %swap3A_247 = tpu.vector_load %arg6[%swap3A_245, %swap3A_246] {strides = array<i32>} : memref<5x80xi32, #tpu.memory_space<vmem>>, vector<1x16xi32>,
    %swap3A_248 = vector.shape_cast %swap3A_247 : vector<1x16xi32> to vector<16xi32>
    %swap3A_249 = vector.shape_cast %select_n3A_243 : vector<16xi32> to vector<1x16xi32>
    tpu.vector_store %arg6[%swap3A_245, %swap3A_246], %swap3A_249 {strides = array<i32>} : memref<5x80xi32, #tpu.memory_space<vmem>>, vector<1x16xi32>,
    %get3A_250 = arith.constant 224 : index
    %get3A_251 = tpu.vector_load %arg5[%get3A_250] {strides = array<i32>} : memref<400xi32, #tpu.memory_space<vmem>>, vector<16xi32>,
    %get3A_252 = vector.shape_cast %get3A_251 : vector<16xi32> to vector<16xi32>
    %eq3A_253 = arith.constant 0 : i32
    %eq3A_254 = vector.broadcast %eq3A_253 : i32 to vector<16xi32>
    %eq3A_255 = arith.cmpi eq, %get3A_252, %eq3A_254 : vector<16xi32>
    %sub3A_256 = arith.constant 1 : i32
    %sub3A_257 = vector.broadcast %sub3A_256 : i32 to vector<16xi32>
    %sub3A_258 = arith.subi %get3A_252, %sub3A_257 : vector<16xi32>
    %jit3A_259 = arith.constant 999999 : i32
    %broadcast_in_dim3A_260 = vector.broadcast %jit3A_259 : i32 to vector<16xi32>
    %select_n3A_261 = arith.select %eq3A_255, %broadcast_in_dim3A_260, %sub3A_258 : vector<16xi1>, vector<16xi32>
    %swap3A_262 = arith.constant 2 : i32
    %swap3A_263 = arith.index_cast %swap3A_262 : i32 to index
    %swap3A_264 = arith.constant 64 : index
    %swap3A_265 = tpu.vector_load %arg6[%swap3A_263, %swap3A_264] {strides = array<i32>} : memref<5x80xi32, #tpu.memory_space<vmem>>, vector<1x16xi32>,
    %swap3A_266 = vector.shape_cast %swap3A_265 : vector<1x16xi32> to vector<16xi32>
    %swap3A_267 = vector.shape_cast %select_n3A_261 : vector<16xi32> to vector<1x16xi32>
    tpu.vector_store %arg6[%swap3A_263, %swap3A_264], %swap3A_267 {strides = array<i32>} : memref<5x80xi32, #tpu.memory_space<vmem>>, vector<1x16xi32>,
    %get3A_268 = arith.constant 240 : index
    %get3A_269 = tpu.vector_load %arg5[%get3A_268] {strides = array<i32>} : memref<400xi32, #tpu.memory_space<vmem>>, vector<16xi32>,
    %get3A_270 = vector.shape_cast %get3A_269 : vector<16xi32> to vector<16xi32>
    %eq3A_271 = arith.constant 0 : i32
    %eq3A_272 = vector.broadcast %eq3A_271 : i32 to vector<16xi32>
    %eq3A_273 = arith.cmpi eq, %get3A_270, %eq3A_272 : vector<16xi32>
    %sub3A_274 = arith.constant 1 : i32
    %sub3A_275 = vector.broadcast %sub3A_274 : i32 to vector<16xi32>
    %sub3A_276 = arith.subi %get3A_270, %sub3A_275 : vector<16xi32>
    %jit3A_277 = arith.constant 999999 : i32
    %broadcast_in_dim3A_278 = vector.broadcast %jit3A_277 : i32 to vector<16xi32>
    %select_n3A_279 = arith.select %eq3A_273, %broadcast_in_dim3A_278, %sub3A_276 : vector<16xi1>, vector<16xi32>
    %swap3A_280 = arith.constant 3 : i32
    %swap3A_281 = arith.index_cast %swap3A_280 : i32 to index
    %swap3A_282 = arith.constant 0 : index
    %swap3A_283 = tpu.vector_load %arg6[%swap3A_281, %swap3A_282] {strides = array<i32>} : memref<5x80xi32, #tpu.memory_space<vmem>>, vector<1x16xi32>,
    %swap3A_284 = vector.shape_cast %swap3A_283 : vector<1x16xi32> to vector<16xi32>
    %swap3A_285 = vector.shape_cast %select_n3A_279 : vector<16xi32> to vector<1x16xi32>
    tpu.vector_store %arg6[%swap3A_281, %swap3A_282], %swap3A_285 {strides = array<i32>} : memref<5x80xi32, #tpu.memory_space<vmem>>, vector<1x16xi32>,
    %get3A_286 = arith.constant 256 : index
    %get3A_287 = tpu.vector_load %arg5[%get3A_286] {strides = array<i32>} : memref<400xi32, #tpu.memory_space<vmem>>, vector<16xi32>,
    %get3A_288 = vector.shape_cast %get3A_287 : vector<16xi32> to vector<16xi32>
    %eq3A_289 = arith.constant 0 : i32
    %eq3A_290 = vector.broadcast %eq3A_289 : i32 to vector<16xi32>
    %eq3A_291 = arith.cmpi eq, %get3A_288, %eq3A_290 : vector<16xi32>
    %sub3A_292 = arith.constant 1 : i32
    %sub3A_293 = vector.broadcast %sub3A_292 : i32 to vector<16xi32>
    %sub3A_294 = arith.subi %get3A_288, %sub3A_293 : vector<16xi32>
    %jit3A_295 = arith.constant 999999 : i32
    %broadcast_in_dim3A_296 = vector.broadcast %jit3A_295 : i32 to vector<16xi32>
    %select_n3A_297 = arith.select %eq3A_291, %broadcast_in_dim3A_296, %sub3A_294 : vector<16xi1>, vector<16xi32>
    %swap3A_298 = arith.constant 3 : i32
    %swap3A_299 = arith.index_cast %swap3A_298 : i32 to index
    %swap3A_300 = arith.constant 16 : index
    %swap3A_301 = tpu.vector_load %arg6[%swap3A_299, %swap3A_300] {strides = array<i32>} : memref<5x80xi32, #tpu.memory_space<vmem>>, vector<1x16xi32>,
    %swap3A_302 = vector.shape_cast %swap3A_301 : vector<1x16xi32> to vector<16xi32>
    %swap3A_303 = vector.shape_cast %select_n3A_297 : vector<16xi32> to vector<1x16xi32>
    tpu.vector_store %arg6[%swap3A_299, %swap3A_300], %swap3A_303 {strides = array<i32>} : memref<5x80xi32, #tpu.memory_space<vmem>>, vector<1x16xi32>,
    %get3A_304 = arith.constant 272 : index
    %get3A_305 = tpu.vector_load %arg5[%get3A_304] {strides = array<i32>} : memref<400xi32, #tpu.memory_space<vmem>>, vector<16xi32>,
    %get3A_306 = vector.shape_cast %get3A_305 : vector<16xi32> to vector<16xi32>
    %eq3A_307 = arith.constant 0 : i32
    %eq3A_308 = vector.broadcast %eq3A_307 : i32 to vector<16xi32>
    %eq3A_309 = arith.cmpi eq, %get3A_306, %eq3A_308 : vector<16xi32>
    %sub3A_310 = arith.constant 1 : i32
    %sub3A_311 = vector.broadcast %sub3A_310 : i32 to vector<16xi32>
    %sub3A_312 = arith.subi %get3A_306, %sub3A_311 : vector<16xi32>
    %jit3A_313 = arith.constant 999999 : i32
    %broadcast_in_dim3A_314 = vector.broadcast %jit3A_313 : i32 to vector<16xi32>
    %select_n3A_315 = arith.select %eq3A_309, %broadcast_in_dim3A_314, %sub3A_312 : vector<16xi1>, vector<16xi32>
    %swap3A_316 = arith.constant 3 : i32
    %swap3A_317 = arith.index_cast %swap3A_316 : i32 to index
    %swap3A_318 = arith.constant 32 : index
    %swap3A_319 = tpu.vector_load %arg6[%swap3A_317, %swap3A_318] {strides = array<i32>} : memref<5x80xi32, #tpu.memory_space<vmem>>, vector<1x16xi32>,
    %swap3A_320 = vector.shape_cast %swap3A_319 : vector<1x16xi32> to vector<16xi32>
    %swap3A_321 = vector.shape_cast %select_n3A_315 : vector<16xi32> to vector<1x16xi32>
    tpu.vector_store %arg6[%swap3A_317, %swap3A_318], %swap3A_321 {strides = array<i32>} : memref<5x80xi32, #tpu.memory_space<vmem>>, vector<1x16xi32>,
    %get3A_322 = arith.constant 288 : index
    %get3A_323 = tpu.vector_load %arg5[%get3A_322] {strides = array<i32>} : memref<400xi32, #tpu.memory_space<vmem>>, vector<16xi32>,
    %get3A_324 = vector.shape_cast %get3A_323 : vector<16xi32> to vector<16xi32>
    %eq3A_325 = arith.constant 0 : i32
    %eq3A_326 = vector.broadcast %eq3A_325 : i32 to vector<16xi32>
    %eq3A_327 = arith.cmpi eq, %get3A_324, %eq3A_326 : vector<16xi32>
    %sub3A_328 = arith.constant 1 : i32
    %sub3A_329 = vector.broadcast %sub3A_328 : i32 to vector<16xi32>
    %sub3A_330 = arith.subi %get3A_324, %sub3A_329 : vector<16xi32>
    %jit3A_331 = arith.constant 999999 : i32
    %broadcast_in_dim3A_332 = vector.broadcast %jit3A_331 : i32 to vector<16xi32>
    %select_n3A_333 = arith.select %eq3A_327, %broadcast_in_dim3A_332, %sub3A_330 : vector<16xi1>, vector<16xi32>
    %swap3A_334 = arith.constant 3 : i32
    %swap3A_335 = arith.index_cast %swap3A_334 : i32 to index
    %swap3A_336 = arith.constant 48 : index
    %swap3A_337 = tpu.vector_load %arg6[%swap3A_335, %swap3A_336] {strides = array<i32>} : memref<5x80xi32, #tpu.memory_space<vmem>>, vector<1x16xi32>,
    %swap3A_338 = vector.shape_cast %swap3A_337 : vector<1x16xi32> to vector<16xi32>
    %swap3A_339 = vector.shape_cast %select_n3A_333 : vector<16xi32> to vector<1x16xi32>
    tpu.vector_store %arg6[%swap3A_335, %swap3A_336], %swap3A_339 {strides = array<i32>} : memref<5x80xi32, #tpu.memory_space<vmem>>, vector<1x16xi32>,
    %get3A_340 = arith.constant 304 : index
    %get3A_341 = tpu.vector_load %arg5[%get3A_340] {strides = array<i32>} : memref<400xi32, #tpu.memory_space<vmem>>, vector<16xi32>,
    %get3A_342 = vector.shape_cast %get3A_341 : vector<16xi32> to vector<16xi32>
    %eq3A_343 = arith.constant 0 : i32
    %eq3A_344 = vector.broadcast %eq3A_343 : i32 to vector<16xi32>
    %eq3A_345 = arith.cmpi eq, %get3A_342, %eq3A_344 : vector<16xi32>
    %sub3A_346 = arith.constant 1 : i32
    %sub3A_347 = vector.broadcast %sub3A_346 : i32 to vector<16xi32>
    %sub3A_348 = arith.subi %get3A_342, %sub3A_347 : vector<16xi32>
    %jit3A_349 = arith.constant 999999 : i32
    %broadcast_in_dim3A_350 = vector.broadcast %jit3A_349 : i32 to vector<16xi32>
    %select_n3A_351 = arith.select %eq3A_345, %broadcast_in_dim3A_350, %sub3A_348 : vector<16xi1>, vector<16xi32>
    %swap3A_352 = arith.constant 3 : i32
    %swap3A_353 = arith.index_cast %swap3A_352 : i32 to index
    %swap3A_354 = arith.constant 64 : index
    %swap3A_355 = tpu.vector_load %arg6[%swap3A_353, %swap3A_354] {strides = array<i32>} : memref<5x80xi32, #tpu.memory_space<vmem>>, vector<1x16xi32>,
    %swap3A_356 = vector.shape_cast %swap3A_355 : vector<1x16xi32> to vector<16xi32>
    %swap3A_357 = vector.shape_cast %select_n3A_351 : vector<16xi32> to vector<1x16xi32>
    tpu.vector_store %arg6[%swap3A_353, %swap3A_354], %swap3A_357 {strides = array<i32>} : memref<5x80xi32, #tpu.memory_space<vmem>>, vector<1x16xi32>,
    %get3A_358 = arith.constant 320 : index
    %get3A_359 = tpu.vector_load %arg5[%get3A_358] {strides = array<i32>} : memref<400xi32, #tpu.memory_space<vmem>>, vector<16xi32>,
    %get3A_360 = vector.shape_cast %get3A_359 : vector<16xi32> to vector<16xi32>
    %eq3A_361 = arith.constant 0 : i32
    %eq3A_362 = vector.broadcast %eq3A_361 : i32 to vector<16xi32>
    %eq3A_363 = arith.cmpi eq, %get3A_360, %eq3A_362 : vector<16xi32>
    %sub3A_364 = arith.constant 1 : i32
    %sub3A_365 = vector.broadcast %sub3A_364 : i32 to vector<16xi32>
    %sub3A_366 = arith.subi %get3A_360, %sub3A_365 : vector<16xi32>
    %jit3A_367 = arith.constant 999999 : i32
    %broadcast_in_dim3A_368 = vector.broadcast %jit3A_367 : i32 to vector<16xi32>
    %select_n3A_369 = arith.select %eq3A_363, %broadcast_in_dim3A_368, %sub3A_366 : vector<16xi1>, vector<16xi32>
    %swap3A_370 = arith.constant 4 : i32
    %swap3A_371 = arith.index_cast %swap3A_370 : i32 to index
    %swap3A_372 = arith.constant 0 : index
    %swap3A_373 = tpu.vector_load %arg6[%swap3A_371, %swap3A_372] {strides = array<i32>} : memref<5x80xi32, #tpu.memory_space<vmem>>, vector<1x16xi32>,
    %swap3A_374 = vector.shape_cast %swap3A_373 : vector<1x16xi32> to vector<16xi32>
    %swap3A_375 = vector.shape_cast %select_n3A_369 : vector<16xi32> to vector<1x16xi32>
    tpu.vector_store %arg6[%swap3A_371, %swap3A_372], %swap3A_375 {strides = array<i32>} : memref<5x80xi32, #tpu.memory_space<vmem>>, vector<1x16xi32>,
    %get3A_376 = arith.constant 336 : index
    %get3A_377 = tpu.vector_load %arg5[%get3A_376] {strides = array<i32>} : memref<400xi32, #tpu.memory_space<vmem>>, vector<16xi32>,
    %get3A_378 = vector.shape_cast %get3A_377 : vector<16xi32> to vector<16xi32>
    %eq3A_379 = arith.constant 0 : i32
    %eq3A_380 = vector.broadcast %eq3A_379 : i32 to vector<16xi32>
    %eq3A_381 = arith.cmpi eq, %get3A_378, %eq3A_380 : vector<16xi32>
    %sub3A_382 = arith.constant 1 : i32
    %sub3A_383 = vector.broadcast %sub3A_382 : i32 to vector<16xi32>
    %sub3A_384 = arith.subi %get3A_378, %sub3A_383 : vector<16xi32>
    %jit3A_385 = arith.constant 999999 : i32
    %broadcast_in_dim3A_386 = vector.broadcast %jit3A_385 : i32 to vector<16xi32>
    %select_n3A_387 = arith.select %eq3A_381, %broadcast_in_dim3A_386, %sub3A_384 : vector<16xi1>, vector<16xi32>
    %swap3A_388 = arith.constant 4 : i32
    %swap3A_389 = arith.index_cast %swap3A_388 : i32 to index
    %swap3A_390 = arith.constant 16 : index
    %swap3A_391 = tpu.vector_load %arg6[%swap3A_389, %swap3A_390] {strides = array<i32>} : memref<5x80xi32, #tpu.memory_space<vmem>>, vector<1x16xi32>,
    %swap3A_392 = vector.shape_cast %swap3A_391 : vector<1x16xi32> to vector<16xi32>
    %swap3A_393 = vector.shape_cast %select_n3A_387 : vector<16xi32> to vector<1x16xi32>
    tpu.vector_store %arg6[%swap3A_389, %swap3A_390], %swap3A_393 {strides = array<i32>} : memref<5x80xi32, #tpu.memory_space<vmem>>, vector<1x16xi32>,
    %get3A_394 = arith.constant 352 : index
    %get3A_395 = tpu.vector_load %arg5[%get3A_394] {strides = array<i32>} : memref<400xi32, #tpu.memory_space<vmem>>, vector<16xi32>,
    %get3A_396 = vector.shape_cast %get3A_395 : vector<16xi32> to vector<16xi32>
    %eq3A_397 = arith.constant 0 : i32
    %eq3A_398 = vector.broadcast %eq3A_397 : i32 to vector<16xi32>
    %eq3A_399 = arith.cmpi eq, %get3A_396, %eq3A_398 : vector<16xi32>
    %sub3A_400 = arith.constant 1 : i32
    %sub3A_401 = vector.broadcast %sub3A_400 : i32 to vector<16xi32>
    %sub3A_402 = arith.subi %get3A_396, %sub3A_401 : vector<16xi32>
    %jit3A_403 = arith.constant 999999 : i32
    %broadcast_in_dim3A_404 = vector.broadcast %jit3A_403 : i32 to vector<16xi32>
    %select_n3A_405 = arith.select %eq3A_399, %broadcast_in_dim3A_404, %sub3A_402 : vector<16xi1>, vector<16xi32>
    %swap3A_406 = arith.constant 4 : i32
    %swap3A_407 = arith.index_cast %swap3A_406 : i32 to index
    %swap3A_408 = arith.constant 32 : index
    %swap3A_409 = tpu.vector_load %arg6[%swap3A_407, %swap3A_408] {strides = array<i32>} : memref<5x80xi32, #tpu.memory_space<vmem>>, vector<1x16xi32>,
    %swap3A_410 = vector.shape_cast %swap3A_409 : vector<1x16xi32> to vector<16xi32>
    %swap3A_411 = vector.shape_cast %select_n3A_405 : vector<16xi32> to vector<1x16xi32>
    tpu.vector_store %arg6[%swap3A_407, %swap3A_408], %swap3A_411 {strides = array<i32>} : memref<5x80xi32, #tpu.memory_space<vmem>>, vector<1x16xi32>,
    %get3A_412 = arith.constant 368 : index
    %get3A_413 = tpu.vector_load %arg5[%get3A_412] {strides = array<i32>} : memref<400xi32, #tpu.memory_space<vmem>>, vector<16xi32>,
    %get3A_414 = vector.shape_cast %get3A_413 : vector<16xi32> to vector<16xi32>
    %eq3A_415 = arith.constant 0 : i32
    %eq3A_416 = vector.broadcast %eq3A_415 : i32 to vector<16xi32>
    %eq3A_417 = arith.cmpi eq, %get3A_414, %eq3A_416 : vector<16xi32>
    %sub3A_418 = arith.constant 1 : i32
    %sub3A_419 = vector.broadcast %sub3A_418 : i32 to vector<16xi32>
    %sub3A_420 = arith.subi %get3A_414, %sub3A_419 : vector<16xi32>
    %jit3A_421 = arith.constant 999999 : i32
    %broadcast_in_dim3A_422 = vector.broadcast %jit3A_421 : i32 to vector<16xi32>
    %select_n3A_423 = arith.select %eq3A_417, %broadcast_in_dim3A_422, %sub3A_420 : vector<16xi1>, vector<16xi32>
    %swap3A_424 = arith.constant 4 : i32
    %swap3A_425 = arith.index_cast %swap3A_424 : i32 to index
    %swap3A_426 = arith.constant 48 : index
    %swap3A_427 = tpu.vector_load %arg6[%swap3A_425, %swap3A_426] {strides = array<i32>} : memref<5x80xi32, #tpu.memory_space<vmem>>, vector<1x16xi32>,
    %swap3A_428 = vector.shape_cast %swap3A_427 : vector<1x16xi32> to vector<16xi32>
    %swap3A_429 = vector.shape_cast %select_n3A_423 : vector<16xi32> to vector<1x16xi32>
    tpu.vector_store %arg6[%swap3A_425, %swap3A_426], %swap3A_429 {strides = array<i32>} : memref<5x80xi32, #tpu.memory_space<vmem>>, vector<1x16xi32>,
    %get3A_430 = arith.constant 384 : index
    %get3A_431 = tpu.vector_load %arg5[%get3A_430] {strides = array<i32>} : memref<400xi32, #tpu.memory_space<vmem>>, vector<16xi32>,
    %get3A_432 = vector.shape_cast %get3A_431 : vector<16xi32> to vector<16xi32>
    %eq3A_433 = arith.constant 0 : i32
    %eq3A_434 = vector.broadcast %eq3A_433 : i32 to vector<16xi32>
    %eq3A_435 = arith.cmpi eq, %get3A_432, %eq3A_434 : vector<16xi32>
    %sub3A_436 = arith.constant 1 : i32
    %sub3A_437 = vector.broadcast %sub3A_436 : i32 to vector<16xi32>
    %sub3A_438 = arith.subi %get3A_432, %sub3A_437 : vector<16xi32>
    %jit3A_439 = arith.constant 999999 : i32
    %broadcast_in_dim3A_440 = vector.broadcast %jit3A_439 : i32 to vector<16xi32>
    %select_n3A_441 = arith.select %eq3A_435, %broadcast_in_dim3A_440, %sub3A_438 : vector<16xi1>, vector<16xi32>
    %swap3A_442 = arith.constant 4 : i32
    %swap3A_443 = arith.index_cast %swap3A_442 : i32 to index
    %swap3A_444 = arith.constant 64 : index
    %swap3A_445 = tpu.vector_load %arg6[%swap3A_443, %swap3A_444] {strides = array<i32>} : memref<5x80xi32, #tpu.memory_space<vmem>>, vector<1x16xi32>,
    %swap3A_446 = vector.shape_cast %swap3A_445 : vector<1x16xi32> to vector<16xi32>
    %swap3A_447 = vector.shape_cast %select_n3A_441 : vector<16xi32> to vector<1x16xi32>
    tpu.vector_store %arg6[%swap3A_443, %swap3A_444], %swap3A_447 {strides = array<i32>} : memref<5x80xi32, #tpu.memory_space<vmem>>, vector<1x16xi32>,
    %dma_start3A = arith.constant 0 : i32
    %dma_start3A_448 = arith.constant 0 : i32
    %dma_start3A_449 = arith.constant 0 : i32
    %dma_start3A_450 = tpu.memref_slice %arg7[%dma_start3A_448, %dma_start3A_449] : memref<400x64xf32, #tpu.memory_space<vmem>> -> memref<80x64xf32, #tpu.memory_space<vmem>>
    %dma_start3A_451 = arith.constant 0 : i32
    %dma_start3A_452 = tpu.memref_slice %arg6[%dma_start3A, %dma_start3A_451] : memref<5x80xi32, #tpu.memory_space<vmem>> -> memref<1x80xi32, #tpu.memory_space<vmem>>
    %dma_start3A_453 = tpu.memref_squeeze %dma_start3A_452 : memref<1x80xi32, #tpu.memory_space<vmem>> -> memref<80xi32, #tpu.memory_space<vmem>>
    %dma_start3A_454 = arith.constant 0 : i32
    %dma_start3A_455 = arith.constant 0 : i32
    %dma_start3A_456 = tpu.memref_slice %arg2[%dma_start3A_454, %dma_start3A_455] : memref<1000000x64xf32, #tpu.memory_space<hbm>> -> memref<1000000x64xf32, #tpu.memory_space<hbm>>
    tpu.enqueue_indirect_dma source(%dma_start3A_456 : memref<1000000x64xf32, #tpu.memory_space<hbm>>) target(%dma_start3A_450 : memref<80x64xf32, #tpu.memory_space<vmem>>) offsets(%dma_start3A_453 : memref<80xi32, #tpu.memory_space<vmem>>) semaphore(%arg10 : memref<!tpu.dma_semaphore, #tpu.memory_space<semaphore_mem>>)
    %dma_start3A_457 = arith.constant 1 : i32
    %dma_start3A_458 = arith.constant 80 : i32
    %dma_start3A_459 = arith.constant 0 : i32
    %dma_start3A_460 = tpu.memref_slice %arg7[%dma_start3A_458, %dma_start3A_459] : memref<400x64xf32, #tpu.memory_space<vmem>> -> memref<80x64xf32, #tpu.memory_space<vmem>>
    %dma_start3A_461 = arith.constant 0 : i32
    %dma_start3A_462 = tpu.memref_slice %arg6[%dma_start3A_457, %dma_start3A_461] : memref<5x80xi32, #tpu.memory_space<vmem>> -> memref<1x80xi32, #tpu.memory_space<vmem>>
    %dma_start3A_463 = tpu.memref_squeeze %dma_start3A_462 : memref<1x80xi32, #tpu.memory_space<vmem>> -> memref<80xi32, #tpu.memory_space<vmem>>
    %dma_start3A_464 = arith.constant 0 : i32
    %dma_start3A_465 = arith.constant 0 : i32
    %dma_start3A_466 = tpu.memref_slice %arg2[%dma_start3A_464, %dma_start3A_465] : memref<1000000x64xf32, #tpu.memory_space<hbm>> -> memref<1000000x64xf32, #tpu.memory_space<hbm>>
    tpu.enqueue_indirect_dma source(%dma_start3A_466 : memref<1000000x64xf32, #tpu.memory_space<hbm>>) target(%dma_start3A_460 : memref<80x64xf32, #tpu.memory_space<vmem>>) offsets(%dma_start3A_463 : memref<80xi32, #tpu.memory_space<vmem>>) semaphore(%arg10 : memref<!tpu.dma_semaphore, #tpu.memory_space<semaphore_mem>>)
    %dma_start3A_467 = arith.constant 2 : i32
    %dma_start3A_468 = arith.constant 160 : i32
    %dma_start3A_469 = arith.constant 0 : i32
    %dma_start3A_470 = tpu.memref_slice %arg7[%dma_start3A_468, %dma_start3A_469] : memref<400x64xf32, #tpu.memory_space<vmem>> -> memref<80x64xf32, #tpu.memory_space<vmem>>
    %dma_start3A_471 = arith.constant 0 : i32
    %dma_start3A_472 = tpu.memref_slice %arg6[%dma_start3A_467, %dma_start3A_471] : memref<5x80xi32, #tpu.memory_space<vmem>> -> memref<1x80xi32, #tpu.memory_space<vmem>>
    %dma_start3A_473 = tpu.memref_squeeze %dma_start3A_472 : memref<1x80xi32, #tpu.memory_space<vmem>> -> memref<80xi32, #tpu.memory_space<vmem>>
    %dma_start3A_474 = arith.constant 0 : i32
    %dma_start3A_475 = arith.constant 0 : i32
    %dma_start3A_476 = tpu.memref_slice %arg2[%dma_start3A_474, %dma_start3A_475] : memref<1000000x64xf32, #tpu.memory_space<hbm>> -> memref<1000000x64xf32, #tpu.memory_space<hbm>>
    tpu.enqueue_indirect_dma source(%dma_start3A_476 : memref<1000000x64xf32, #tpu.memory_space<hbm>>) target(%dma_start3A_470 : memref<80x64xf32, #tpu.memory_space<vmem>>) offsets(%dma_start3A_473 : memref<80xi32, #tpu.memory_space<vmem>>) semaphore(%arg10 : memref<!tpu.dma_semaphore, #tpu.memory_space<semaphore_mem>>)
    %dma_start3A_477 = arith.constant 3 : i32
    %dma_start3A_478 = arith.constant 240 : i32
    %dma_start3A_479 = arith.constant 0 : i32
    %dma_start3A_480 = tpu.memref_slice %arg7[%dma_start3A_478, %dma_start3A_479] : memref<400x64xf32, #tpu.memory_space<vmem>> -> memref<80x64xf32, #tpu.memory_space<vmem>>
    %dma_start3A_481 = arith.constant 0 : i32
    %dma_start3A_482 = tpu.memref_slice %arg6[%dma_start3A_477, %dma_start3A_481] : memref<5x80xi32, #tpu.memory_space<vmem>> -> memref<1x80xi32, #tpu.memory_space<vmem>>
    %dma_start3A_483 = tpu.memref_squeeze %dma_start3A_482 : memref<1x80xi32, #tpu.memory_space<vmem>> -> memref<80xi32, #tpu.memory_space<vmem>>
    %dma_start3A_484 = arith.constant 0 : i32
    %dma_start3A_485 = arith.constant 0 : i32
    %dma_start3A_486 = tpu.memref_slice %arg2[%dma_start3A_484, %dma_start3A_485] : memref<1000000x64xf32, #tpu.memory_space<hbm>> -> memref<1000000x64xf32, #tpu.memory_space<hbm>>
    tpu.enqueue_indirect_dma source(%dma_start3A_486 : memref<1000000x64xf32, #tpu.memory_space<hbm>>) target(%dma_start3A_480 : memref<80x64xf32, #tpu.memory_space<vmem>>) offsets(%dma_start3A_483 : memref<80xi32, #tpu.memory_space<vmem>>) semaphore(%arg10 : memref<!tpu.dma_semaphore, #tpu.memory_space<semaphore_mem>>)
    %dma_start3A_487 = arith.constant 4 : i32
    %dma_start3A_488 = arith.constant 320 : i32
    %dma_start3A_489 = arith.constant 0 : i32
    %dma_start3A_490 = tpu.memref_slice %arg7[%dma_start3A_488, %dma_start3A_489] : memref<400x64xf32, #tpu.memory_space<vmem>> -> memref<80x64xf32, #tpu.memory_space<vmem>>
    %dma_start3A_491 = arith.constant 0 : i32
    %dma_start3A_492 = tpu.memref_slice %arg6[%dma_start3A_487, %dma_start3A_491] : memref<5x80xi32, #tpu.memory_space<vmem>> -> memref<1x80xi32, #tpu.memory_space<vmem>>
    %dma_start3A_493 = tpu.memref_squeeze %dma_start3A_492 : memref<1x80xi32, #tpu.memory_space<vmem>> -> memref<80xi32, #tpu.memory_space<vmem>>
    %dma_start3A_494 = arith.constant 0 : i32
    %dma_start3A_495 = arith.constant 0 : i32
    %dma_start3A_496 = tpu.memref_slice %arg2[%dma_start3A_494, %dma_start3A_495] : memref<1000000x64xf32, #tpu.memory_space<hbm>> -> memref<1000000x64xf32, #tpu.memory_space<hbm>>
    tpu.enqueue_indirect_dma source(%dma_start3A_496 : memref<1000000x64xf32, #tpu.memory_space<hbm>>) target(%dma_start3A_490 : memref<80x64xf32, #tpu.memory_space<vmem>>) offsets(%dma_start3A_493 : memref<80xi32, #tpu.memory_space<vmem>>) semaphore(%arg10 : memref<!tpu.dma_semaphore, #tpu.memory_space<semaphore_mem>>)
    %dma_wait3A = arith.constant 0 : i32
    %dma_wait3A_497 = arith.constant 0 : i32
    %dma_wait3A_498 = arith.constant 0 : i32
    %dma_wait3A_499 = tpu.memref_slice %arg7[%dma_wait3A_497, %dma_wait3A_498] : memref<400x64xf32, #tpu.memory_space<vmem>> -> memref<80x64xf32, #tpu.memory_space<vmem>>
    %dma_wait3A_500 = arith.constant 0 : i32
    %dma_wait3A_501 = tpu.memref_slice %arg6[%dma_wait3A, %dma_wait3A_500] : memref<5x80xi32, #tpu.memory_space<vmem>> -> memref<1x80xi32, #tpu.memory_space<vmem>>
    %dma_wait3A_502 = tpu.memref_squeeze %dma_wait3A_501 : memref<1x80xi32, #tpu.memory_space<vmem>> -> memref<80xi32, #tpu.memory_space<vmem>>
    %dma_wait3A_503 = arith.constant 0 : i32
    %dma_wait3A_504 = arith.constant 0 : i32
    %dma_wait3A_505 = tpu.memref_slice %arg2[%dma_wait3A_503, %dma_wait3A_504] : memref<1000000x64xf32, #tpu.memory_space<hbm>> -> memref<1000000x64xf32, #tpu.memory_space<hbm>>
    tpu.wait_indirect_dma semaphore(%arg10 : memref<!tpu.dma_semaphore, #tpu.memory_space<semaphore_mem>>) src(%dma_wait3A_505 : memref<1000000x64xf32, #tpu.memory_space<hbm>>) dst(%dma_wait3A_499 : memref<80x64xf32, #tpu.memory_space<vmem>>)
    %dma_wait3A_506 = arith.constant 1 : i32
    %dma_wait3A_507 = arith.constant 80 : i32
    %dma_wait3A_508 = arith.constant 0 : i32
    %dma_wait3A_509 = tpu.memref_slice %arg7[%dma_wait3A_507, %dma_wait3A_508] : memref<400x64xf32, #tpu.memory_space<vmem>> -> memref<80x64xf32, #tpu.memory_space<vmem>>
    %dma_wait3A_510 = arith.constant 0 : i32
    %dma_wait3A_511 = tpu.memref_slice %arg6[%dma_wait3A_506, %dma_wait3A_510] : memref<5x80xi32, #tpu.memory_space<vmem>> -> memref<1x80xi32, #tpu.memory_space<vmem>>
    %dma_wait3A_512 = tpu.memref_squeeze %dma_wait3A_511 : memref<1x80xi32, #tpu.memory_space<vmem>> -> memref<80xi32, #tpu.memory_space<vmem>>
    %dma_wait3A_513 = arith.constant 0 : i32
    %dma_wait3A_514 = arith.constant 0 : i32
    %dma_wait3A_515 = tpu.memref_slice %arg2[%dma_wait3A_513, %dma_wait3A_514] : memref<1000000x64xf32, #tpu.memory_space<hbm>> -> memref<1000000x64xf32, #tpu.memory_space<hbm>>
    tpu.wait_indirect_dma semaphore(%arg10 : memref<!tpu.dma_semaphore, #tpu.memory_space<semaphore_mem>>) src(%dma_wait3A_515 : memref<1000000x64xf32, #tpu.memory_space<hbm>>) dst(%dma_wait3A_509 : memref<80x64xf32, #tpu.memory_space<vmem>>)
    %dma_wait3A_516 = arith.constant 2 : i32
    %dma_wait3A_517 = arith.constant 160 : i32
    %dma_wait3A_518 = arith.constant 0 : i32
    %dma_wait3A_519 = tpu.memref_slice %arg7[%dma_wait3A_517, %dma_wait3A_518] : memref<400x64xf32, #tpu.memory_space<vmem>> -> memref<80x64xf32, #tpu.memory_space<vmem>>
    %dma_wait3A_520 = arith.constant 0 : i32
    %dma_wait3A_521 = tpu.memref_slice %arg6[%dma_wait3A_516, %dma_wait3A_520] : memref<5x80xi32, #tpu.memory_space<vmem>> -> memref<1x80xi32, #tpu.memory_space<vmem>>
    %dma_wait3A_522 = tpu.memref_squeeze %dma_wait3A_521 : memref<1x80xi32, #tpu.memory_space<vmem>> -> memref<80xi32, #tpu.memory_space<vmem>>
    %dma_wait3A_523 = arith.constant 0 : i32
    %dma_wait3A_524 = arith.constant 0 : i32
    %dma_wait3A_525 = tpu.memref_slice %arg2[%dma_wait3A_523, %dma_wait3A_524] : memref<1000000x64xf32, #tpu.memory_space<hbm>> -> memref<1000000x64xf32, #tpu.memory_space<hbm>>
    tpu.wait_indirect_dma semaphore(%arg10 : memref<!tpu.dma_semaphore, #tpu.memory_space<semaphore_mem>>) src(%dma_wait3A_525 : memref<1000000x64xf32, #tpu.memory_space<hbm>>) dst(%dma_wait3A_519 : memref<80x64xf32, #tpu.memory_space<vmem>>)
    %dma_wait3A_526 = arith.constant 3 : i32
    %dma_wait3A_527 = arith.constant 240 : i32
    %dma_wait3A_528 = arith.constant 0 : i32
    %dma_wait3A_529 = tpu.memref_slice %arg7[%dma_wait3A_527, %dma_wait3A_528] : memref<400x64xf32, #tpu.memory_space<vmem>> -> memref<80x64xf32, #tpu.memory_space<vmem>>
    %dma_wait3A_530 = arith.constant 0 : i32
    %dma_wait3A_531 = tpu.memref_slice %arg6[%dma_wait3A_526, %dma_wait3A_530] : memref<5x80xi32, #tpu.memory_space<vmem>> -> memref<1x80xi32, #tpu.memory_space<vmem>>
    %dma_wait3A_532 = tpu.memref_squeeze %dma_wait3A_531 : memref<1x80xi32, #tpu.memory_space<vmem>> -> memref<80xi32, #tpu.memory_space<vmem>>
    %dma_wait3A_533 = arith.constant 0 : i32
    %dma_wait3A_534 = arith.constant 0 : i32
    %dma_wait3A_535 = tpu.memref_slice %arg2[%dma_wait3A_533, %dma_wait3A_534] : memref<1000000x64xf32, #tpu.memory_space<hbm>> -> memref<1000000x64xf32, #tpu.memory_space<hbm>>
    tpu.wait_indirect_dma semaphore(%arg10 : memref<!tpu.dma_semaphore, #tpu.memory_space<semaphore_mem>>) src(%dma_wait3A_535 : memref<1000000x64xf32, #tpu.memory_space<hbm>>) dst(%dma_wait3A_529 : memref<80x64xf32, #tpu.memory_space<vmem>>)
    %dma_wait3A_536 = arith.constant 4 : i32
    %dma_wait3A_537 = arith.constant 320 : i32
    %dma_wait3A_538 = arith.constant 0 : i32
    %dma_wait3A_539 = tpu.memref_slice %arg7[%dma_wait3A_537, %dma_wait3A_538] : memref<400x64xf32, #tpu.memory_space<vmem>> -> memref<80x64xf32, #tpu.memory_space<vmem>>
    %dma_wait3A_540 = arith.constant 0 : i32
    %dma_wait3A_541 = tpu.memref_slice %arg6[%dma_wait3A_536, %dma_wait3A_540] : memref<5x80xi32, #tpu.memory_space<vmem>> -> memref<1x80xi32, #tpu.memory_space<vmem>>
    %dma_wait3A_542 = tpu.memref_squeeze %dma_wait3A_541 : memref<1x80xi32, #tpu.memory_space<vmem>> -> memref<80xi32, #tpu.memory_space<vmem>>
    %dma_wait3A_543 = arith.constant 0 : i32
    %dma_wait3A_544 = arith.constant 0 : i32
    %dma_wait3A_545 = tpu.memref_slice %arg2[%dma_wait3A_543, %dma_wait3A_544] : memref<1000000x64xf32, #tpu.memory_space<hbm>> -> memref<1000000x64xf32, #tpu.memory_space<hbm>>
    tpu.wait_indirect_dma semaphore(%arg10 : memref<!tpu.dma_semaphore, #tpu.memory_space<semaphore_mem>>) src(%dma_wait3A_545 : memref<1000000x64xf32, #tpu.memory_space<hbm>>) dst(%dma_wait3A_539 : memref<80x64xf32, #tpu.memory_space<vmem>>)
    %scan3A = arith.constant 0 : i32
    %scan3A_546 = arith.constant 0 : i32
    %scan3A_547 = arith.constant 63 : i32
    %scan3A_548 = arith.addi %scan3A_546, %scan3A_547 : i32
    %scan3A_549 = arith.constant 1 : i32
    scf.for %scan3A_561 = %scan3A_546 to %scan3A_548 step %scan3A_549  : i32 {
      %rem3A = arith.constant 2 : i32
      %rem3A_562 = arith.remsi %scan3A_561, %rem3A : i32
      %eq3A_563 = arith.constant 0 : i32
      %eq3A_564 = arith.cmpi eq, %rem3A_562, %eq3A_563 : i32
      %convert_element_type3A = arith.extui %eq3A_564 : i1 to i32
      %cond3A = arith.constant 0 : i32
      %cond3A_565 = arith.cmpi ne, %convert_element_type3A, %cond3A : i32
      scf.if %cond3A_565 {
        %mul3A_571 = arith.constant 400 : i32
        %mul3A_572 = arith.muli %scan3A_561, %mul3A_571 : i32
        %add3A_573 = arith.addi %mul3A_2, %mul3A_572 : i32
        %dma_start3A_574 = arith.constant 0 : i32
        %dma_start3A_575 = tpu.memref_slice %arg4[%add3A_573, %dma_start3A_574] : memref<819200x64xf32, #tpu.memory_space<hbm>> -> memref<400x64xf32, #tpu.memory_space<hbm>>
        %dma_start3A_576 = arith.constant 0 : i32
        %dma_start3A_577 = tpu.memref_slice %arg4[%add3A_573, %dma_start3A_576] : memref<819200x64xf32, #tpu.memory_space<hbm>> -> memref<400x64xf32, #tpu.memory_space<hbm>>
        tpu.enqueue_dma source(%arg7 : memref<400x64xf32, #tpu.memory_space<vmem>>) target(%dma_start3A_577 : memref<400x64xf32, #tpu.memory_space<hbm>>) target_semaphore(%arg11 : memref<!tpu.dma_semaphore, #tpu.memory_space<semaphore_mem>>)
        %add3A_578 = arith.constant 1 : i32
        %add3A_579 = arith.addi %scan3A_561, %add3A_578 : i32
        %mul3A_580 = arith.constant 400 : i32
        %mul3A_581 = arith.muli %add3A_579, %mul3A_580 : i32
        %add3A_582 = arith.addi %mul3A_2, %mul3A_581 : i32
        "tpu.region"() ({
          %run_scoped3A = tpu.sem_alloc : memref<!tpu.dma_semaphore, #tpu.memory_space<semaphore_mem>>
          %dma_start3A_1137 = tpu.memref_slice %arg3[%add3A_582] : memref<819200xi32, #tpu.memory_space<hbm>> -> memref<400xi32, #tpu.memory_space<hbm>>
          %dma_start3A_1138 = tpu.memref_slice %arg3[%add3A_582] : memref<819200xi32, #tpu.memory_space<hbm>> -> memref<400xi32, #tpu.memory_space<hbm>>
          tpu.enqueue_dma source(%dma_start3A_1138 : memref<400xi32, #tpu.memory_space<hbm>>) target(%arg5 : memref<400xi32, #tpu.memory_space<vmem>>) target_semaphore(%run_scoped3A : memref<!tpu.dma_semaphore, #tpu.memory_space<semaphore_mem>>)
          %dma_wait3A_1139 = tpu.memref_slice %arg3[%add3A_582] : memref<819200xi32, #tpu.memory_space<hbm>> -> memref<400xi32, #tpu.memory_space<hbm>>
          %dma_wait3A_1140 = tpu.memref_slice %arg3[%add3A_582] : memref<819200xi32, #tpu.memory_space<hbm>> -> memref<400xi32, #tpu.memory_space<hbm>>
          tpu.wait_dma2 semaphore(%run_scoped3A : memref<!tpu.dma_semaphore, #tpu.memory_space<semaphore_mem>>) src(%dma_wait3A_1140 : memref<400xi32, #tpu.memory_space<hbm>>) dst(%arg5 : memref<400xi32, #tpu.memory_space<vmem>>)
          tpu.yield
        }) : () -> ()
        %get3A_583 = arith.constant 0 : index
        %get3A_584 = tpu.vector_load %arg5[%get3A_583] {strides = array<i32>} : memref<400xi32, #tpu.memory_space<vmem>>, vector<16xi32>,
        %get3A_585 = vector.shape_cast %get3A_584 : vector<16xi32> to vector<16xi32>
        %eq3A_586 = arith.constant 0 : i32
        %eq3A_587 = vector.broadcast %eq3A_586 : i32 to vector<16xi32>
        %eq3A_588 = arith.cmpi eq, %get3A_585, %eq3A_587 : vector<16xi32>
        %sub3A_589 = arith.constant 1 : i32
        %sub3A_590 = vector.broadcast %sub3A_589 : i32 to vector<16xi32>
        %sub3A_591 = arith.subi %get3A_585, %sub3A_590 : vector<16xi32>
        %jit3A_592 = arith.constant 999999 : i32
        %broadcast_in_dim3A_593 = vector.broadcast %jit3A_592 : i32 to vector<16xi32>
        %select_n3A_594 = arith.select %eq3A_588, %broadcast_in_dim3A_593, %sub3A_591 : vector<16xi1>, vector<16xi32>
        %swap3A_595 = arith.constant 0 : i32
        %swap3A_596 = arith.index_cast %swap3A_595 : i32 to index
        %swap3A_597 = arith.constant 0 : index
        %swap3A_598 = tpu.vector_load %arg6[%swap3A_596, %swap3A_597] {strides = array<i32>} : memref<5x80xi32, #tpu.memory_space<vmem>>, vector<1x16xi32>,
        %swap3A_599 = vector.shape_cast %swap3A_598 : vector<1x16xi32> to vector<16xi32>
        %swap3A_600 = vector.shape_cast %select_n3A_594 : vector<16xi32> to vector<1x16xi32>
        tpu.vector_store %arg6[%swap3A_596, %swap3A_597], %swap3A_600 {strides = array<i32>} : memref<5x80xi32, #tpu.memory_space<vmem>>, vector<1x16xi32>,
        %get3A_601 = arith.constant 16 : index
        %get3A_602 = tpu.vector_load %arg5[%get3A_601] {strides = array<i32>} : memref<400xi32, #tpu.memory_space<vmem>>, vector<16xi32>,
        %get3A_603 = vector.shape_cast %get3A_602 : vector<16xi32> to vector<16xi32>
        %eq3A_604 = arith.constant 0 : i32
        %eq3A_605 = vector.broadcast %eq3A_604 : i32 to vector<16xi32>
        %eq3A_606 = arith.cmpi eq, %get3A_603, %eq3A_605 : vector<16xi32>
        %sub3A_607 = arith.constant 1 : i32
        %sub3A_608 = vector.broadcast %sub3A_607 : i32 to vector<16xi32>
        %sub3A_609 = arith.subi %get3A_603, %sub3A_608 : vector<16xi32>
        %jit3A_610 = arith.constant 999999 : i32
        %broadcast_in_dim3A_611 = vector.broadcast %jit3A_610 : i32 to vector<16xi32>
        %select_n3A_612 = arith.select %eq3A_606, %broadcast_in_dim3A_611, %sub3A_609 : vector<16xi1>, vector<16xi32>
        %swap3A_613 = arith.constant 0 : i32
        %swap3A_614 = arith.index_cast %swap3A_613 : i32 to index
        %swap3A_615 = arith.constant 16 : index
        %swap3A_616 = tpu.vector_load %arg6[%swap3A_614, %swap3A_615] {strides = array<i32>} : memref<5x80xi32, #tpu.memory_space<vmem>>, vector<1x16xi32>,
        %swap3A_617 = vector.shape_cast %swap3A_616 : vector<1x16xi32> to vector<16xi32>
        %swap3A_618 = vector.shape_cast %select_n3A_612 : vector<16xi32> to vector<1x16xi32>
        tpu.vector_store %arg6[%swap3A_614, %swap3A_615], %swap3A_618 {strides = array<i32>} : memref<5x80xi32, #tpu.memory_space<vmem>>, vector<1x16xi32>,
        %get3A_619 = arith.constant 32 : index
        %get3A_620 = tpu.vector_load %arg5[%get3A_619] {strides = array<i32>} : memref<400xi32, #tpu.memory_space<vmem>>, vector<16xi32>,
        %get3A_621 = vector.shape_cast %get3A_620 : vector<16xi32> to vector<16xi32>
        %eq3A_622 = arith.constant 0 : i32
        %eq3A_623 = vector.broadcast %eq3A_622 : i32 to vector<16xi32>
        %eq3A_624 = arith.cmpi eq, %get3A_621, %eq3A_623 : vector<16xi32>
        %sub3A_625 = arith.constant 1 : i32
        %sub3A_626 = vector.broadcast %sub3A_625 : i32 to vector<16xi32>
        %sub3A_627 = arith.subi %get3A_621, %sub3A_626 : vector<16xi32>
        %jit3A_628 = arith.constant 999999 : i32
        %broadcast_in_dim3A_629 = vector.broadcast %jit3A_628 : i32 to vector<16xi32>
        %select_n3A_630 = arith.select %eq3A_624, %broadcast_in_dim3A_629, %sub3A_627 : vector<16xi1>, vector<16xi32>
        %swap3A_631 = arith.constant 0 : i32
        %swap3A_632 = arith.index_cast %swap3A_631 : i32 to index
        %swap3A_633 = arith.constant 32 : index
        %swap3A_634 = tpu.vector_load %arg6[%swap3A_632, %swap3A_633] {strides = array<i32>} : memref<5x80xi32, #tpu.memory_space<vmem>>, vector<1x16xi32>,
        %swap3A_635 = vector.shape_cast %swap3A_634 : vector<1x16xi32> to vector<16xi32>
        %swap3A_636 = vector.shape_cast %select_n3A_630 : vector<16xi32> to vector<1x16xi32>
        tpu.vector_store %arg6[%swap3A_632, %swap3A_633], %swap3A_636 {strides = array<i32>} : memref<5x80xi32, #tpu.memory_space<vmem>>, vector<1x16xi32>,
        %get3A_637 = arith.constant 48 : index
        %get3A_638 = tpu.vector_load %arg5[%get3A_637] {strides = array<i32>} : memref<400xi32, #tpu.memory_space<vmem>>, vector<16xi32>,
        %get3A_639 = vector.shape_cast %get3A_638 : vector<16xi32> to vector<16xi32>
        %eq3A_640 = arith.constant 0 : i32
        %eq3A_641 = vector.broadcast %eq3A_640 : i32 to vector<16xi32>
        %eq3A_642 = arith.cmpi eq, %get3A_639, %eq3A_641 : vector<16xi32>
        %sub3A_643 = arith.constant 1 : i32
        %sub3A_644 = vector.broadcast %sub3A_643 : i32 to vector<16xi32>
        %sub3A_645 = arith.subi %get3A_639, %sub3A_644 : vector<16xi32>
        %jit3A_646 = arith.constant 999999 : i32
        %broadcast_in_dim3A_647 = vector.broadcast %jit3A_646 : i32 to vector<16xi32>
        %select_n3A_648 = arith.select %eq3A_642, %broadcast_in_dim3A_647, %sub3A_645 : vector<16xi1>, vector<16xi32>
        %swap3A_649 = arith.constant 0 : i32
        %swap3A_650 = arith.index_cast %swap3A_649 : i32 to index
        %swap3A_651 = arith.constant 48 : index
        %swap3A_652 = tpu.vector_load %arg6[%swap3A_650, %swap3A_651] {strides = array<i32>} : memref<5x80xi32, #tpu.memory_space<vmem>>, vector<1x16xi32>,
        %swap3A_653 = vector.shape_cast %swap3A_652 : vector<1x16xi32> to vector<16xi32>
        %swap3A_654 = vector.shape_cast %select_n3A_648 : vector<16xi32> to vector<1x16xi32>
        tpu.vector_store %arg6[%swap3A_650, %swap3A_651], %swap3A_654 {strides = array<i32>} : memref<5x80xi32, #tpu.memory_space<vmem>>, vector<1x16xi32>,
        %get3A_655 = arith.constant 64 : index
        %get3A_656 = tpu.vector_load %arg5[%get3A_655] {strides = array<i32>} : memref<400xi32, #tpu.memory_space<vmem>>, vector<16xi32>,
        %get3A_657 = vector.shape_cast %get3A_656 : vector<16xi32> to vector<16xi32>
        %eq3A_658 = arith.constant 0 : i32
        %eq3A_659 = vector.broadcast %eq3A_658 : i32 to vector<16xi32>
        %eq3A_660 = arith.cmpi eq, %get3A_657, %eq3A_659 : vector<16xi32>
        %sub3A_661 = arith.constant 1 : i32
        %sub3A_662 = vector.broadcast %sub3A_661 : i32 to vector<16xi32>
        %sub3A_663 = arith.subi %get3A_657, %sub3A_662 : vector<16xi32>
        %jit3A_664 = arith.constant 999999 : i32
        %broadcast_in_dim3A_665 = vector.broadcast %jit3A_664 : i32 to vector<16xi32>
        %select_n3A_666 = arith.select %eq3A_660, %broadcast_in_dim3A_665, %sub3A_663 : vector<16xi1>, vector<16xi32>
        %swap3A_667 = arith.constant 0 : i32
        %swap3A_668 = arith.index_cast %swap3A_667 : i32 to index
        %swap3A_669 = arith.constant 64 : index
        %swap3A_670 = tpu.vector_load %arg6[%swap3A_668, %swap3A_669] {strides = array<i32>} : memref<5x80xi32, #tpu.memory_space<vmem>>, vector<1x16xi32>,
        %swap3A_671 = vector.shape_cast %swap3A_670 : vector<1x16xi32> to vector<16xi32>
        %swap3A_672 = vector.shape_cast %select_n3A_666 : vector<16xi32> to vector<1x16xi32>
        tpu.vector_store %arg6[%swap3A_668, %swap3A_669], %swap3A_672 {strides = array<i32>} : memref<5x80xi32, #tpu.memory_space<vmem>>, vector<1x16xi32>,
        %get3A_673 = arith.constant 80 : index
        %get3A_674 = tpu.vector_load %arg5[%get3A_673] {strides = array<i32>} : memref<400xi32, #tpu.memory_space<vmem>>, vector<16xi32>,
        %get3A_675 = vector.shape_cast %get3A_674 : vector<16xi32> to vector<16xi32>
        %eq3A_676 = arith.constant 0 : i32
        %eq3A_677 = vector.broadcast %eq3A_676 : i32 to vector<16xi32>
        %eq3A_678 = arith.cmpi eq, %get3A_675, %eq3A_677 : vector<16xi32>
        %sub3A_679 = arith.constant 1 : i32
        %sub3A_680 = vector.broadcast %sub3A_679 : i32 to vector<16xi32>
        %sub3A_681 = arith.subi %get3A_675, %sub3A_680 : vector<16xi32>
        %jit3A_682 = arith.constant 999999 : i32
        %broadcast_in_dim3A_683 = vector.broadcast %jit3A_682 : i32 to vector<16xi32>
        %select_n3A_684 = arith.select %eq3A_678, %broadcast_in_dim3A_683, %sub3A_681 : vector<16xi1>, vector<16xi32>
        %swap3A_685 = arith.constant 1 : i32
        %swap3A_686 = arith.index_cast %swap3A_685 : i32 to index
        %swap3A_687 = arith.constant 0 : index
        %swap3A_688 = tpu.vector_load %arg6[%swap3A_686, %swap3A_687] {strides = array<i32>} : memref<5x80xi32, #tpu.memory_space<vmem>>, vector<1x16xi32>,
        %swap3A_689 = vector.shape_cast %swap3A_688 : vector<1x16xi32> to vector<16xi32>
        %swap3A_690 = vector.shape_cast %select_n3A_684 : vector<16xi32> to vector<1x16xi32>
        tpu.vector_store %arg6[%swap3A_686, %swap3A_687], %swap3A_690 {strides = array<i32>} : memref<5x80xi32, #tpu.memory_space<vmem>>, vector<1x16xi32>,
        %get3A_691 = arith.constant 96 : index
        %get3A_692 = tpu.vector_load %arg5[%get3A_691] {strides = array<i32>} : memref<400xi32, #tpu.memory_space<vmem>>, vector<16xi32>,
        %get3A_693 = vector.shape_cast %get3A_692 : vector<16xi32> to vector<16xi32>
        %eq3A_694 = arith.constant 0 : i32
        %eq3A_695 = vector.broadcast %eq3A_694 : i32 to vector<16xi32>
        %eq3A_696 = arith.cmpi eq, %get3A_693, %eq3A_695 : vector<16xi32>
        %sub3A_697 = arith.constant 1 : i32
        %sub3A_698 = vector.broadcast %sub3A_697 : i32 to vector<16xi32>
        %sub3A_699 = arith.subi %get3A_693, %sub3A_698 : vector<16xi32>
        %jit3A_700 = arith.constant 999999 : i32
        %broadcast_in_dim3A_701 = vector.broadcast %jit3A_700 : i32 to vector<16xi32>
        %select_n3A_702 = arith.select %eq3A_696, %broadcast_in_dim3A_701, %sub3A_699 : vector<16xi1>, vector<16xi32>
        %swap3A_703 = arith.constant 1 : i32
        %swap3A_704 = arith.index_cast %swap3A_703 : i32 to index
        %swap3A_705 = arith.constant 16 : index
        %swap3A_706 = tpu.vector_load %arg6[%swap3A_704, %swap3A_705] {strides = array<i32>} : memref<5x80xi32, #tpu.memory_space<vmem>>, vector<1x16xi32>,
        %swap3A_707 = vector.shape_cast %swap3A_706 : vector<1x16xi32> to vector<16xi32>
        %swap3A_708 = vector.shape_cast %select_n3A_702 : vector<16xi32> to vector<1x16xi32>
        tpu.vector_store %arg6[%swap3A_704, %swap3A_705], %swap3A_708 {strides = array<i32>} : memref<5x80xi32, #tpu.memory_space<vmem>>, vector<1x16xi32>,
        %get3A_709 = arith.constant 112 : index
        %get3A_710 = tpu.vector_load %arg5[%get3A_709] {strides = array<i32>} : memref<400xi32, #tpu.memory_space<vmem>>, vector<16xi32>,
        %get3A_711 = vector.shape_cast %get3A_710 : vector<16xi32> to vector<16xi32>
        %eq3A_712 = arith.constant 0 : i32
        %eq3A_713 = vector.broadcast %eq3A_712 : i32 to vector<16xi32>
        %eq3A_714 = arith.cmpi eq, %get3A_711, %eq3A_713 : vector<16xi32>
        %sub3A_715 = arith.constant 1 : i32
        %sub3A_716 = vector.broadcast %sub3A_715 : i32 to vector<16xi32>
        %sub3A_717 = arith.subi %get3A_711, %sub3A_716 : vector<16xi32>
        %jit3A_718 = arith.constant 999999 : i32
        %broadcast_in_dim3A_719 = vector.broadcast %jit3A_718 : i32 to vector<16xi32>
        %select_n3A_720 = arith.select %eq3A_714, %broadcast_in_dim3A_719, %sub3A_717 : vector<16xi1>, vector<16xi32>
        %swap3A_721 = arith.constant 1 : i32
        %swap3A_722 = arith.index_cast %swap3A_721 : i32 to index
        %swap3A_723 = arith.constant 32 : index
        %swap3A_724 = tpu.vector_load %arg6[%swap3A_722, %swap3A_723] {strides = array<i32>} : memref<5x80xi32, #tpu.memory_space<vmem>>, vector<1x16xi32>,
        %swap3A_725 = vector.shape_cast %swap3A_724 : vector<1x16xi32> to vector<16xi32>
        %swap3A_726 = vector.shape_cast %select_n3A_720 : vector<16xi32> to vector<1x16xi32>
        tpu.vector_store %arg6[%swap3A_722, %swap3A_723], %swap3A_726 {strides = array<i32>} : memref<5x80xi32, #tpu.memory_space<vmem>>, vector<1x16xi32>,
        %get3A_727 = arith.constant 128 : index
        %get3A_728 = tpu.vector_load %arg5[%get3A_727] {strides = array<i32>} : memref<400xi32, #tpu.memory_space<vmem>>, vector<16xi32>,
        %get3A_729 = vector.shape_cast %get3A_728 : vector<16xi32> to vector<16xi32>
        %eq3A_730 = arith.constant 0 : i32
        %eq3A_731 = vector.broadcast %eq3A_730 : i32 to vector<16xi32>
        %eq3A_732 = arith.cmpi eq, %get3A_729, %eq3A_731 : vector<16xi32>
        %sub3A_733 = arith.constant 1 : i32
        %sub3A_734 = vector.broadcast %sub3A_733 : i32 to vector<16xi32>
        %sub3A_735 = arith.subi %get3A_729, %sub3A_734 : vector<16xi32>
        %jit3A_736 = arith.constant 999999 : i32
        %broadcast_in_dim3A_737 = vector.broadcast %jit3A_736 : i32 to vector<16xi32>
        %select_n3A_738 = arith.select %eq3A_732, %broadcast_in_dim3A_737, %sub3A_735 : vector<16xi1>, vector<16xi32>
        %swap3A_739 = arith.constant 1 : i32
        %swap3A_740 = arith.index_cast %swap3A_739 : i32 to index
        %swap3A_741 = arith.constant 48 : index
        %swap3A_742 = tpu.vector_load %arg6[%swap3A_740, %swap3A_741] {strides = array<i32>} : memref<5x80xi32, #tpu.memory_space<vmem>>, vector<1x16xi32>,
        %swap3A_743 = vector.shape_cast %swap3A_742 : vector<1x16xi32> to vector<16xi32>
        %swap3A_744 = vector.shape_cast %select_n3A_738 : vector<16xi32> to vector<1x16xi32>
        tpu.vector_store %arg6[%swap3A_740, %swap3A_741], %swap3A_744 {strides = array<i32>} : memref<5x80xi32, #tpu.memory_space<vmem>>, vector<1x16xi32>,
        %get3A_745 = arith.constant 144 : index
        %get3A_746 = tpu.vector_load %arg5[%get3A_745] {strides = array<i32>} : memref<400xi32, #tpu.memory_space<vmem>>, vector<16xi32>,
        %get3A_747 = vector.shape_cast %get3A_746 : vector<16xi32> to vector<16xi32>
        %eq3A_748 = arith.constant 0 : i32
        %eq3A_749 = vector.broadcast %eq3A_748 : i32 to vector<16xi32>
        %eq3A_750 = arith.cmpi eq, %get3A_747, %eq3A_749 : vector<16xi32>
        %sub3A_751 = arith.constant 1 : i32
        %sub3A_752 = vector.broadcast %sub3A_751 : i32 to vector<16xi32>
        %sub3A_753 = arith.subi %get3A_747, %sub3A_752 : vector<16xi32>
        %jit3A_754 = arith.constant 999999 : i32
        %broadcast_in_dim3A_755 = vector.broadcast %jit3A_754 : i32 to vector<16xi32>
        %select_n3A_756 = arith.select %eq3A_750, %broadcast_in_dim3A_755, %sub3A_753 : vector<16xi1>, vector<16xi32>
        %swap3A_757 = arith.constant 1 : i32
        %swap3A_758 = arith.index_cast %swap3A_757 : i32 to index
        %swap3A_759 = arith.constant 64 : index
        %swap3A_760 = tpu.vector_load %arg6[%swap3A_758, %swap3A_759] {strides = array<i32>} : memref<5x80xi32, #tpu.memory_space<vmem>>, vector<1x16xi32>,
        %swap3A_761 = vector.shape_cast %swap3A_760 : vector<1x16xi32> to vector<16xi32>
        %swap3A_762 = vector.shape_cast %select_n3A_756 : vector<16xi32> to vector<1x16xi32>
        tpu.vector_store %arg6[%swap3A_758, %swap3A_759], %swap3A_762 {strides = array<i32>} : memref<5x80xi32, #tpu.memory_space<vmem>>, vector<1x16xi32>,
        %get3A_763 = arith.constant 160 : index
        %get3A_764 = tpu.vector_load %arg5[%get3A_763] {strides = array<i32>} : memref<400xi32, #tpu.memory_space<vmem>>, vector<16xi32>,
        %get3A_765 = vector.shape_cast %get3A_764 : vector<16xi32> to vector<16xi32>
        %eq3A_766 = arith.constant 0 : i32
        %eq3A_767 = vector.broadcast %eq3A_766 : i32 to vector<16xi32>
        %eq3A_768 = arith.cmpi eq, %get3A_765, %eq3A_767 : vector<16xi32>
        %sub3A_769 = arith.constant 1 : i32
        %sub3A_770 = vector.broadcast %sub3A_769 : i32 to vector<16xi32>
        %sub3A_771 = arith.subi %get3A_765, %sub3A_770 : vector<16xi32>
        %jit3A_772 = arith.constant 999999 : i32
        %broadcast_in_dim3A_773 = vector.broadcast %jit3A_772 : i32 to vector<16xi32>
        %select_n3A_774 = arith.select %eq3A_768, %broadcast_in_dim3A_773, %sub3A_771 : vector<16xi1>, vector<16xi32>
        %swap3A_775 = arith.constant 2 : i32
        %swap3A_776 = arith.index_cast %swap3A_775 : i32 to index
        %swap3A_777 = arith.constant 0 : index
        %swap3A_778 = tpu.vector_load %arg6[%swap3A_776, %swap3A_777] {strides = array<i32>} : memref<5x80xi32, #tpu.memory_space<vmem>>, vector<1x16xi32>,
        %swap3A_779 = vector.shape_cast %swap3A_778 : vector<1x16xi32> to vector<16xi32>
        %swap3A_780 = vector.shape_cast %select_n3A_774 : vector<16xi32> to vector<1x16xi32>
        tpu.vector_store %arg6[%swap3A_776, %swap3A_777], %swap3A_780 {strides = array<i32>} : memref<5x80xi32, #tpu.memory_space<vmem>>, vector<1x16xi32>,
        %get3A_781 = arith.constant 176 : index
        %get3A_782 = tpu.vector_load %arg5[%get3A_781] {strides = array<i32>} : memref<400xi32, #tpu.memory_space<vmem>>, vector<16xi32>,
        %get3A_783 = vector.shape_cast %get3A_782 : vector<16xi32> to vector<16xi32>
        %eq3A_784 = arith.constant 0 : i32
        %eq3A_785 = vector.broadcast %eq3A_784 : i32 to vector<16xi32>
        %eq3A_786 = arith.cmpi eq, %get3A_783, %eq3A_785 : vector<16xi32>
        %sub3A_787 = arith.constant 1 : i32
        %sub3A_788 = vector.broadcast %sub3A_787 : i32 to vector<16xi32>
        %sub3A_789 = arith.subi %get3A_783, %sub3A_788 : vector<16xi32>
        %jit3A_790 = arith.constant 999999 : i32
        %broadcast_in_dim3A_791 = vector.broadcast %jit3A_790 : i32 to vector<16xi32>
        %select_n3A_792 = arith.select %eq3A_786, %broadcast_in_dim3A_791, %sub3A_789 : vector<16xi1>, vector<16xi32>
        %swap3A_793 = arith.constant 2 : i32
        %swap3A_794 = arith.index_cast %swap3A_793 : i32 to index
        %swap3A_795 = arith.constant 16 : index
        %swap3A_796 = tpu.vector_load %arg6[%swap3A_794, %swap3A_795] {strides = array<i32>} : memref<5x80xi32, #tpu.memory_space<vmem>>, vector<1x16xi32>,
        %swap3A_797 = vector.shape_cast %swap3A_796 : vector<1x16xi32> to vector<16xi32>
        %swap3A_798 = vector.shape_cast %select_n3A_792 : vector<16xi32> to vector<1x16xi32>
        tpu.vector_store %arg6[%swap3A_794, %swap3A_795], %swap3A_798 {strides = array<i32>} : memref<5x80xi32, #tpu.memory_space<vmem>>, vector<1x16xi32>,
        %get3A_799 = arith.constant 192 : index
        %get3A_800 = tpu.vector_load %arg5[%get3A_799] {strides = array<i32>} : memref<400xi32, #tpu.memory_space<vmem>>, vector<16xi32>,
        %get3A_801 = vector.shape_cast %get3A_800 : vector<16xi32> to vector<16xi32>
        %eq3A_802 = arith.constant 0 : i32
        %eq3A_803 = vector.broadcast %eq3A_802 : i32 to vector<16xi32>
        %eq3A_804 = arith.cmpi eq, %get3A_801, %eq3A_803 : vector<16xi32>
        %sub3A_805 = arith.constant 1 : i32
        %sub3A_806 = vector.broadcast %sub3A_805 : i32 to vector<16xi32>
        %sub3A_807 = arith.subi %get3A_801, %sub3A_806 : vector<16xi32>
        %jit3A_808 = arith.constant 999999 : i32
        %broadcast_in_dim3A_809 = vector.broadcast %jit3A_808 : i32 to vector<16xi32>
        %select_n3A_810 = arith.select %eq3A_804, %broadcast_in_dim3A_809, %sub3A_807 : vector<16xi1>, vector<16xi32>
        %swap3A_811 = arith.constant 2 : i32
        %swap3A_812 = arith.index_cast %swap3A_811 : i32 to index
        %swap3A_813 = arith.constant 32 : index
        %swap3A_814 = tpu.vector_load %arg6[%swap3A_812, %swap3A_813] {strides = array<i32>} : memref<5x80xi32, #tpu.memory_space<vmem>>, vector<1x16xi32>,
        %swap3A_815 = vector.shape_cast %swap3A_814 : vector<1x16xi32> to vector<16xi32>
        %swap3A_816 = vector.shape_cast %select_n3A_810 : vector<16xi32> to vector<1x16xi32>
        tpu.vector_store %arg6[%swap3A_812, %swap3A_813], %swap3A_816 {strides = array<i32>} : memref<5x80xi32, #tpu.memory_space<vmem>>, vector<1x16xi32>,
        %get3A_817 = arith.constant 208 : index
        %get3A_818 = tpu.vector_load %arg5[%get3A_817] {strides = array<i32>} : memref<400xi32, #tpu.memory_space<vmem>>, vector<16xi32>,
        %get3A_819 = vector.shape_cast %get3A_818 : vector<16xi32> to vector<16xi32>
        %eq3A_820 = arith.constant 0 : i32
        %eq3A_821 = vector.broadcast %eq3A_820 : i32 to vector<16xi32>
        %eq3A_822 = arith.cmpi eq, %get3A_819, %eq3A_821 : vector<16xi32>
        %sub3A_823 = arith.constant 1 : i32
        %sub3A_824 = vector.broadcast %sub3A_823 : i32 to vector<16xi32>
        %sub3A_825 = arith.subi %get3A_819, %sub3A_824 : vector<16xi32>
        %jit3A_826 = arith.constant 999999 : i32
        %broadcast_in_dim3A_827 = vector.broadcast %jit3A_826 : i32 to vector<16xi32>
        %select_n3A_828 = arith.select %eq3A_822, %broadcast_in_dim3A_827, %sub3A_825 : vector<16xi1>, vector<16xi32>
        %swap3A_829 = arith.constant 2 : i32
        %swap3A_830 = arith.index_cast %swap3A_829 : i32 to index
        %swap3A_831 = arith.constant 48 : index
        %swap3A_832 = tpu.vector_load %arg6[%swap3A_830, %swap3A_831] {strides = array<i32>} : memref<5x80xi32, #tpu.memory_space<vmem>>, vector<1x16xi32>,
        %swap3A_833 = vector.shape_cast %swap3A_832 : vector<1x16xi32> to vector<16xi32>
        %swap3A_834 = vector.shape_cast %select_n3A_828 : vector<16xi32> to vector<1x16xi32>
        tpu.vector_store %arg6[%swap3A_830, %swap3A_831], %swap3A_834 {strides = array<i32>} : memref<5x80xi32, #tpu.memory_space<vmem>>, vector<1x16xi32>,
        %get3A_835 = arith.constant 224 : index
        %get3A_836 = tpu.vector_load %arg5[%get3A_835] {strides = array<i32>} : memref<400xi32, #tpu.memory_space<vmem>>, vector<16xi32>,
        %get3A_837 = vector.shape_cast %get3A_836 : vector<16xi32> to vector<16xi32>
        %eq3A_838 = arith.constant 0 : i32
        %eq3A_839 = vector.broadcast %eq3A_838 : i32 to vector<16xi32>
        %eq3A_840 = arith.cmpi eq, %get3A_837, %eq3A_839 : vector<16xi32>
        %sub3A_841 = arith.constant 1 : i32
        %sub3A_842 = vector.broadcast %sub3A_841 : i32 to vector<16xi32>
        %sub3A_843 = arith.subi %get3A_837, %sub3A_842 : vector<16xi32>
        %jit3A_844 = arith.constant 999999 : i32
        %broadcast_in_dim3A_845 = vector.broadcast %jit3A_844 : i32 to vector<16xi32>
        %select_n3A_846 = arith.select %eq3A_840, %broadcast_in_dim3A_845, %sub3A_843 : vector<16xi1>, vector<16xi32>
        %swap3A_847 = arith.constant 2 : i32
        %swap3A_848 = arith.index_cast %swap3A_847 : i32 to index
        %swap3A_849 = arith.constant 64 : index
        %swap3A_850 = tpu.vector_load %arg6[%swap3A_848, %swap3A_849] {strides = array<i32>} : memref<5x80xi32, #tpu.memory_space<vmem>>, vector<1x16xi32>,
        %swap3A_851 = vector.shape_cast %swap3A_850 : vector<1x16xi32> to vector<16xi32>
        %swap3A_852 = vector.shape_cast %select_n3A_846 : vector<16xi32> to vector<1x16xi32>
        tpu.vector_store %arg6[%swap3A_848, %swap3A_849], %swap3A_852 {strides = array<i32>} : memref<5x80xi32, #tpu.memory_space<vmem>>, vector<1x16xi32>,
        %get3A_853 = arith.constant 240 : index
        %get3A_854 = tpu.vector_load %arg5[%get3A_853] {strides = array<i32>} : memref<400xi32, #tpu.memory_space<vmem>>, vector<16xi32>,
        %get3A_855 = vector.shape_cast %get3A_854 : vector<16xi32> to vector<16xi32>
        %eq3A_856 = arith.constant 0 : i32
        %eq3A_857 = vector.broadcast %eq3A_856 : i32 to vector<16xi32>
        %eq3A_858 = arith.cmpi eq, %get3A_855, %eq3A_857 : vector<16xi32>
        %sub3A_859 = arith.constant 1 : i32
        %sub3A_860 = vector.broadcast %sub3A_859 : i32 to vector<16xi32>
        %sub3A_861 = arith.subi %get3A_855, %sub3A_860 : vector<16xi32>
        %jit3A_862 = arith.constant 999999 : i32
        %broadcast_in_dim3A_863 = vector.broadcast %jit3A_862 : i32 to vector<16xi32>
        %select_n3A_864 = arith.select %eq3A_858, %broadcast_in_dim3A_863, %sub3A_861 : vector<16xi1>, vector<16xi32>
        %swap3A_865 = arith.constant 3 : i32
        %swap3A_866 = arith.index_cast %swap3A_865 : i32 to index
        %swap3A_867 = arith.constant 0 : index
        %swap3A_868 = tpu.vector_load %arg6[%swap3A_866, %swap3A_867] {strides = array<i32>} : memref<5x80xi32, #tpu.memory_space<vmem>>, vector<1x16xi32>,
        %swap3A_869 = vector.shape_cast %swap3A_868 : vector<1x16xi32> to vector<16xi32>
        %swap3A_870 = vector.shape_cast %select_n3A_864 : vector<16xi32> to vector<1x16xi32>
        tpu.vector_store %arg6[%swap3A_866, %swap3A_867], %swap3A_870 {strides = array<i32>} : memref<5x80xi32, #tpu.memory_space<vmem>>, vector<1x16xi32>,
        %get3A_871 = arith.constant 256 : index
        %get3A_872 = tpu.vector_load %arg5[%get3A_871] {strides = array<i32>} : memref<400xi32, #tpu.memory_space<vmem>>, vector<16xi32>,
        %get3A_873 = vector.shape_cast %get3A_872 : vector<16xi32> to vector<16xi32>
        %eq3A_874 = arith.constant 0 : i32
        %eq3A_875 = vector.broadcast %eq3A_874 : i32 to vector<16xi32>
        %eq3A_876 = arith.cmpi eq, %get3A_873, %eq3A_875 : vector<16xi32>
        %sub3A_877 = arith.constant 1 : i32
        %sub3A_878 = vector.broadcast %sub3A_877 : i32 to vector<16xi32>
        %sub3A_879 = arith.subi %get3A_873, %sub3A_878 : vector<16xi32>
        %jit3A_880 = arith.constant 999999 : i32
        %broadcast_in_dim3A_881 = vector.broadcast %jit3A_880 : i32 to vector<16xi32>
        %select_n3A_882 = arith.select %eq3A_876, %broadcast_in_dim3A_881, %sub3A_879 : vector<16xi1>, vector<16xi32>
        %swap3A_883 = arith.constant 3 : i32
        %swap3A_884 = arith.index_cast %swap3A_883 : i32 to index
        %swap3A_885 = arith.constant 16 : index
        %swap3A_886 = tpu.vector_load %arg6[%swap3A_884, %swap3A_885] {strides = array<i32>} : memref<5x80xi32, #tpu.memory_space<vmem>>, vector<1x16xi32>,
        %swap3A_887 = vector.shape_cast %swap3A_886 : vector<1x16xi32> to vector<16xi32>
        %swap3A_888 = vector.shape_cast %select_n3A_882 : vector<16xi32> to vector<1x16xi32>
        tpu.vector_store %arg6[%swap3A_884, %swap3A_885], %swap3A_888 {strides = array<i32>} : memref<5x80xi32, #tpu.memory_space<vmem>>, vector<1x16xi32>,
        %get3A_889 = arith.constant 272 : index
        %get3A_890 = tpu.vector_load %arg5[%get3A_889] {strides = array<i32>} : memref<400xi32, #tpu.memory_space<vmem>>, vector<16xi32>,
        %get3A_891 = vector.shape_cast %get3A_890 : vector<16xi32> to vector<16xi32>
        %eq3A_892 = arith.constant 0 : i32
        %eq3A_893 = vector.broadcast %eq3A_892 : i32 to vector<16xi32>
        %eq3A_894 = arith.cmpi eq, %get3A_891, %eq3A_893 : vector<16xi32>
        %sub3A_895 = arith.constant 1 : i32
        %sub3A_896 = vector.broadcast %sub3A_895 : i32 to vector<16xi32>
        %sub3A_897 = arith.subi %get3A_891, %sub3A_896 : vector<16xi32>
        %jit3A_898 = arith.constant 999999 : i32
        %broadcast_in_dim3A_899 = vector.broadcast %jit3A_898 : i32 to vector<16xi32>
        %select_n3A_900 = arith.select %eq3A_894, %broadcast_in_dim3A_899, %sub3A_897 : vector<16xi1>, vector<16xi32>
        %swap3A_901 = arith.constant 3 : i32
        %swap3A_902 = arith.index_cast %swap3A_901 : i32 to index
        %swap3A_903 = arith.constant 32 : index
        %swap3A_904 = tpu.vector_load %arg6[%swap3A_902, %swap3A_903] {strides = array<i32>} : memref<5x80xi32, #tpu.memory_space<vmem>>, vector<1x16xi32>,
        %swap3A_905 = vector.shape_cast %swap3A_904 : vector<1x16xi32> to vector<16xi32>
        %swap3A_906 = vector.shape_cast %select_n3A_900 : vector<16xi32> to vector<1x16xi32>
        tpu.vector_store %arg6[%swap3A_902, %swap3A_903], %swap3A_906 {strides = array<i32>} : memref<5x80xi32, #tpu.memory_space<vmem>>, vector<1x16xi32>,
        %get3A_907 = arith.constant 288 : index
        %get3A_908 = tpu.vector_load %arg5[%get3A_907] {strides = array<i32>} : memref<400xi32, #tpu.memory_space<vmem>>, vector<16xi32>,
        %get3A_909 = vector.shape_cast %get3A_908 : vector<16xi32> to vector<16xi32>
        %eq3A_910 = arith.constant 0 : i32
        %eq3A_911 = vector.broadcast %eq3A_910 : i32 to vector<16xi32>
        %eq3A_912 = arith.cmpi eq, %get3A_909, %eq3A_911 : vector<16xi32>
        %sub3A_913 = arith.constant 1 : i32
        %sub3A_914 = vector.broadcast %sub3A_913 : i32 to vector<16xi32>
        %sub3A_915 = arith.subi %get3A_909, %sub3A_914 : vector<16xi32>
        %jit3A_916 = arith.constant 999999 : i32
        %broadcast_in_dim3A_917 = vector.broadcast %jit3A_916 : i32 to vector<16xi32>
        %select_n3A_918 = arith.select %eq3A_912, %broadcast_in_dim3A_917, %sub3A_915 : vector<16xi1>, vector<16xi32>
        %swap3A_919 = arith.constant 3 : i32
        %swap3A_920 = arith.index_cast %swap3A_919 : i32 to index
        %swap3A_921 = arith.constant 48 : index
        %swap3A_922 = tpu.vector_load %arg6[%swap3A_920, %swap3A_921] {strides = array<i32>} : memref<5x80xi32, #tpu.memory_space<vmem>>, vector<1x16xi32>,
        %swap3A_923 = vector.shape_cast %swap3A_922 : vector<1x16xi32> to vector<16xi32>
        %swap3A_924 = vector.shape_cast %select_n3A_918 : vector<16xi32> to vector<1x16xi32>
        tpu.vector_store %arg6[%swap3A_920, %swap3A_921], %swap3A_924 {strides = array<i32>} : memref<5x80xi32, #tpu.memory_space<vmem>>, vector<1x16xi32>,
        %get3A_925 = arith.constant 304 : index
        %get3A_926 = tpu.vector_load %arg5[%get3A_925] {strides = array<i32>} : memref<400xi32, #tpu.memory_space<vmem>>, vector<16xi32>,
        %get3A_927 = vector.shape_cast %get3A_926 : vector<16xi32> to vector<16xi32>
        %eq3A_928 = arith.constant 0 : i32
        %eq3A_929 = vector.broadcast %eq3A_928 : i32 to vector<16xi32>
        %eq3A_930 = arith.cmpi eq, %get3A_927, %eq3A_929 : vector<16xi32>
        %sub3A_931 = arith.constant 1 : i32
        %sub3A_932 = vector.broadcast %sub3A_931 : i32 to vector<16xi32>
        %sub3A_933 = arith.subi %get3A_927, %sub3A_932 : vector<16xi32>
        %jit3A_934 = arith.constant 999999 : i32
        %broadcast_in_dim3A_935 = vector.broadcast %jit3A_934 : i32 to vector<16xi32>
        %select_n3A_936 = arith.select %eq3A_930, %broadcast_in_dim3A_935, %sub3A_933 : vector<16xi1>, vector<16xi32>
        %swap3A_937 = arith.constant 3 : i32
        %swap3A_938 = arith.index_cast %swap3A_937 : i32 to index
        %swap3A_939 = arith.constant 64 : index
        %swap3A_940 = tpu.vector_load %arg6[%swap3A_938, %swap3A_939] {strides = array<i32>} : memref<5x80xi32, #tpu.memory_space<vmem>>, vector<1x16xi32>,
        %swap3A_941 = vector.shape_cast %swap3A_940 : vector<1x16xi32> to vector<16xi32>
        %swap3A_942 = vector.shape_cast %select_n3A_936 : vector<16xi32> to vector<1x16xi32>
        tpu.vector_store %arg6[%swap3A_938, %swap3A_939], %swap3A_942 {strides = array<i32>} : memref<5x80xi32, #tpu.memory_space<vmem>>, vector<1x16xi32>,
        %get3A_943 = arith.constant 320 : index
        %get3A_944 = tpu.vector_load %arg5[%get3A_943] {strides = array<i32>} : memref<400xi32, #tpu.memory_space<vmem>>, vector<16xi32>,
        %get3A_945 = vector.shape_cast %get3A_944 : vector<16xi32> to vector<16xi32>
        %eq3A_946 = arith.constant 0 : i32
        %eq3A_947 = vector.broadcast %eq3A_946 : i32 to vector<16xi32>
        %eq3A_948 = arith.cmpi eq, %get3A_945, %eq3A_947 : vector<16xi32>
        %sub3A_949 = arith.constant 1 : i32
        %sub3A_950 = vector.broadcast %sub3A_949 : i32 to vector<16xi32>
        %sub3A_951 = arith.subi %get3A_945, %sub3A_950 : vector<16xi32>
        %jit3A_952 = arith.constant 999999 : i32
        %broadcast_in_dim3A_953 = vector.broadcast %jit3A_952 : i32 to vector<16xi32>
        %select_n3A_954 = arith.select %eq3A_948, %broadcast_in_dim3A_953, %sub3A_951 : vector<16xi1>, vector<16xi32>
        %swap3A_955 = arith.constant 4 : i32
        %swap3A_956 = arith.index_cast %swap3A_955 : i32 to index
        %swap3A_957 = arith.constant 0 : index
        %swap3A_958 = tpu.vector_load %arg6[%swap3A_956, %swap3A_957] {strides = array<i32>} : memref<5x80xi32, #tpu.memory_space<vmem>>, vector<1x16xi32>,
        %swap3A_959 = vector.shape_cast %swap3A_958 : vector<1x16xi32> to vector<16xi32>
        %swap3A_960 = vector.shape_cast %select_n3A_954 : vector<16xi32> to vector<1x16xi32>
        tpu.vector_store %arg6[%swap3A_956, %swap3A_957], %swap3A_960 {strides = array<i32>} : memref<5x80xi32, #tpu.memory_space<vmem>>, vector<1x16xi32>,
        %get3A_961 = arith.constant 336 : index
        %get3A_962 = tpu.vector_load %arg5[%get3A_961] {strides = array<i32>} : memref<400xi32, #tpu.memory_space<vmem>>, vector<16xi32>,
        %get3A_963 = vector.shape_cast %get3A_962 : vector<16xi32> to vector<16xi32>
        %eq3A_964 = arith.constant 0 : i32
        %eq3A_965 = vector.broadcast %eq3A_964 : i32 to vector<16xi32>
        %eq3A_966 = arith.cmpi eq, %get3A_963, %eq3A_965 : vector<16xi32>
        %sub3A_967 = arith.constant 1 : i32
        %sub3A_968 = vector.broadcast %sub3A_967 : i32 to vector<16xi32>
        %sub3A_969 = arith.subi %get3A_963, %sub3A_968 : vector<16xi32>
        %jit3A_970 = arith.constant 999999 : i32
        %broadcast_in_dim3A_971 = vector.broadcast %jit3A_970 : i32 to vector<16xi32>
        %select_n3A_972 = arith.select %eq3A_966, %broadcast_in_dim3A_971, %sub3A_969 : vector<16xi1>, vector<16xi32>
        %swap3A_973 = arith.constant 4 : i32
        %swap3A_974 = arith.index_cast %swap3A_973 : i32 to index
        %swap3A_975 = arith.constant 16 : index
        %swap3A_976 = tpu.vector_load %arg6[%swap3A_974, %swap3A_975] {strides = array<i32>} : memref<5x80xi32, #tpu.memory_space<vmem>>, vector<1x16xi32>,
        %swap3A_977 = vector.shape_cast %swap3A_976 : vector<1x16xi32> to vector<16xi32>
        %swap3A_978 = vector.shape_cast %select_n3A_972 : vector<16xi32> to vector<1x16xi32>
        tpu.vector_store %arg6[%swap3A_974, %swap3A_975], %swap3A_978 {strides = array<i32>} : memref<5x80xi32, #tpu.memory_space<vmem>>, vector<1x16xi32>,
        %get3A_979 = arith.constant 352 : index
        %get3A_980 = tpu.vector_load %arg5[%get3A_979] {strides = array<i32>} : memref<400xi32, #tpu.memory_space<vmem>>, vector<16xi32>,
        %get3A_981 = vector.shape_cast %get3A_980 : vector<16xi32> to vector<16xi32>
        %eq3A_982 = arith.constant 0 : i32
        %eq3A_983 = vector.broadcast %eq3A_982 : i32 to vector<16xi32>
        %eq3A_984 = arith.cmpi eq, %get3A_981, %eq3A_983 : vector<16xi32>
        %sub3A_985 = arith.constant 1 : i32
        %sub3A_986 = vector.broadcast %sub3A_985 : i32 to vector<16xi32>
        %sub3A_987 = arith.subi %get3A_981, %sub3A_986 : vector<16xi32>
        %jit3A_988 = arith.constant 999999 : i32
        %broadcast_in_dim3A_989 = vector.broadcast %jit3A_988 : i32 to vector<16xi32>
        %select_n3A_990 = arith.select %eq3A_984, %broadcast_in_dim3A_989, %sub3A_987 : vector<16xi1>, vector<16xi32>
        %swap3A_991 = arith.constant 4 : i32
        %swap3A_992 = arith.index_cast %swap3A_991 : i32 to index
        %swap3A_993 = arith.constant 32 : index
        %swap3A_994 = tpu.vector_load %arg6[%swap3A_992, %swap3A_993] {strides = array<i32>} : memref<5x80xi32, #tpu.memory_space<vmem>>, vector<1x16xi32>,
        %swap3A_995 = vector.shape_cast %swap3A_994 : vector<1x16xi32> to vector<16xi32>
        %swap3A_996 = vector.shape_cast %select_n3A_990 : vector<16xi32> to vector<1x16xi32>
        tpu.vector_store %arg6[%swap3A_992, %swap3A_993], %swap3A_996 {strides = array<i32>} : memref<5x80xi32, #tpu.memory_space<vmem>>, vector<1x16xi32>,
        %get3A_997 = arith.constant 368 : index
        %get3A_998 = tpu.vector_load %arg5[%get3A_997] {strides = array<i32>} : memref<400xi32, #tpu.memory_space<vmem>>, vector<16xi32>,
        %get3A_999 = vector.shape_cast %get3A_998 : vector<16xi32> to vector<16xi32>
        %eq3A_1000 = arith.constant 0 : i32
        %eq3A_1001 = vector.broadcast %eq3A_1000 : i32 to vector<16xi32>
        %eq3A_1002 = arith.cmpi eq, %get3A_999, %eq3A_1001 : vector<16xi32>
        %sub3A_1003 = arith.constant 1 : i32
        %sub3A_1004 = vector.broadcast %sub3A_1003 : i32 to vector<16xi32>
        %sub3A_1005 = arith.subi %get3A_999, %sub3A_1004 : vector<16xi32>
        %jit3A_1006 = arith.constant 999999 : i32
        %broadcast_in_dim3A_1007 = vector.broadcast %jit3A_1006 : i32 to vector<16xi32>
        %select_n3A_1008 = arith.select %eq3A_1002, %broadcast_in_dim3A_1007, %sub3A_1005 : vector<16xi1>, vector<16xi32>
        %swap3A_1009 = arith.constant 4 : i32
        %swap3A_1010 = arith.index_cast %swap3A_1009 : i32 to index
        %swap3A_1011 = arith.constant 48 : index
        %swap3A_1012 = tpu.vector_load %arg6[%swap3A_1010, %swap3A_1011] {strides = array<i32>} : memref<5x80xi32, #tpu.memory_space<vmem>>, vector<1x16xi32>,
        %swap3A_1013 = vector.shape_cast %swap3A_1012 : vector<1x16xi32> to vector<16xi32>
        %swap3A_1014 = vector.shape_cast %select_n3A_1008 : vector<16xi32> to vector<1x16xi32>
        tpu.vector_store %arg6[%swap3A_1010, %swap3A_1011], %swap3A_1014 {strides = array<i32>} : memref<5x80xi32, #tpu.memory_space<vmem>>, vector<1x16xi32>,
        %get3A_1015 = arith.constant 384 : index
        %get3A_1016 = tpu.vector_load %arg5[%get3A_1015] {strides = array<i32>} : memref<400xi32, #tpu.memory_space<vmem>>, vector<16xi32>,
        %get3A_1017 = vector.shape_cast %get3A_1016 : vector<16xi32> to vector<16xi32>
        %eq3A_1018 = arith.constant 0 : i32
        %eq3A_1019 = vector.broadcast %eq3A_1018 : i32 to vector<16xi32>
        %eq3A_1020 = arith.cmpi eq, %get3A_1017, %eq3A_1019 : vector<16xi32>
        %sub3A_1021 = arith.constant 1 : i32
        %sub3A_1022 = vector.broadcast %sub3A_1021 : i32 to vector<16xi32>
        %sub3A_1023 = arith.subi %get3A_1017, %sub3A_1022 : vector<16xi32>
        %jit3A_1024 = arith.constant 999999 : i32
        %broadcast_in_dim3A_1025 = vector.broadcast %jit3A_1024 : i32 to vector<16xi32>
        %select_n3A_1026 = arith.select %eq3A_1020, %broadcast_in_dim3A_1025, %sub3A_1023 : vector<16xi1>, vector<16xi32>
        %swap3A_1027 = arith.constant 4 : i32
        %swap3A_1028 = arith.index_cast %swap3A_1027 : i32 to index
        %swap3A_1029 = arith.constant 64 : index
        %swap3A_1030 = tpu.vector_load %arg6[%swap3A_1028, %swap3A_1029] {strides = array<i32>} : memref<5x80xi32, #tpu.memory_space<vmem>>, vector<1x16xi32>,
        %swap3A_1031 = vector.shape_cast %swap3A_1030 : vector<1x16xi32> to vector<16xi32>
        %swap3A_1032 = vector.shape_cast %select_n3A_1026 : vector<16xi32> to vector<1x16xi32>
        tpu.vector_store %arg6[%swap3A_1028, %swap3A_1029], %swap3A_1032 {strides = array<i32>} : memref<5x80xi32, #tpu.memory_space<vmem>>, vector<1x16xi32>,
        %dma_start3A_1033 = arith.constant 0 : i32
        %dma_start3A_1034 = arith.constant 0 : i32
        %dma_start3A_1035 = arith.constant 0 : i32
        %dma_start3A_1036 = tpu.memref_slice %arg8[%dma_start3A_1034, %dma_start3A_1035] : memref<400x64xf32, #tpu.memory_space<vmem>> -> memref<80x64xf32, #tpu.memory_space<vmem>>
        %dma_start3A_1037 = arith.constant 0 : i32
        %dma_start3A_1038 = tpu.memref_slice %arg6[%dma_start3A_1033, %dma_start3A_1037] : memref<5x80xi32, #tpu.memory_space<vmem>> -> memref<1x80xi32, #tpu.memory_space<vmem>>
        %dma_start3A_1039 = tpu.memref_squeeze %dma_start3A_1038 : memref<1x80xi32, #tpu.memory_space<vmem>> -> memref<80xi32, #tpu.memory_space<vmem>>
        %dma_start3A_1040 = arith.constant 0 : i32
        %dma_start3A_1041 = arith.constant 0 : i32
        %dma_start3A_1042 = tpu.memref_slice %arg2[%dma_start3A_1040, %dma_start3A_1041] : memref<1000000x64xf32, #tpu.memory_space<hbm>> -> memref<1000000x64xf32, #tpu.memory_space<hbm>>
        tpu.enqueue_indirect_dma source(%dma_start3A_1042 : memref<1000000x64xf32, #tpu.memory_space<hbm>>) target(%dma_start3A_1036 : memref<80x64xf32, #tpu.memory_space<vmem>>) offsets(%dma_start3A_1039 : memref<80xi32, #tpu.memory_space<vmem>>) semaphore(%arg10 : memref<!tpu.dma_semaphore, #tpu.memory_space<semaphore_mem>>)
        %dma_start3A_1043 = arith.constant 1 : i32
        %dma_start3A_1044 = arith.constant 80 : i32
        %dma_start3A_1045 = arith.constant 0 : i32
        %dma_start3A_1046 = tpu.memref_slice %arg8[%dma_start3A_1044, %dma_start3A_1045] : memref<400x64xf32, #tpu.memory_space<vmem>> -> memref<80x64xf32, #tpu.memory_space<vmem>>
        %dma_start3A_1047 = arith.constant 0 : i32
        %dma_start3A_1048 = tpu.memref_slice %arg6[%dma_start3A_1043, %dma_start3A_1047] : memref<5x80xi32, #tpu.memory_space<vmem>> -> memref<1x80xi32, #tpu.memory_space<vmem>>
        %dma_start3A_1049 = tpu.memref_squeeze %dma_start3A_1048 : memref<1x80xi32, #tpu.memory_space<vmem>> -> memref<80xi32, #tpu.memory_space<vmem>>
        %dma_start3A_1050 = arith.constant 0 : i32
        %dma_start3A_1051 = arith.constant 0 : i32
        %dma_start3A_1052 = tpu.memref_slice %arg2[%dma_start3A_1050, %dma_start3A_1051] : memref<1000000x64xf32, #tpu.memory_space<hbm>> -> memref<1000000x64xf32, #tpu.memory_space<hbm>>
        tpu.enqueue_indirect_dma source(%dma_start3A_1052 : memref<1000000x64xf32, #tpu.memory_space<hbm>>) target(%dma_start3A_1046 : memref<80x64xf32, #tpu.memory_space<vmem>>) offsets(%dma_start3A_1049 : memref<80xi32, #tpu.memory_space<vmem>>) semaphore(%arg10 : memref<!tpu.dma_semaphore, #tpu.memory_space<semaphore_mem>>)
        %dma_start3A_1053 = arith.constant 2 : i32
        %dma_start3A_1054 = arith.constant 160 : i32
        %dma_start3A_1055 = arith.constant 0 : i32
        %dma_start3A_1056 = tpu.memref_slice %arg8[%dma_start3A_1054, %dma_start3A_1055] : memref<400x64xf32, #tpu.memory_space<vmem>> -> memref<80x64xf32, #tpu.memory_space<vmem>>
        %dma_start3A_1057 = arith.constant 0 : i32
        %dma_start3A_1058 = tpu.memref_slice %arg6[%dma_start3A_1053, %dma_start3A_1057] : memref<5x80xi32, #tpu.memory_space<vmem>> -> memref<1x80xi32, #tpu.memory_space<vmem>>
        %dma_start3A_1059 = tpu.memref_squeeze %dma_start3A_1058 : memref<1x80xi32, #tpu.memory_space<vmem>> -> memref<80xi32, #tpu.memory_space<vmem>>
        %dma_start3A_1060 = arith.constant 0 : i32
        %dma_start3A_1061 = arith.constant 0 : i32
        %dma_start3A_1062 = tpu.memref_slice %arg2[%dma_start3A_1060, %dma_start3A_1061] : memref<1000000x64xf32, #tpu.memory_space<hbm>> -> memref<1000000x64xf32, #tpu.memory_space<hbm>>
        tpu.enqueue_indirect_dma source(%dma_start3A_1062 : memref<1000000x64xf32, #tpu.memory_space<hbm>>) target(%dma_start3A_1056 : memref<80x64xf32, #tpu.memory_space<vmem>>) offsets(%dma_start3A_1059 : memref<80xi32, #tpu.memory_space<vmem>>) semaphore(%arg10 : memref<!tpu.dma_semaphore, #tpu.memory_space<semaphore_mem>>)
        %dma_start3A_1063 = arith.constant 3 : i32
        %dma_start3A_1064 = arith.constant 240 : i32
        %dma_start3A_1065 = arith.constant 0 : i32
        %dma_start3A_1066 = tpu.memref_slice %arg8[%dma_start3A_1064, %dma_start3A_1065] : memref<400x64xf32, #tpu.memory_space<vmem>> -> memref<80x64xf32, #tpu.memory_space<vmem>>
        %dma_start3A_1067 = arith.constant 0 : i32
        %dma_start3A_1068 = tpu.memref_slice %arg6[%dma_start3A_1063, %dma_start3A_1067] : memref<5x80xi32, #tpu.memory_space<vmem>> -> memref<1x80xi32, #tpu.memory_space<vmem>>
        %dma_start3A_1069 = tpu.memref_squeeze %dma_start3A_1068 : memref<1x80xi32, #tpu.memory_space<vmem>> -> memref<80xi32, #tpu.memory_space<vmem>>
        %dma_start3A_1070 = arith.constant 0 : i32
        %dma_start3A_1071 = arith.constant 0 : i32
        %dma_start3A_1072 = tpu.memref_slice %arg2[%dma_start3A_1070, %dma_start3A_1071] : memref<1000000x64xf32, #tpu.memory_space<hbm>> -> memref<1000000x64xf32, #tpu.memory_space<hbm>>
        tpu.enqueue_indirect_dma source(%dma_start3A_1072 : memref<1000000x64xf32, #tpu.memory_space<hbm>>) target(%dma_start3A_1066 : memref<80x64xf32, #tpu.memory_space<vmem>>) offsets(%dma_start3A_1069 : memref<80xi32, #tpu.memory_space<vmem>>) semaphore(%arg10 : memref<!tpu.dma_semaphore, #tpu.memory_space<semaphore_mem>>)
        %dma_start3A_1073 = arith.constant 4 : i32
        %dma_start3A_1074 = arith.constant 320 : i32
        %dma_start3A_1075 = arith.constant 0 : i32
        %dma_start3A_1076 = tpu.memref_slice %arg8[%dma_start3A_1074, %dma_start3A_1075] : memref<400x64xf32, #tpu.memory_space<vmem>> -> memref<80x64xf32, #tpu.memory_space<vmem>>
        %dma_start3A_1077 = arith.constant 0 : i32
        %dma_start3A_1078 = tpu.memref_slice %arg6[%dma_start3A_1073, %dma_start3A_1077] : memref<5x80xi32, #tpu.memory_space<vmem>> -> memref<1x80xi32, #tpu.memory_space<vmem>>
        %dma_start3A_1079 = tpu.memref_squeeze %dma_start3A_1078 : memref<1x80xi32, #tpu.memory_space<vmem>> -> memref<80xi32, #tpu.memory_space<vmem>>
        %dma_start3A_1080 = arith.constant 0 : i32
        %dma_start3A_1081 = arith.constant 0 : i32
        %dma_start3A_1082 = tpu.memref_slice %arg2[%dma_start3A_1080, %dma_start3A_1081] : memref<1000000x64xf32, #tpu.memory_space<hbm>> -> memref<1000000x64xf32, #tpu.memory_space<hbm>>
        tpu.enqueue_indirect_dma source(%dma_start3A_1082 : memref<1000000x64xf32, #tpu.memory_space<hbm>>) target(%dma_start3A_1076 : memref<80x64xf32, #tpu.memory_space<vmem>>) offsets(%dma_start3A_1079 : memref<80xi32, #tpu.memory_space<vmem>>) semaphore(%arg10 : memref<!tpu.dma_semaphore, #tpu.memory_space<semaphore_mem>>)
        %dma_wait3A_1083 = arith.constant 0 : i32
        %dma_wait3A_1084 = tpu.memref_slice %arg4[%add3A_573, %dma_wait3A_1083] : memref<819200x64xf32, #tpu.memory_space<hbm>> -> memref<400x64xf32, #tpu.memory_space<hbm>>
        %dma_wait3A_1085 = arith.constant 0 : i32
        %dma_wait3A_1086 = tpu.memref_slice %arg4[%add3A_573, %dma_wait3A_1085] : memref<819200x64xf32, #tpu.memory_space<hbm>> -> memref<400x64xf32, #tpu.memory_space<hbm>>
        tpu.wait_dma2 semaphore(%arg11 : memref<!tpu.dma_semaphore, #tpu.memory_space<semaphore_mem>>) src(%arg7 : memref<400x64xf32, #tpu.memory_space<vmem>>) dst(%dma_wait3A_1086 : memref<400x64xf32, #tpu.memory_space<hbm>>)
        %dma_wait3A_1087 = arith.constant 0 : i32
        %dma_wait3A_1088 = arith.constant 0 : i32
        %dma_wait3A_1089 = arith.constant 0 : i32
        %dma_wait3A_1090 = tpu.memref_slice %arg8[%dma_wait3A_1088, %dma_wait3A_1089] : memref<400x64xf32, #tpu.memory_space<vmem>> -> memref<80x64xf32, #tpu.memory_space<vmem>>
        %dma_wait3A_1091 = arith.constant 0 : i32
        %dma_wait3A_1092 = tpu.memref_slice %arg6[%dma_wait3A_1087, %dma_wait3A_1091] : memref<5x80xi32, #tpu.memory_space<vmem>> -> memref<1x80xi32, #tpu.memory_space<vmem>>
        %dma_wait3A_1093 = tpu.memref_squeeze %dma_wait3A_1092 : memref<1x80xi32, #tpu.memory_space<vmem>> -> memref<80xi32, #tpu.memory_space<vmem>>
        %dma_wait3A_1094 = arith.constant 0 : i32
        %dma_wait3A_1095 = arith.constant 0 : i32
        %dma_wait3A_1096 = tpu.memref_slice %arg2[%dma_wait3A_1094, %dma_wait3A_1095] : memref<1000000x64xf32, #tpu.memory_space<hbm>> -> memref<1000000x64xf32, #tpu.memory_space<hbm>>
        tpu.wait_indirect_dma semaphore(%arg10 : memref<!tpu.dma_semaphore, #tpu.memory_space<semaphore_mem>>) src(%dma_wait3A_1096 : memref<1000000x64xf32, #tpu.memory_space<hbm>>) dst(%dma_wait3A_1090 : memref<80x64xf32, #tpu.memory_space<vmem>>)
        %dma_wait3A_1097 = arith.constant 1 : i32
        %dma_wait3A_1098 = arith.constant 80 : i32
        %dma_wait3A_1099 = arith.constant 0 : i32
        %dma_wait3A_1100 = tpu.memref_slice %arg8[%dma_wait3A_1098, %dma_wait3A_1099] : memref<400x64xf32, #tpu.memory_space<vmem>> -> memref<80x64xf32, #tpu.memory_space<vmem>>
        %dma_wait3A_1101 = arith.constant 0 : i32
        %dma_wait3A_1102 = tpu.memref_slice %arg6[%dma_wait3A_1097, %dma_wait3A_1101] : memref<5x80xi32, #tpu.memory_space<vmem>> -> memref<1x80xi32, #tpu.memory_space<vmem>>
        %dma_wait3A_1103 = tpu.memref_squeeze %dma_wait3A_1102 : memref<1x80xi32, #tpu.memory_space<vmem>> -> memref<80xi32, #tpu.memory_space<vmem>>
        %dma_wait3A_1104 = arith.constant 0 : i32
        %dma_wait3A_1105 = arith.constant 0 : i32
        %dma_wait3A_1106 = tpu.memref_slice %arg2[%dma_wait3A_1104, %dma_wait3A_1105] : memref<1000000x64xf32, #tpu.memory_space<hbm>> -> memref<1000000x64xf32, #tpu.memory_space<hbm>>
        tpu.wait_indirect_dma semaphore(%arg10 : memref<!tpu.dma_semaphore, #tpu.memory_space<semaphore_mem>>) src(%dma_wait3A_1106 : memref<1000000x64xf32, #tpu.memory_space<hbm>>) dst(%dma_wait3A_1100 : memref<80x64xf32, #tpu.memory_space<vmem>>)
        %dma_wait3A_1107 = arith.constant 2 : i32
        %dma_wait3A_1108 = arith.constant 160 : i32
        %dma_wait3A_1109 = arith.constant 0 : i32
        %dma_wait3A_1110 = tpu.memref_slice %arg8[%dma_wait3A_1108, %dma_wait3A_1109] : memref<400x64xf32, #tpu.memory_space<vmem>> -> memref<80x64xf32, #tpu.memory_space<vmem>>
        %dma_wait3A_1111 = arith.constant 0 : i32
        %dma_wait3A_1112 = tpu.memref_slice %arg6[%dma_wait3A_1107, %dma_wait3A_1111] : memref<5x80xi32, #tpu.memory_space<vmem>> -> memref<1x80xi32, #tpu.memory_space<vmem>>
        %dma_wait3A_1113 = tpu.memref_squeeze %dma_wait3A_1112 : memref<1x80xi32, #tpu.memory_space<vmem>> -> memref<80xi32, #tpu.memory_space<vmem>>
        %dma_wait3A_1114 = arith.constant 0 : i32
        %dma_wait3A_1115 = arith.constant 0 : i32
        %dma_wait3A_1116 = tpu.memref_slice %arg2[%dma_wait3A_1114, %dma_wait3A_1115] : memref<1000000x64xf32, #tpu.memory_space<hbm>> -> memref<1000000x64xf32, #tpu.memory_space<hbm>>
        tpu.wait_indirect_dma semaphore(%arg10 : memref<!tpu.dma_semaphore, #tpu.memory_space<semaphore_mem>>) src(%dma_wait3A_1116 : memref<1000000x64xf32, #tpu.memory_space<hbm>>) dst(%dma_wait3A_1110 : memref<80x64xf32, #tpu.memory_space<vmem>>)
        %dma_wait3A_1117 = arith.constant 3 : i32
        %dma_wait3A_1118 = arith.constant 240 : i32
        %dma_wait3A_1119 = arith.constant 0 : i32
        %dma_wait3A_1120 = tpu.memref_slice %arg8[%dma_wait3A_1118, %dma_wait3A_1119] : memref<400x64xf32, #tpu.memory_space<vmem>> -> memref<80x64xf32, #tpu.memory_space<vmem>>
        %dma_wait3A_1121 = arith.constant 0 : i32
        %dma_wait3A_1122 = tpu.memref_slice %arg6[%dma_wait3A_1117, %dma_wait3A_1121] : memref<5x80xi32, #tpu.memory_space<vmem>> -> memref<1x80xi32, #tpu.memory_space<vmem>>
        %dma_wait3A_1123 = tpu.memref_squeeze %dma_wait3A_1122 : memref<1x80xi32, #tpu.memory_space<vmem>> -> memref<80xi32, #tpu.memory_space<vmem>>
        %dma_wait3A_1124 = arith.constant 0 : i32
        %dma_wait3A_1125 = arith.constant 0 : i32
        %dma_wait3A_1126 = tpu.memref_slice %arg2[%dma_wait3A_1124, %dma_wait3A_1125] : memref<1000000x64xf32, #tpu.memory_space<hbm>> -> memref<1000000x64xf32, #tpu.memory_space<hbm>>
        tpu.wait_indirect_dma semaphore(%arg10 : memref<!tpu.dma_semaphore, #tpu.memory_space<semaphore_mem>>) src(%dma_wait3A_1126 : memref<1000000x64xf32, #tpu.memory_space<hbm>>) dst(%dma_wait3A_1120 : memref<80x64xf32, #tpu.memory_space<vmem>>)
        %dma_wait3A_1127 = arith.constant 4 : i32
        %dma_wait3A_1128 = arith.constant 320 : i32
        %dma_wait3A_1129 = arith.constant 0 : i32
        %dma_wait3A_1130 = tpu.memref_slice %arg8[%dma_wait3A_1128, %dma_wait3A_1129] : memref<400x64xf32, #tpu.memory_space<vmem>> -> memref<80x64xf32, #tpu.memory_space<vmem>>
        %dma_wait3A_1131 = arith.constant 0 : i32
        %dma_wait3A_1132 = tpu.memref_slice %arg6[%dma_wait3A_1127, %dma_wait3A_1131] : memref<5x80xi32, #tpu.memory_space<vmem>> -> memref<1x80xi32, #tpu.memory_space<vmem>>
        %dma_wait3A_1133 = tpu.memref_squeeze %dma_wait3A_1132 : memref<1x80xi32, #tpu.memory_space<vmem>> -> memref<80xi32, #tpu.memory_space<vmem>>
        %dma_wait3A_1134 = arith.constant 0 : i32
        %dma_wait3A_1135 = arith.constant 0 : i32
        %dma_wait3A_1136 = tpu.memref_slice %arg2[%dma_wait3A_1134, %dma_wait3A_1135] : memref<1000000x64xf32, #tpu.memory_space<hbm>> -> memref<1000000x64xf32, #tpu.memory_space<hbm>>
        tpu.wait_indirect_dma semaphore(%arg10 : memref<!tpu.dma_semaphore, #tpu.memory_space<semaphore_mem>>) src(%dma_wait3A_1136 : memref<1000000x64xf32, #tpu.memory_space<hbm>>) dst(%dma_wait3A_1130 : memref<80x64xf32, #tpu.memory_space<vmem>>)
      } else {
      }
      %eq3A_566 = arith.constant 1 : i32
      %eq3A_567 = arith.cmpi eq, %rem3A_562, %eq3A_566 : i32
      %convert_element_type3A_568 = arith.extui %eq3A_567 : i1 to i32
      %cond3A_569 = arith.constant 0 : i32
      %cond3A_570 = arith.cmpi ne, %convert_element_type3A_568, %cond3A_569 : i32
      scf.if %cond3A_570 {
        %mul3A_571 = arith.constant 400 : i32
        %mul3A_572 = arith.muli %scan3A_561, %mul3A_571 : i32
        %add3A_573 = arith.addi %mul3A_2, %mul3A_572 : i32
        %dma_start3A_574 = arith.constant 0 : i32
        %dma_start3A_575 = tpu.memref_slice %arg4[%add3A_573, %dma_start3A_574] : memref<819200x64xf32, #tpu.memory_space<hbm>> -> memref<400x64xf32, #tpu.memory_space<hbm>>
        %dma_start3A_576 = arith.constant 0 : i32
        %dma_start3A_577 = tpu.memref_slice %arg4[%add3A_573, %dma_start3A_576] : memref<819200x64xf32, #tpu.memory_space<hbm>> -> memref<400x64xf32, #tpu.memory_space<hbm>>
        tpu.enqueue_dma source(%arg8 : memref<400x64xf32, #tpu.memory_space<vmem>>) target(%dma_start3A_577 : memref<400x64xf32, #tpu.memory_space<hbm>>) target_semaphore(%arg11 : memref<!tpu.dma_semaphore, #tpu.memory_space<semaphore_mem>>)
        %add3A_578 = arith.constant 1 : i32
        %add3A_579 = arith.addi %scan3A_561, %add3A_578 : i32
        %mul3A_580 = arith.constant 400 : i32
        %mul3A_581 = arith.muli %add3A_579, %mul3A_580 : i32
        %add3A_582 = arith.addi %mul3A_2, %mul3A_581 : i32
        "tpu.region"() ({
          %run_scoped3A = tpu.sem_alloc : memref<!tpu.dma_semaphore, #tpu.memory_space<semaphore_mem>>
          %dma_start3A_1137 = tpu.memref_slice %arg3[%add3A_582] : memref<819200xi32, #tpu.memory_space<hbm>> -> memref<400xi32, #tpu.memory_space<hbm>>
          %dma_start3A_1138 = tpu.memref_slice %arg3[%add3A_582] : memref<819200xi32, #tpu.memory_space<hbm>> -> memref<400xi32, #tpu.memory_space<hbm>>
          tpu.enqueue_dma source(%dma_start3A_1138 : memref<400xi32, #tpu.memory_space<hbm>>) target(%arg5 : memref<400xi32, #tpu.memory_space<vmem>>) target_semaphore(%run_scoped3A : memref<!tpu.dma_semaphore, #tpu.memory_space<semaphore_mem>>)
          %dma_wait3A_1139 = tpu.memref_slice %arg3[%add3A_582] : memref<819200xi32, #tpu.memory_space<hbm>> -> memref<400xi32, #tpu.memory_space<hbm>>
          %dma_wait3A_1140 = tpu.memref_slice %arg3[%add3A_582] : memref<819200xi32, #tpu.memory_space<hbm>> -> memref<400xi32, #tpu.memory_space<hbm>>
          tpu.wait_dma2 semaphore(%run_scoped3A : memref<!tpu.dma_semaphore, #tpu.memory_space<semaphore_mem>>) src(%dma_wait3A_1140 : memref<400xi32, #tpu.memory_space<hbm>>) dst(%arg5 : memref<400xi32, #tpu.memory_space<vmem>>)
          tpu.yield
        }) : () -> ()
        %get3A_583 = arith.constant 0 : index
        %get3A_584 = tpu.vector_load %arg5[%get3A_583] {strides = array<i32>} : memref<400xi32, #tpu.memory_space<vmem>>, vector<16xi32>,
        %get3A_585 = vector.shape_cast %get3A_584 : vector<16xi32> to vector<16xi32>
        %eq3A_586 = arith.constant 0 : i32
        %eq3A_587 = vector.broadcast %eq3A_586 : i32 to vector<16xi32>
        %eq3A_588 = arith.cmpi eq, %get3A_585, %eq3A_587 : vector<16xi32>
        %sub3A_589 = arith.constant 1 : i32
        %sub3A_590 = vector.broadcast %sub3A_589 : i32 to vector<16xi32>
        %sub3A_591 = arith.subi %get3A_585, %sub3A_590 : vector<16xi32>
        %jit3A_592 = arith.constant 999999 : i32
        %broadcast_in_dim3A_593 = vector.broadcast %jit3A_592 : i32 to vector<16xi32>
        %select_n3A_594 = arith.select %eq3A_588, %broadcast_in_dim3A_593, %sub3A_591 : vector<16xi1>, vector<16xi32>
        %swap3A_595 = arith.constant 0 : i32
        %swap3A_596 = arith.index_cast %swap3A_595 : i32 to index
        %swap3A_597 = arith.constant 0 : index
        %swap3A_598 = tpu.vector_load %arg6[%swap3A_596, %swap3A_597] {strides = array<i32>} : memref<5x80xi32, #tpu.memory_space<vmem>>, vector<1x16xi32>,
        %swap3A_599 = vector.shape_cast %swap3A_598 : vector<1x16xi32> to vector<16xi32>
        %swap3A_600 = vector.shape_cast %select_n3A_594 : vector<16xi32> to vector<1x16xi32>
        tpu.vector_store %arg6[%swap3A_596, %swap3A_597], %swap3A_600 {strides = array<i32>} : memref<5x80xi32, #tpu.memory_space<vmem>>, vector<1x16xi32>,
        %get3A_601 = arith.constant 16 : index
        %get3A_602 = tpu.vector_load %arg5[%get3A_601] {strides = array<i32>} : memref<400xi32, #tpu.memory_space<vmem>>, vector<16xi32>,
        %get3A_603 = vector.shape_cast %get3A_602 : vector<16xi32> to vector<16xi32>
        %eq3A_604 = arith.constant 0 : i32
        %eq3A_605 = vector.broadcast %eq3A_604 : i32 to vector<16xi32>
        %eq3A_606 = arith.cmpi eq, %get3A_603, %eq3A_605 : vector<16xi32>
        %sub3A_607 = arith.constant 1 : i32
        %sub3A_608 = vector.broadcast %sub3A_607 : i32 to vector<16xi32>
        %sub3A_609 = arith.subi %get3A_603, %sub3A_608 : vector<16xi32>
        %jit3A_610 = arith.constant 999999 : i32
        %broadcast_in_dim3A_611 = vector.broadcast %jit3A_610 : i32 to vector<16xi32>
        %select_n3A_612 = arith.select %eq3A_606, %broadcast_in_dim3A_611, %sub3A_609 : vector<16xi1>, vector<16xi32>
        %swap3A_613 = arith.constant 0 : i32
        %swap3A_614 = arith.index_cast %swap3A_613 : i32 to index
        %swap3A_615 = arith.constant 16 : index
        %swap3A_616 = tpu.vector_load %arg6[%swap3A_614, %swap3A_615] {strides = array<i32>} : memref<5x80xi32, #tpu.memory_space<vmem>>, vector<1x16xi32>,
        %swap3A_617 = vector.shape_cast %swap3A_616 : vector<1x16xi32> to vector<16xi32>
        %swap3A_618 = vector.shape_cast %select_n3A_612 : vector<16xi32> to vector<1x16xi32>
        tpu.vector_store %arg6[%swap3A_614, %swap3A_615], %swap3A_618 {strides = array<i32>} : memref<5x80xi32, #tpu.memory_space<vmem>>, vector<1x16xi32>,
        %get3A_619 = arith.constant 32 : index
        %get3A_620 = tpu.vector_load %arg5[%get3A_619] {strides = array<i32>} : memref<400xi32, #tpu.memory_space<vmem>>, vector<16xi32>,
        %get3A_621 = vector.shape_cast %get3A_620 : vector<16xi32> to vector<16xi32>
        %eq3A_622 = arith.constant 0 : i32
        %eq3A_623 = vector.broadcast %eq3A_622 : i32 to vector<16xi32>
        %eq3A_624 = arith.cmpi eq, %get3A_621, %eq3A_623 : vector<16xi32>
        %sub3A_625 = arith.constant 1 : i32
        %sub3A_626 = vector.broadcast %sub3A_625 : i32 to vector<16xi32>
        %sub3A_627 = arith.subi %get3A_621, %sub3A_626 : vector<16xi32>
        %jit3A_628 = arith.constant 999999 : i32
        %broadcast_in_dim3A_629 = vector.broadcast %jit3A_628 : i32 to vector<16xi32>
        %select_n3A_630 = arith.select %eq3A_624, %broadcast_in_dim3A_629, %sub3A_627 : vector<16xi1>, vector<16xi32>
        %swap3A_631 = arith.constant 0 : i32
        %swap3A_632 = arith.index_cast %swap3A_631 : i32 to index
        %swap3A_633 = arith.constant 32 : index
        %swap3A_634 = tpu.vector_load %arg6[%swap3A_632, %swap3A_633] {strides = array<i32>} : memref<5x80xi32, #tpu.memory_space<vmem>>, vector<1x16xi32>,
        %swap3A_635 = vector.shape_cast %swap3A_634 : vector<1x16xi32> to vector<16xi32>
        %swap3A_636 = vector.shape_cast %select_n3A_630 : vector<16xi32> to vector<1x16xi32>
        tpu.vector_store %arg6[%swap3A_632, %swap3A_633], %swap3A_636 {strides = array<i32>} : memref<5x80xi32, #tpu.memory_space<vmem>>, vector<1x16xi32>,
        %get3A_637 = arith.constant 48 : index
        %get3A_638 = tpu.vector_load %arg5[%get3A_637] {strides = array<i32>} : memref<400xi32, #tpu.memory_space<vmem>>, vector<16xi32>,
        %get3A_639 = vector.shape_cast %get3A_638 : vector<16xi32> to vector<16xi32>
        %eq3A_640 = arith.constant 0 : i32
        %eq3A_641 = vector.broadcast %eq3A_640 : i32 to vector<16xi32>
        %eq3A_642 = arith.cmpi eq, %get3A_639, %eq3A_641 : vector<16xi32>
        %sub3A_643 = arith.constant 1 : i32
        %sub3A_644 = vector.broadcast %sub3A_643 : i32 to vector<16xi32>
        %sub3A_645 = arith.subi %get3A_639, %sub3A_644 : vector<16xi32>
        %jit3A_646 = arith.constant 999999 : i32
        %broadcast_in_dim3A_647 = vector.broadcast %jit3A_646 : i32 to vector<16xi32>
        %select_n3A_648 = arith.select %eq3A_642, %broadcast_in_dim3A_647, %sub3A_645 : vector<16xi1>, vector<16xi32>
        %swap3A_649 = arith.constant 0 : i32
        %swap3A_650 = arith.index_cast %swap3A_649 : i32 to index
        %swap3A_651 = arith.constant 48 : index
        %swap3A_652 = tpu.vector_load %arg6[%swap3A_650, %swap3A_651] {strides = array<i32>} : memref<5x80xi32, #tpu.memory_space<vmem>>, vector<1x16xi32>,
        %swap3A_653 = vector.shape_cast %swap3A_652 : vector<1x16xi32> to vector<16xi32>
        %swap3A_654 = vector.shape_cast %select_n3A_648 : vector<16xi32> to vector<1x16xi32>
        tpu.vector_store %arg6[%swap3A_650, %swap3A_651], %swap3A_654 {strides = array<i32>} : memref<5x80xi32, #tpu.memory_space<vmem>>, vector<1x16xi32>,
        %get3A_655 = arith.constant 64 : index
        %get3A_656 = tpu.vector_load %arg5[%get3A_655] {strides = array<i32>} : memref<400xi32, #tpu.memory_space<vmem>>, vector<16xi32>,
        %get3A_657 = vector.shape_cast %get3A_656 : vector<16xi32> to vector<16xi32>
        %eq3A_658 = arith.constant 0 : i32
        %eq3A_659 = vector.broadcast %eq3A_658 : i32 to vector<16xi32>
        %eq3A_660 = arith.cmpi eq, %get3A_657, %eq3A_659 : vector<16xi32>
        %sub3A_661 = arith.constant 1 : i32
        %sub3A_662 = vector.broadcast %sub3A_661 : i32 to vector<16xi32>
        %sub3A_663 = arith.subi %get3A_657, %sub3A_662 : vector<16xi32>
        %jit3A_664 = arith.constant 999999 : i32
        %broadcast_in_dim3A_665 = vector.broadcast %jit3A_664 : i32 to vector<16xi32>
        %select_n3A_666 = arith.select %eq3A_660, %broadcast_in_dim3A_665, %sub3A_663 : vector<16xi1>, vector<16xi32>
        %swap3A_667 = arith.constant 0 : i32
        %swap3A_668 = arith.index_cast %swap3A_667 : i32 to index
        %swap3A_669 = arith.constant 64 : index
        %swap3A_670 = tpu.vector_load %arg6[%swap3A_668, %swap3A_669] {strides = array<i32>} : memref<5x80xi32, #tpu.memory_space<vmem>>, vector<1x16xi32>,
        %swap3A_671 = vector.shape_cast %swap3A_670 : vector<1x16xi32> to vector<16xi32>
        %swap3A_672 = vector.shape_cast %select_n3A_666 : vector<16xi32> to vector<1x16xi32>
        tpu.vector_store %arg6[%swap3A_668, %swap3A_669], %swap3A_672 {strides = array<i32>} : memref<5x80xi32, #tpu.memory_space<vmem>>, vector<1x16xi32>,
        %get3A_673 = arith.constant 80 : index
        %get3A_674 = tpu.vector_load %arg5[%get3A_673] {strides = array<i32>} : memref<400xi32, #tpu.memory_space<vmem>>, vector<16xi32>,
        %get3A_675 = vector.shape_cast %get3A_674 : vector<16xi32> to vector<16xi32>
        %eq3A_676 = arith.constant 0 : i32
        %eq3A_677 = vector.broadcast %eq3A_676 : i32 to vector<16xi32>
        %eq3A_678 = arith.cmpi eq, %get3A_675, %eq3A_677 : vector<16xi32>
        %sub3A_679 = arith.constant 1 : i32
        %sub3A_680 = vector.broadcast %sub3A_679 : i32 to vector<16xi32>
        %sub3A_681 = arith.subi %get3A_675, %sub3A_680 : vector<16xi32>
        %jit3A_682 = arith.constant 999999 : i32
        %broadcast_in_dim3A_683 = vector.broadcast %jit3A_682 : i32 to vector<16xi32>
        %select_n3A_684 = arith.select %eq3A_678, %broadcast_in_dim3A_683, %sub3A_681 : vector<16xi1>, vector<16xi32>
        %swap3A_685 = arith.constant 1 : i32
        %swap3A_686 = arith.index_cast %swap3A_685 : i32 to index
        %swap3A_687 = arith.constant 0 : index
        %swap3A_688 = tpu.vector_load %arg6[%swap3A_686, %swap3A_687] {strides = array<i32>} : memref<5x80xi32, #tpu.memory_space<vmem>>, vector<1x16xi32>,
        %swap3A_689 = vector.shape_cast %swap3A_688 : vector<1x16xi32> to vector<16xi32>
        %swap3A_690 = vector.shape_cast %select_n3A_684 : vector<16xi32> to vector<1x16xi32>
        tpu.vector_store %arg6[%swap3A_686, %swap3A_687], %swap3A_690 {strides = array<i32>} : memref<5x80xi32, #tpu.memory_space<vmem>>, vector<1x16xi32>,
        %get3A_691 = arith.constant 96 : index
        %get3A_692 = tpu.vector_load %arg5[%get3A_691] {strides = array<i32>} : memref<400xi32, #tpu.memory_space<vmem>>, vector<16xi32>,
        %get3A_693 = vector.shape_cast %get3A_692 : vector<16xi32> to vector<16xi32>
        %eq3A_694 = arith.constant 0 : i32
        %eq3A_695 = vector.broadcast %eq3A_694 : i32 to vector<16xi32>
        %eq3A_696 = arith.cmpi eq, %get3A_693, %eq3A_695 : vector<16xi32>
        %sub3A_697 = arith.constant 1 : i32
        %sub3A_698 = vector.broadcast %sub3A_697 : i32 to vector<16xi32>
        %sub3A_699 = arith.subi %get3A_693, %sub3A_698 : vector<16xi32>
        %jit3A_700 = arith.constant 999999 : i32
        %broadcast_in_dim3A_701 = vector.broadcast %jit3A_700 : i32 to vector<16xi32>
        %select_n3A_702 = arith.select %eq3A_696, %broadcast_in_dim3A_701, %sub3A_699 : vector<16xi1>, vector<16xi32>
        %swap3A_703 = arith.constant 1 : i32
        %swap3A_704 = arith.index_cast %swap3A_703 : i32 to index
        %swap3A_705 = arith.constant 16 : index
        %swap3A_706 = tpu.vector_load %arg6[%swap3A_704, %swap3A_705] {strides = array<i32>} : memref<5x80xi32, #tpu.memory_space<vmem>>, vector<1x16xi32>,
        %swap3A_707 = vector.shape_cast %swap3A_706 : vector<1x16xi32> to vector<16xi32>
        %swap3A_708 = vector.shape_cast %select_n3A_702 : vector<16xi32> to vector<1x16xi32>
        tpu.vector_store %arg6[%swap3A_704, %swap3A_705], %swap3A_708 {strides = array<i32>} : memref<5x80xi32, #tpu.memory_space<vmem>>, vector<1x16xi32>,
        %get3A_709 = arith.constant 112 : index
        %get3A_710 = tpu.vector_load %arg5[%get3A_709] {strides = array<i32>} : memref<400xi32, #tpu.memory_space<vmem>>, vector<16xi32>,
        %get3A_711 = vector.shape_cast %get3A_710 : vector<16xi32> to vector<16xi32>
        %eq3A_712 = arith.constant 0 : i32
        %eq3A_713 = vector.broadcast %eq3A_712 : i32 to vector<16xi32>
        %eq3A_714 = arith.cmpi eq, %get3A_711, %eq3A_713 : vector<16xi32>
        %sub3A_715 = arith.constant 1 : i32
        %sub3A_716 = vector.broadcast %sub3A_715 : i32 to vector<16xi32>
        %sub3A_717 = arith.subi %get3A_711, %sub3A_716 : vector<16xi32>
        %jit3A_718 = arith.constant 999999 : i32
        %broadcast_in_dim3A_719 = vector.broadcast %jit3A_718 : i32 to vector<16xi32>
        %select_n3A_720 = arith.select %eq3A_714, %broadcast_in_dim3A_719, %sub3A_717 : vector<16xi1>, vector<16xi32>
        %swap3A_721 = arith.constant 1 : i32
        %swap3A_722 = arith.index_cast %swap3A_721 : i32 to index
        %swap3A_723 = arith.constant 32 : index
        %swap3A_724 = tpu.vector_load %arg6[%swap3A_722, %swap3A_723] {strides = array<i32>} : memref<5x80xi32, #tpu.memory_space<vmem>>, vector<1x16xi32>,
        %swap3A_725 = vector.shape_cast %swap3A_724 : vector<1x16xi32> to vector<16xi32>
        %swap3A_726 = vector.shape_cast %select_n3A_720 : vector<16xi32> to vector<1x16xi32>
        tpu.vector_store %arg6[%swap3A_722, %swap3A_723], %swap3A_726 {strides = array<i32>} : memref<5x80xi32, #tpu.memory_space<vmem>>, vector<1x16xi32>,
        %get3A_727 = arith.constant 128 : index
        %get3A_728 = tpu.vector_load %arg5[%get3A_727] {strides = array<i32>} : memref<400xi32, #tpu.memory_space<vmem>>, vector<16xi32>,
        %get3A_729 = vector.shape_cast %get3A_728 : vector<16xi32> to vector<16xi32>
        %eq3A_730 = arith.constant 0 : i32
        %eq3A_731 = vector.broadcast %eq3A_730 : i32 to vector<16xi32>
        %eq3A_732 = arith.cmpi eq, %get3A_729, %eq3A_731 : vector<16xi32>
        %sub3A_733 = arith.constant 1 : i32
        %sub3A_734 = vector.broadcast %sub3A_733 : i32 to vector<16xi32>
        %sub3A_735 = arith.subi %get3A_729, %sub3A_734 : vector<16xi32>
        %jit3A_736 = arith.constant 999999 : i32
        %broadcast_in_dim3A_737 = vector.broadcast %jit3A_736 : i32 to vector<16xi32>
        %select_n3A_738 = arith.select %eq3A_732, %broadcast_in_dim3A_737, %sub3A_735 : vector<16xi1>, vector<16xi32>
        %swap3A_739 = arith.constant 1 : i32
        %swap3A_740 = arith.index_cast %swap3A_739 : i32 to index
        %swap3A_741 = arith.constant 48 : index
        %swap3A_742 = tpu.vector_load %arg6[%swap3A_740, %swap3A_741] {strides = array<i32>} : memref<5x80xi32, #tpu.memory_space<vmem>>, vector<1x16xi32>,
        %swap3A_743 = vector.shape_cast %swap3A_742 : vector<1x16xi32> to vector<16xi32>
        %swap3A_744 = vector.shape_cast %select_n3A_738 : vector<16xi32> to vector<1x16xi32>
        tpu.vector_store %arg6[%swap3A_740, %swap3A_741], %swap3A_744 {strides = array<i32>} : memref<5x80xi32, #tpu.memory_space<vmem>>, vector<1x16xi32>,
        %get3A_745 = arith.constant 144 : index
        %get3A_746 = tpu.vector_load %arg5[%get3A_745] {strides = array<i32>} : memref<400xi32, #tpu.memory_space<vmem>>, vector<16xi32>,
        %get3A_747 = vector.shape_cast %get3A_746 : vector<16xi32> to vector<16xi32>
        %eq3A_748 = arith.constant 0 : i32
        %eq3A_749 = vector.broadcast %eq3A_748 : i32 to vector<16xi32>
        %eq3A_750 = arith.cmpi eq, %get3A_747, %eq3A_749 : vector<16xi32>
        %sub3A_751 = arith.constant 1 : i32
        %sub3A_752 = vector.broadcast %sub3A_751 : i32 to vector<16xi32>
        %sub3A_753 = arith.subi %get3A_747, %sub3A_752 : vector<16xi32>
        %jit3A_754 = arith.constant 999999 : i32
        %broadcast_in_dim3A_755 = vector.broadcast %jit3A_754 : i32 to vector<16xi32>
        %select_n3A_756 = arith.select %eq3A_750, %broadcast_in_dim3A_755, %sub3A_753 : vector<16xi1>, vector<16xi32>
        %swap3A_757 = arith.constant 1 : i32
        %swap3A_758 = arith.index_cast %swap3A_757 : i32 to index
        %swap3A_759 = arith.constant 64 : index
        %swap3A_760 = tpu.vector_load %arg6[%swap3A_758, %swap3A_759] {strides = array<i32>} : memref<5x80xi32, #tpu.memory_space<vmem>>, vector<1x16xi32>,
        %swap3A_761 = vector.shape_cast %swap3A_760 : vector<1x16xi32> to vector<16xi32>
        %swap3A_762 = vector.shape_cast %select_n3A_756 : vector<16xi32> to vector<1x16xi32>
        tpu.vector_store %arg6[%swap3A_758, %swap3A_759], %swap3A_762 {strides = array<i32>} : memref<5x80xi32, #tpu.memory_space<vmem>>, vector<1x16xi32>,
        %get3A_763 = arith.constant 160 : index
        %get3A_764 = tpu.vector_load %arg5[%get3A_763] {strides = array<i32>} : memref<400xi32, #tpu.memory_space<vmem>>, vector<16xi32>,
        %get3A_765 = vector.shape_cast %get3A_764 : vector<16xi32> to vector<16xi32>
        %eq3A_766 = arith.constant 0 : i32
        %eq3A_767 = vector.broadcast %eq3A_766 : i32 to vector<16xi32>
        %eq3A_768 = arith.cmpi eq, %get3A_765, %eq3A_767 : vector<16xi32>
        %sub3A_769 = arith.constant 1 : i32
        %sub3A_770 = vector.broadcast %sub3A_769 : i32 to vector<16xi32>
        %sub3A_771 = arith.subi %get3A_765, %sub3A_770 : vector<16xi32>
        %jit3A_772 = arith.constant 999999 : i32
        %broadcast_in_dim3A_773 = vector.broadcast %jit3A_772 : i32 to vector<16xi32>
        %select_n3A_774 = arith.select %eq3A_768, %broadcast_in_dim3A_773, %sub3A_771 : vector<16xi1>, vector<16xi32>
        %swap3A_775 = arith.constant 2 : i32
        %swap3A_776 = arith.index_cast %swap3A_775 : i32 to index
        %swap3A_777 = arith.constant 0 : index
        %swap3A_778 = tpu.vector_load %arg6[%swap3A_776, %swap3A_777] {strides = array<i32>} : memref<5x80xi32, #tpu.memory_space<vmem>>, vector<1x16xi32>,
        %swap3A_779 = vector.shape_cast %swap3A_778 : vector<1x16xi32> to vector<16xi32>
        %swap3A_780 = vector.shape_cast %select_n3A_774 : vector<16xi32> to vector<1x16xi32>
        tpu.vector_store %arg6[%swap3A_776, %swap3A_777], %swap3A_780 {strides = array<i32>} : memref<5x80xi32, #tpu.memory_space<vmem>>, vector<1x16xi32>,
        %get3A_781 = arith.constant 176 : index
        %get3A_782 = tpu.vector_load %arg5[%get3A_781] {strides = array<i32>} : memref<400xi32, #tpu.memory_space<vmem>>, vector<16xi32>,
        %get3A_783 = vector.shape_cast %get3A_782 : vector<16xi32> to vector<16xi32>
        %eq3A_784 = arith.constant 0 : i32
        %eq3A_785 = vector.broadcast %eq3A_784 : i32 to vector<16xi32>
        %eq3A_786 = arith.cmpi eq, %get3A_783, %eq3A_785 : vector<16xi32>
        %sub3A_787 = arith.constant 1 : i32
        %sub3A_788 = vector.broadcast %sub3A_787 : i32 to vector<16xi32>
        %sub3A_789 = arith.subi %get3A_783, %sub3A_788 : vector<16xi32>
        %jit3A_790 = arith.constant 999999 : i32
        %broadcast_in_dim3A_791 = vector.broadcast %jit3A_790 : i32 to vector<16xi32>
        %select_n3A_792 = arith.select %eq3A_786, %broadcast_in_dim3A_791, %sub3A_789 : vector<16xi1>, vector<16xi32>
        %swap3A_793 = arith.constant 2 : i32
        %swap3A_794 = arith.index_cast %swap3A_793 : i32 to index
        %swap3A_795 = arith.constant 16 : index
        %swap3A_796 = tpu.vector_load %arg6[%swap3A_794, %swap3A_795] {strides = array<i32>} : memref<5x80xi32, #tpu.memory_space<vmem>>, vector<1x16xi32>,
        %swap3A_797 = vector.shape_cast %swap3A_796 : vector<1x16xi32> to vector<16xi32>
        %swap3A_798 = vector.shape_cast %select_n3A_792 : vector<16xi32> to vector<1x16xi32>
        tpu.vector_store %arg6[%swap3A_794, %swap3A_795], %swap3A_798 {strides = array<i32>} : memref<5x80xi32, #tpu.memory_space<vmem>>, vector<1x16xi32>,
        %get3A_799 = arith.constant 192 : index
        %get3A_800 = tpu.vector_load %arg5[%get3A_799] {strides = array<i32>} : memref<400xi32, #tpu.memory_space<vmem>>, vector<16xi32>,
        %get3A_801 = vector.shape_cast %get3A_800 : vector<16xi32> to vector<16xi32>
        %eq3A_802 = arith.constant 0 : i32
        %eq3A_803 = vector.broadcast %eq3A_802 : i32 to vector<16xi32>
        %eq3A_804 = arith.cmpi eq, %get3A_801, %eq3A_803 : vector<16xi32>
        %sub3A_805 = arith.constant 1 : i32
        %sub3A_806 = vector.broadcast %sub3A_805 : i32 to vector<16xi32>
        %sub3A_807 = arith.subi %get3A_801, %sub3A_806 : vector<16xi32>
        %jit3A_808 = arith.constant 999999 : i32
        %broadcast_in_dim3A_809 = vector.broadcast %jit3A_808 : i32 to vector<16xi32>
        %select_n3A_810 = arith.select %eq3A_804, %broadcast_in_dim3A_809, %sub3A_807 : vector<16xi1>, vector<16xi32>
        %swap3A_811 = arith.constant 2 : i32
        %swap3A_812 = arith.index_cast %swap3A_811 : i32 to index
        %swap3A_813 = arith.constant 32 : index
        %swap3A_814 = tpu.vector_load %arg6[%swap3A_812, %swap3A_813] {strides = array<i32>} : memref<5x80xi32, #tpu.memory_space<vmem>>, vector<1x16xi32>,
        %swap3A_815 = vector.shape_cast %swap3A_814 : vector<1x16xi32> to vector<16xi32>
        %swap3A_816 = vector.shape_cast %select_n3A_810 : vector<16xi32> to vector<1x16xi32>
        tpu.vector_store %arg6[%swap3A_812, %swap3A_813], %swap3A_816 {strides = array<i32>} : memref<5x80xi32, #tpu.memory_space<vmem>>, vector<1x16xi32>,
        %get3A_817 = arith.constant 208 : index
        %get3A_818 = tpu.vector_load %arg5[%get3A_817] {strides = array<i32>} : memref<400xi32, #tpu.memory_space<vmem>>, vector<16xi32>,
        %get3A_819 = vector.shape_cast %get3A_818 : vector<16xi32> to vector<16xi32>
        %eq3A_820 = arith.constant 0 : i32
        %eq3A_821 = vector.broadcast %eq3A_820 : i32 to vector<16xi32>
        %eq3A_822 = arith.cmpi eq, %get3A_819, %eq3A_821 : vector<16xi32>
        %sub3A_823 = arith.constant 1 : i32
        %sub3A_824 = vector.broadcast %sub3A_823 : i32 to vector<16xi32>
        %sub3A_825 = arith.subi %get3A_819, %sub3A_824 : vector<16xi32>
        %jit3A_826 = arith.constant 999999 : i32
        %broadcast_in_dim3A_827 = vector.broadcast %jit3A_826 : i32 to vector<16xi32>
        %select_n3A_828 = arith.select %eq3A_822, %broadcast_in_dim3A_827, %sub3A_825 : vector<16xi1>, vector<16xi32>
        %swap3A_829 = arith.constant 2 : i32
        %swap3A_830 = arith.index_cast %swap3A_829 : i32 to index
        %swap3A_831 = arith.constant 48 : index
        %swap3A_832 = tpu.vector_load %arg6[%swap3A_830, %swap3A_831] {strides = array<i32>} : memref<5x80xi32, #tpu.memory_space<vmem>>, vector<1x16xi32>,
        %swap3A_833 = vector.shape_cast %swap3A_832 : vector<1x16xi32> to vector<16xi32>
        %swap3A_834 = vector.shape_cast %select_n3A_828 : vector<16xi32> to vector<1x16xi32>
        tpu.vector_store %arg6[%swap3A_830, %swap3A_831], %swap3A_834 {strides = array<i32>} : memref<5x80xi32, #tpu.memory_space<vmem>>, vector<1x16xi32>,
        %get3A_835 = arith.constant 224 : index
        %get3A_836 = tpu.vector_load %arg5[%get3A_835] {strides = array<i32>} : memref<400xi32, #tpu.memory_space<vmem>>, vector<16xi32>,
        %get3A_837 = vector.shape_cast %get3A_836 : vector<16xi32> to vector<16xi32>
        %eq3A_838 = arith.constant 0 : i32
        %eq3A_839 = vector.broadcast %eq3A_838 : i32 to vector<16xi32>
        %eq3A_840 = arith.cmpi eq, %get3A_837, %eq3A_839 : vector<16xi32>
        %sub3A_841 = arith.constant 1 : i32
        %sub3A_842 = vector.broadcast %sub3A_841 : i32 to vector<16xi32>
        %sub3A_843 = arith.subi %get3A_837, %sub3A_842 : vector<16xi32>
        %jit3A_844 = arith.constant 999999 : i32
        %broadcast_in_dim3A_845 = vector.broadcast %jit3A_844 : i32 to vector<16xi32>
        %select_n3A_846 = arith.select %eq3A_840, %broadcast_in_dim3A_845, %sub3A_843 : vector<16xi1>, vector<16xi32>
        %swap3A_847 = arith.constant 2 : i32
        %swap3A_848 = arith.index_cast %swap3A_847 : i32 to index
        %swap3A_849 = arith.constant 64 : index
        %swap3A_850 = tpu.vector_load %arg6[%swap3A_848, %swap3A_849] {strides = array<i32>} : memref<5x80xi32, #tpu.memory_space<vmem>>, vector<1x16xi32>,
        %swap3A_851 = vector.shape_cast %swap3A_850 : vector<1x16xi32> to vector<16xi32>
        %swap3A_852 = vector.shape_cast %select_n3A_846 : vector<16xi32> to vector<1x16xi32>
        tpu.vector_store %arg6[%swap3A_848, %swap3A_849], %swap3A_852 {strides = array<i32>} : memref<5x80xi32, #tpu.memory_space<vmem>>, vector<1x16xi32>,
        %get3A_853 = arith.constant 240 : index
        %get3A_854 = tpu.vector_load %arg5[%get3A_853] {strides = array<i32>} : memref<400xi32, #tpu.memory_space<vmem>>, vector<16xi32>,
        %get3A_855 = vector.shape_cast %get3A_854 : vector<16xi32> to vector<16xi32>
        %eq3A_856 = arith.constant 0 : i32
        %eq3A_857 = vector.broadcast %eq3A_856 : i32 to vector<16xi32>
        %eq3A_858 = arith.cmpi eq, %get3A_855, %eq3A_857 : vector<16xi32>
        %sub3A_859 = arith.constant 1 : i32
        %sub3A_860 = vector.broadcast %sub3A_859 : i32 to vector<16xi32>
        %sub3A_861 = arith.subi %get3A_855, %sub3A_860 : vector<16xi32>
        %jit3A_862 = arith.constant 999999 : i32
        %broadcast_in_dim3A_863 = vector.broadcast %jit3A_862 : i32 to vector<16xi32>
        %select_n3A_864 = arith.select %eq3A_858, %broadcast_in_dim3A_863, %sub3A_861 : vector<16xi1>, vector<16xi32>
        %swap3A_865 = arith.constant 3 : i32
        %swap3A_866 = arith.index_cast %swap3A_865 : i32 to index
        %swap3A_867 = arith.constant 0 : index
        %swap3A_868 = tpu.vector_load %arg6[%swap3A_866, %swap3A_867] {strides = array<i32>} : memref<5x80xi32, #tpu.memory_space<vmem>>, vector<1x16xi32>,
        %swap3A_869 = vector.shape_cast %swap3A_868 : vector<1x16xi32> to vector<16xi32>
        %swap3A_870 = vector.shape_cast %select_n3A_864 : vector<16xi32> to vector<1x16xi32>
        tpu.vector_store %arg6[%swap3A_866, %swap3A_867], %swap3A_870 {strides = array<i32>} : memref<5x80xi32, #tpu.memory_space<vmem>>, vector<1x16xi32>,
        %get3A_871 = arith.constant 256 : index
        %get3A_872 = tpu.vector_load %arg5[%get3A_871] {strides = array<i32>} : memref<400xi32, #tpu.memory_space<vmem>>, vector<16xi32>,
        %get3A_873 = vector.shape_cast %get3A_872 : vector<16xi32> to vector<16xi32>
        %eq3A_874 = arith.constant 0 : i32
        %eq3A_875 = vector.broadcast %eq3A_874 : i32 to vector<16xi32>
        %eq3A_876 = arith.cmpi eq, %get3A_873, %eq3A_875 : vector<16xi32>
        %sub3A_877 = arith.constant 1 : i32
        %sub3A_878 = vector.broadcast %sub3A_877 : i32 to vector<16xi32>
        %sub3A_879 = arith.subi %get3A_873, %sub3A_878 : vector<16xi32>
        %jit3A_880 = arith.constant 999999 : i32
        %broadcast_in_dim3A_881 = vector.broadcast %jit3A_880 : i32 to vector<16xi32>
        %select_n3A_882 = arith.select %eq3A_876, %broadcast_in_dim3A_881, %sub3A_879 : vector<16xi1>, vector<16xi32>
        %swap3A_883 = arith.constant 3 : i32
        %swap3A_884 = arith.index_cast %swap3A_883 : i32 to index
        %swap3A_885 = arith.constant 16 : index
        %swap3A_886 = tpu.vector_load %arg6[%swap3A_884, %swap3A_885] {strides = array<i32>} : memref<5x80xi32, #tpu.memory_space<vmem>>, vector<1x16xi32>,
        %swap3A_887 = vector.shape_cast %swap3A_886 : vector<1x16xi32> to vector<16xi32>
        %swap3A_888 = vector.shape_cast %select_n3A_882 : vector<16xi32> to vector<1x16xi32>
        tpu.vector_store %arg6[%swap3A_884, %swap3A_885], %swap3A_888 {strides = array<i32>} : memref<5x80xi32, #tpu.memory_space<vmem>>, vector<1x16xi32>,
        %get3A_889 = arith.constant 272 : index
        %get3A_890 = tpu.vector_load %arg5[%get3A_889] {strides = array<i32>} : memref<400xi32, #tpu.memory_space<vmem>>, vector<16xi32>,
        %get3A_891 = vector.shape_cast %get3A_890 : vector<16xi32> to vector<16xi32>
        %eq3A_892 = arith.constant 0 : i32
        %eq3A_893 = vector.broadcast %eq3A_892 : i32 to vector<16xi32>
        %eq3A_894 = arith.cmpi eq, %get3A_891, %eq3A_893 : vector<16xi32>
        %sub3A_895 = arith.constant 1 : i32
        %sub3A_896 = vector.broadcast %sub3A_895 : i32 to vector<16xi32>
        %sub3A_897 = arith.subi %get3A_891, %sub3A_896 : vector<16xi32>
        %jit3A_898 = arith.constant 999999 : i32
        %broadcast_in_dim3A_899 = vector.broadcast %jit3A_898 : i32 to vector<16xi32>
        %select_n3A_900 = arith.select %eq3A_894, %broadcast_in_dim3A_899, %sub3A_897 : vector<16xi1>, vector<16xi32>
        %swap3A_901 = arith.constant 3 : i32
        %swap3A_902 = arith.index_cast %swap3A_901 : i32 to index
        %swap3A_903 = arith.constant 32 : index
        %swap3A_904 = tpu.vector_load %arg6[%swap3A_902, %swap3A_903] {strides = array<i32>} : memref<5x80xi32, #tpu.memory_space<vmem>>, vector<1x16xi32>,
        %swap3A_905 = vector.shape_cast %swap3A_904 : vector<1x16xi32> to vector<16xi32>
        %swap3A_906 = vector.shape_cast %select_n3A_900 : vector<16xi32> to vector<1x16xi32>
        tpu.vector_store %arg6[%swap3A_902, %swap3A_903], %swap3A_906 {strides = array<i32>} : memref<5x80xi32, #tpu.memory_space<vmem>>, vector<1x16xi32>,
        %get3A_907 = arith.constant 288 : index
        %get3A_908 = tpu.vector_load %arg5[%get3A_907] {strides = array<i32>} : memref<400xi32, #tpu.memory_space<vmem>>, vector<16xi32>,
        %get3A_909 = vector.shape_cast %get3A_908 : vector<16xi32> to vector<16xi32>
        %eq3A_910 = arith.constant 0 : i32
        %eq3A_911 = vector.broadcast %eq3A_910 : i32 to vector<16xi32>
        %eq3A_912 = arith.cmpi eq, %get3A_909, %eq3A_911 : vector<16xi32>
        %sub3A_913 = arith.constant 1 : i32
        %sub3A_914 = vector.broadcast %sub3A_913 : i32 to vector<16xi32>
        %sub3A_915 = arith.subi %get3A_909, %sub3A_914 : vector<16xi32>
        %jit3A_916 = arith.constant 999999 : i32
        %broadcast_in_dim3A_917 = vector.broadcast %jit3A_916 : i32 to vector<16xi32>
        %select_n3A_918 = arith.select %eq3A_912, %broadcast_in_dim3A_917, %sub3A_915 : vector<16xi1>, vector<16xi32>
        %swap3A_919 = arith.constant 3 : i32
        %swap3A_920 = arith.index_cast %swap3A_919 : i32 to index
        %swap3A_921 = arith.constant 48 : index
        %swap3A_922 = tpu.vector_load %arg6[%swap3A_920, %swap3A_921] {strides = array<i32>} : memref<5x80xi32, #tpu.memory_space<vmem>>, vector<1x16xi32>,
        %swap3A_923 = vector.shape_cast %swap3A_922 : vector<1x16xi32> to vector<16xi32>
        %swap3A_924 = vector.shape_cast %select_n3A_918 : vector<16xi32> to vector<1x16xi32>
        tpu.vector_store %arg6[%swap3A_920, %swap3A_921], %swap3A_924 {strides = array<i32>} : memref<5x80xi32, #tpu.memory_space<vmem>>, vector<1x16xi32>,
        %get3A_925 = arith.constant 304 : index
        %get3A_926 = tpu.vector_load %arg5[%get3A_925] {strides = array<i32>} : memref<400xi32, #tpu.memory_space<vmem>>, vector<16xi32>,
        %get3A_927 = vector.shape_cast %get3A_926 : vector<16xi32> to vector<16xi32>
        %eq3A_928 = arith.constant 0 : i32
        %eq3A_929 = vector.broadcast %eq3A_928 : i32 to vector<16xi32>
        %eq3A_930 = arith.cmpi eq, %get3A_927, %eq3A_929 : vector<16xi32>
        %sub3A_931 = arith.constant 1 : i32
        %sub3A_932 = vector.broadcast %sub3A_931 : i32 to vector<16xi32>
        %sub3A_933 = arith.subi %get3A_927, %sub3A_932 : vector<16xi32>
        %jit3A_934 = arith.constant 999999 : i32
        %broadcast_in_dim3A_935 = vector.broadcast %jit3A_934 : i32 to vector<16xi32>
        %select_n3A_936 = arith.select %eq3A_930, %broadcast_in_dim3A_935, %sub3A_933 : vector<16xi1>, vector<16xi32>
        %swap3A_937 = arith.constant 3 : i32
        %swap3A_938 = arith.index_cast %swap3A_937 : i32 to index
        %swap3A_939 = arith.constant 64 : index
        %swap3A_940 = tpu.vector_load %arg6[%swap3A_938, %swap3A_939] {strides = array<i32>} : memref<5x80xi32, #tpu.memory_space<vmem>>, vector<1x16xi32>,
        %swap3A_941 = vector.shape_cast %swap3A_940 : vector<1x16xi32> to vector<16xi32>
        %swap3A_942 = vector.shape_cast %select_n3A_936 : vector<16xi32> to vector<1x16xi32>
        tpu.vector_store %arg6[%swap3A_938, %swap3A_939], %swap3A_942 {strides = array<i32>} : memref<5x80xi32, #tpu.memory_space<vmem>>, vector<1x16xi32>,
        %get3A_943 = arith.constant 320 : index
        %get3A_944 = tpu.vector_load %arg5[%get3A_943] {strides = array<i32>} : memref<400xi32, #tpu.memory_space<vmem>>, vector<16xi32>,
        %get3A_945 = vector.shape_cast %get3A_944 : vector<16xi32> to vector<16xi32>
        %eq3A_946 = arith.constant 0 : i32
        %eq3A_947 = vector.broadcast %eq3A_946 : i32 to vector<16xi32>
        %eq3A_948 = arith.cmpi eq, %get3A_945, %eq3A_947 : vector<16xi32>
        %sub3A_949 = arith.constant 1 : i32
        %sub3A_950 = vector.broadcast %sub3A_949 : i32 to vector<16xi32>
        %sub3A_951 = arith.subi %get3A_945, %sub3A_950 : vector<16xi32>
        %jit3A_952 = arith.constant 999999 : i32
        %broadcast_in_dim3A_953 = vector.broadcast %jit3A_952 : i32 to vector<16xi32>
        %select_n3A_954 = arith.select %eq3A_948, %broadcast_in_dim3A_953, %sub3A_951 : vector<16xi1>, vector<16xi32>
        %swap3A_955 = arith.constant 4 : i32
        %swap3A_956 = arith.index_cast %swap3A_955 : i32 to index
        %swap3A_957 = arith.constant 0 : index
        %swap3A_958 = tpu.vector_load %arg6[%swap3A_956, %swap3A_957] {strides = array<i32>} : memref<5x80xi32, #tpu.memory_space<vmem>>, vector<1x16xi32>,
        %swap3A_959 = vector.shape_cast %swap3A_958 : vector<1x16xi32> to vector<16xi32>
        %swap3A_960 = vector.shape_cast %select_n3A_954 : vector<16xi32> to vector<1x16xi32>
        tpu.vector_store %arg6[%swap3A_956, %swap3A_957], %swap3A_960 {strides = array<i32>} : memref<5x80xi32, #tpu.memory_space<vmem>>, vector<1x16xi32>,
        %get3A_961 = arith.constant 336 : index
        %get3A_962 = tpu.vector_load %arg5[%get3A_961] {strides = array<i32>} : memref<400xi32, #tpu.memory_space<vmem>>, vector<16xi32>,
        %get3A_963 = vector.shape_cast %get3A_962 : vector<16xi32> to vector<16xi32>
        %eq3A_964 = arith.constant 0 : i32
        %eq3A_965 = vector.broadcast %eq3A_964 : i32 to vector<16xi32>
        %eq3A_966 = arith.cmpi eq, %get3A_963, %eq3A_965 : vector<16xi32>
        %sub3A_967 = arith.constant 1 : i32
        %sub3A_968 = vector.broadcast %sub3A_967 : i32 to vector<16xi32>
        %sub3A_969 = arith.subi %get3A_963, %sub3A_968 : vector<16xi32>
        %jit3A_970 = arith.constant 999999 : i32
        %broadcast_in_dim3A_971 = vector.broadcast %jit3A_970 : i32 to vector<16xi32>
        %select_n3A_972 = arith.select %eq3A_966, %broadcast_in_dim3A_971, %sub3A_969 : vector<16xi1>, vector<16xi32>
        %swap3A_973 = arith.constant 4 : i32
        %swap3A_974 = arith.index_cast %swap3A_973 : i32 to index
        %swap3A_975 = arith.constant 16 : index
        %swap3A_976 = tpu.vector_load %arg6[%swap3A_974, %swap3A_975] {strides = array<i32>} : memref<5x80xi32, #tpu.memory_space<vmem>>, vector<1x16xi32>,
        %swap3A_977 = vector.shape_cast %swap3A_976 : vector<1x16xi32> to vector<16xi32>
        %swap3A_978 = vector.shape_cast %select_n3A_972 : vector<16xi32> to vector<1x16xi32>
        tpu.vector_store %arg6[%swap3A_974, %swap3A_975], %swap3A_978 {strides = array<i32>} : memref<5x80xi32, #tpu.memory_space<vmem>>, vector<1x16xi32>,
        %get3A_979 = arith.constant 352 : index
        %get3A_980 = tpu.vector_load %arg5[%get3A_979] {strides = array<i32>} : memref<400xi32, #tpu.memory_space<vmem>>, vector<16xi32>,
        %get3A_981 = vector.shape_cast %get3A_980 : vector<16xi32> to vector<16xi32>
        %eq3A_982 = arith.constant 0 : i32
        %eq3A_983 = vector.broadcast %eq3A_982 : i32 to vector<16xi32>
        %eq3A_984 = arith.cmpi eq, %get3A_981, %eq3A_983 : vector<16xi32>
        %sub3A_985 = arith.constant 1 : i32
        %sub3A_986 = vector.broadcast %sub3A_985 : i32 to vector<16xi32>
        %sub3A_987 = arith.subi %get3A_981, %sub3A_986 : vector<16xi32>
        %jit3A_988 = arith.constant 999999 : i32
        %broadcast_in_dim3A_989 = vector.broadcast %jit3A_988 : i32 to vector<16xi32>
        %select_n3A_990 = arith.select %eq3A_984, %broadcast_in_dim3A_989, %sub3A_987 : vector<16xi1>, vector<16xi32>
        %swap3A_991 = arith.constant 4 : i32
        %swap3A_992 = arith.index_cast %swap3A_991 : i32 to index
        %swap3A_993 = arith.constant 32 : index
        %swap3A_994 = tpu.vector_load %arg6[%swap3A_992, %swap3A_993] {strides = array<i32>} : memref<5x80xi32, #tpu.memory_space<vmem>>, vector<1x16xi32>,
        %swap3A_995 = vector.shape_cast %swap3A_994 : vector<1x16xi32> to vector<16xi32>
        %swap3A_996 = vector.shape_cast %select_n3A_990 : vector<16xi32> to vector<1x16xi32>
        tpu.vector_store %arg6[%swap3A_992, %swap3A_993], %swap3A_996 {strides = array<i32>} : memref<5x80xi32, #tpu.memory_space<vmem>>, vector<1x16xi32>,
        %get3A_997 = arith.constant 368 : index
        %get3A_998 = tpu.vector_load %arg5[%get3A_997] {strides = array<i32>} : memref<400xi32, #tpu.memory_space<vmem>>, vector<16xi32>,
        %get3A_999 = vector.shape_cast %get3A_998 : vector<16xi32> to vector<16xi32>
        %eq3A_1000 = arith.constant 0 : i32
        %eq3A_1001 = vector.broadcast %eq3A_1000 : i32 to vector<16xi32>
        %eq3A_1002 = arith.cmpi eq, %get3A_999, %eq3A_1001 : vector<16xi32>
        %sub3A_1003 = arith.constant 1 : i32
        %sub3A_1004 = vector.broadcast %sub3A_1003 : i32 to vector<16xi32>
        %sub3A_1005 = arith.subi %get3A_999, %sub3A_1004 : vector<16xi32>
        %jit3A_1006 = arith.constant 999999 : i32
        %broadcast_in_dim3A_1007 = vector.broadcast %jit3A_1006 : i32 to vector<16xi32>
        %select_n3A_1008 = arith.select %eq3A_1002, %broadcast_in_dim3A_1007, %sub3A_1005 : vector<16xi1>, vector<16xi32>
        %swap3A_1009 = arith.constant 4 : i32
        %swap3A_1010 = arith.index_cast %swap3A_1009 : i32 to index
        %swap3A_1011 = arith.constant 48 : index
        %swap3A_1012 = tpu.vector_load %arg6[%swap3A_1010, %swap3A_1011] {strides = array<i32>} : memref<5x80xi32, #tpu.memory_space<vmem>>, vector<1x16xi32>,
        %swap3A_1013 = vector.shape_cast %swap3A_1012 : vector<1x16xi32> to vector<16xi32>
        %swap3A_1014 = vector.shape_cast %select_n3A_1008 : vector<16xi32> to vector<1x16xi32>
        tpu.vector_store %arg6[%swap3A_1010, %swap3A_1011], %swap3A_1014 {strides = array<i32>} : memref<5x80xi32, #tpu.memory_space<vmem>>, vector<1x16xi32>,
        %get3A_1015 = arith.constant 384 : index
        %get3A_1016 = tpu.vector_load %arg5[%get3A_1015] {strides = array<i32>} : memref<400xi32, #tpu.memory_space<vmem>>, vector<16xi32>,
        %get3A_1017 = vector.shape_cast %get3A_1016 : vector<16xi32> to vector<16xi32>
        %eq3A_1018 = arith.constant 0 : i32
        %eq3A_1019 = vector.broadcast %eq3A_1018 : i32 to vector<16xi32>
        %eq3A_1020 = arith.cmpi eq, %get3A_1017, %eq3A_1019 : vector<16xi32>
        %sub3A_1021 = arith.constant 1 : i32
        %sub3A_1022 = vector.broadcast %sub3A_1021 : i32 to vector<16xi32>
        %sub3A_1023 = arith.subi %get3A_1017, %sub3A_1022 : vector<16xi32>
        %jit3A_1024 = arith.constant 999999 : i32
        %broadcast_in_dim3A_1025 = vector.broadcast %jit3A_1024 : i32 to vector<16xi32>
        %select_n3A_1026 = arith.select %eq3A_1020, %broadcast_in_dim3A_1025, %sub3A_1023 : vector<16xi1>, vector<16xi32>
        %swap3A_1027 = arith.constant 4 : i32
        %swap3A_1028 = arith.index_cast %swap3A_1027 : i32 to index
        %swap3A_1029 = arith.constant 64 : index
        %swap3A_1030 = tpu.vector_load %arg6[%swap3A_1028, %swap3A_1029] {strides = array<i32>} : memref<5x80xi32, #tpu.memory_space<vmem>>, vector<1x16xi32>,
        %swap3A_1031 = vector.shape_cast %swap3A_1030 : vector<1x16xi32> to vector<16xi32>
        %swap3A_1032 = vector.shape_cast %select_n3A_1026 : vector<16xi32> to vector<1x16xi32>
        tpu.vector_store %arg6[%swap3A_1028, %swap3A_1029], %swap3A_1032 {strides = array<i32>} : memref<5x80xi32, #tpu.memory_space<vmem>>, vector<1x16xi32>,
        %dma_start3A_1033 = arith.constant 0 : i32
        %dma_start3A_1034 = arith.constant 0 : i32
        %dma_start3A_1035 = arith.constant 0 : i32
        %dma_start3A_1036 = tpu.memref_slice %arg7[%dma_start3A_1034, %dma_start3A_1035] : memref<400x64xf32, #tpu.memory_space<vmem>> -> memref<80x64xf32, #tpu.memory_space<vmem>>
        %dma_start3A_1037 = arith.constant 0 : i32
        %dma_start3A_1038 = tpu.memref_slice %arg6[%dma_start3A_1033, %dma_start3A_1037] : memref<5x80xi32, #tpu.memory_space<vmem>> -> memref<1x80xi32, #tpu.memory_space<vmem>>
        %dma_start3A_1039 = tpu.memref_squeeze %dma_start3A_1038 : memref<1x80xi32, #tpu.memory_space<vmem>> -> memref<80xi32, #tpu.memory_space<vmem>>
        %dma_start3A_1040 = arith.constant 0 : i32
        %dma_start3A_1041 = arith.constant 0 : i32
        %dma_start3A_1042 = tpu.memref_slice %arg2[%dma_start3A_1040, %dma_start3A_1041] : memref<1000000x64xf32, #tpu.memory_space<hbm>> -> memref<1000000x64xf32, #tpu.memory_space<hbm>>
        tpu.enqueue_indirect_dma source(%dma_start3A_1042 : memref<1000000x64xf32, #tpu.memory_space<hbm>>) target(%dma_start3A_1036 : memref<80x64xf32, #tpu.memory_space<vmem>>) offsets(%dma_start3A_1039 : memref<80xi32, #tpu.memory_space<vmem>>) semaphore(%arg10 : memref<!tpu.dma_semaphore, #tpu.memory_space<semaphore_mem>>)
        %dma_start3A_1043 = arith.constant 1 : i32
        %dma_start3A_1044 = arith.constant 80 : i32
        %dma_start3A_1045 = arith.constant 0 : i32
        %dma_start3A_1046 = tpu.memref_slice %arg7[%dma_start3A_1044, %dma_start3A_1045] : memref<400x64xf32, #tpu.memory_space<vmem>> -> memref<80x64xf32, #tpu.memory_space<vmem>>
        %dma_start3A_1047 = arith.constant 0 : i32
        %dma_start3A_1048 = tpu.memref_slice %arg6[%dma_start3A_1043, %dma_start3A_1047] : memref<5x80xi32, #tpu.memory_space<vmem>> -> memref<1x80xi32, #tpu.memory_space<vmem>>
        %dma_start3A_1049 = tpu.memref_squeeze %dma_start3A_1048 : memref<1x80xi32, #tpu.memory_space<vmem>> -> memref<80xi32, #tpu.memory_space<vmem>>
        %dma_start3A_1050 = arith.constant 0 : i32
        %dma_start3A_1051 = arith.constant 0 : i32
        %dma_start3A_1052 = tpu.memref_slice %arg2[%dma_start3A_1050, %dma_start3A_1051] : memref<1000000x64xf32, #tpu.memory_space<hbm>> -> memref<1000000x64xf32, #tpu.memory_space<hbm>>
        tpu.enqueue_indirect_dma source(%dma_start3A_1052 : memref<1000000x64xf32, #tpu.memory_space<hbm>>) target(%dma_start3A_1046 : memref<80x64xf32, #tpu.memory_space<vmem>>) offsets(%dma_start3A_1049 : memref<80xi32, #tpu.memory_space<vmem>>) semaphore(%arg10 : memref<!tpu.dma_semaphore, #tpu.memory_space<semaphore_mem>>)
        %dma_start3A_1053 = arith.constant 2 : i32
        %dma_start3A_1054 = arith.constant 160 : i32
        %dma_start3A_1055 = arith.constant 0 : i32
        %dma_start3A_1056 = tpu.memref_slice %arg7[%dma_start3A_1054, %dma_start3A_1055] : memref<400x64xf32, #tpu.memory_space<vmem>> -> memref<80x64xf32, #tpu.memory_space<vmem>>
        %dma_start3A_1057 = arith.constant 0 : i32
        %dma_start3A_1058 = tpu.memref_slice %arg6[%dma_start3A_1053, %dma_start3A_1057] : memref<5x80xi32, #tpu.memory_space<vmem>> -> memref<1x80xi32, #tpu.memory_space<vmem>>
        %dma_start3A_1059 = tpu.memref_squeeze %dma_start3A_1058 : memref<1x80xi32, #tpu.memory_space<vmem>> -> memref<80xi32, #tpu.memory_space<vmem>>
        %dma_start3A_1060 = arith.constant 0 : i32
        %dma_start3A_1061 = arith.constant 0 : i32
        %dma_start3A_1062 = tpu.memref_slice %arg2[%dma_start3A_1060, %dma_start3A_1061] : memref<1000000x64xf32, #tpu.memory_space<hbm>> -> memref<1000000x64xf32, #tpu.memory_space<hbm>>
        tpu.enqueue_indirect_dma source(%dma_start3A_1062 : memref<1000000x64xf32, #tpu.memory_space<hbm>>) target(%dma_start3A_1056 : memref<80x64xf32, #tpu.memory_space<vmem>>) offsets(%dma_start3A_1059 : memref<80xi32, #tpu.memory_space<vmem>>) semaphore(%arg10 : memref<!tpu.dma_semaphore, #tpu.memory_space<semaphore_mem>>)
        %dma_start3A_1063 = arith.constant 3 : i32
        %dma_start3A_1064 = arith.constant 240 : i32
        %dma_start3A_1065 = arith.constant 0 : i32
        %dma_start3A_1066 = tpu.memref_slice %arg7[%dma_start3A_1064, %dma_start3A_1065] : memref<400x64xf32, #tpu.memory_space<vmem>> -> memref<80x64xf32, #tpu.memory_space<vmem>>
        %dma_start3A_1067 = arith.constant 0 : i32
        %dma_start3A_1068 = tpu.memref_slice %arg6[%dma_start3A_1063, %dma_start3A_1067] : memref<5x80xi32, #tpu.memory_space<vmem>> -> memref<1x80xi32, #tpu.memory_space<vmem>>
        %dma_start3A_1069 = tpu.memref_squeeze %dma_start3A_1068 : memref<1x80xi32, #tpu.memory_space<vmem>> -> memref<80xi32, #tpu.memory_space<vmem>>
        %dma_start3A_1070 = arith.constant 0 : i32
        %dma_start3A_1071 = arith.constant 0 : i32
        %dma_start3A_1072 = tpu.memref_slice %arg2[%dma_start3A_1070, %dma_start3A_1071] : memref<1000000x64xf32, #tpu.memory_space<hbm>> -> memref<1000000x64xf32, #tpu.memory_space<hbm>>
        tpu.enqueue_indirect_dma source(%dma_start3A_1072 : memref<1000000x64xf32, #tpu.memory_space<hbm>>) target(%dma_start3A_1066 : memref<80x64xf32, #tpu.memory_space<vmem>>) offsets(%dma_start3A_1069 : memref<80xi32, #tpu.memory_space<vmem>>) semaphore(%arg10 : memref<!tpu.dma_semaphore, #tpu.memory_space<semaphore_mem>>)
        %dma_start3A_1073 = arith.constant 4 : i32
        %dma_start3A_1074 = arith.constant 320 : i32
        %dma_start3A_1075 = arith.constant 0 : i32
        %dma_start3A_1076 = tpu.memref_slice %arg7[%dma_start3A_1074, %dma_start3A_1075] : memref<400x64xf32, #tpu.memory_space<vmem>> -> memref<80x64xf32, #tpu.memory_space<vmem>>
        %dma_start3A_1077 = arith.constant 0 : i32
        %dma_start3A_1078 = tpu.memref_slice %arg6[%dma_start3A_1073, %dma_start3A_1077] : memref<5x80xi32, #tpu.memory_space<vmem>> -> memref<1x80xi32, #tpu.memory_space<vmem>>
        %dma_start3A_1079 = tpu.memref_squeeze %dma_start3A_1078 : memref<1x80xi32, #tpu.memory_space<vmem>> -> memref<80xi32, #tpu.memory_space<vmem>>
        %dma_start3A_1080 = arith.constant 0 : i32
        %dma_start3A_1081 = arith.constant 0 : i32
        %dma_start3A_1082 = tpu.memref_slice %arg2[%dma_start3A_1080, %dma_start3A_1081] : memref<1000000x64xf32, #tpu.memory_space<hbm>> -> memref<1000000x64xf32, #tpu.memory_space<hbm>>
        tpu.enqueue_indirect_dma source(%dma_start3A_1082 : memref<1000000x64xf32, #tpu.memory_space<hbm>>) target(%dma_start3A_1076 : memref<80x64xf32, #tpu.memory_space<vmem>>) offsets(%dma_start3A_1079 : memref<80xi32, #tpu.memory_space<vmem>>) semaphore(%arg10 : memref<!tpu.dma_semaphore, #tpu.memory_space<semaphore_mem>>)
        %dma_wait3A_1083 = arith.constant 0 : i32
        %dma_wait3A_1084 = tpu.memref_slice %arg4[%add3A_573, %dma_wait3A_1083] : memref<819200x64xf32, #tpu.memory_space<hbm>> -> memref<400x64xf32, #tpu.memory_space<hbm>>
        %dma_wait3A_1085 = arith.constant 0 : i32
        %dma_wait3A_1086 = tpu.memref_slice %arg4[%add3A_573, %dma_wait3A_1085] : memref<819200x64xf32, #tpu.memory_space<hbm>> -> memref<400x64xf32, #tpu.memory_space<hbm>>
        tpu.wait_dma2 semaphore(%arg11 : memref<!tpu.dma_semaphore, #tpu.memory_space<semaphore_mem>>) src(%arg8 : memref<400x64xf32, #tpu.memory_space<vmem>>) dst(%dma_wait3A_1086 : memref<400x64xf32, #tpu.memory_space<hbm>>)
        %dma_wait3A_1087 = arith.constant 0 : i32
        %dma_wait3A_1088 = arith.constant 0 : i32
        %dma_wait3A_1089 = arith.constant 0 : i32
        %dma_wait3A_1090 = tpu.memref_slice %arg7[%dma_wait3A_1088, %dma_wait3A_1089] : memref<400x64xf32, #tpu.memory_space<vmem>> -> memref<80x64xf32, #tpu.memory_space<vmem>>
        %dma_wait3A_1091 = arith.constant 0 : i32
        %dma_wait3A_1092 = tpu.memref_slice %arg6[%dma_wait3A_1087, %dma_wait3A_1091] : memref<5x80xi32, #tpu.memory_space<vmem>> -> memref<1x80xi32, #tpu.memory_space<vmem>>
        %dma_wait3A_1093 = tpu.memref_squeeze %dma_wait3A_1092 : memref<1x80xi32, #tpu.memory_space<vmem>> -> memref<80xi32, #tpu.memory_space<vmem>>
        %dma_wait3A_1094 = arith.constant 0 : i32
        %dma_wait3A_1095 = arith.constant 0 : i32
        %dma_wait3A_1096 = tpu.memref_slice %arg2[%dma_wait3A_1094, %dma_wait3A_1095] : memref<1000000x64xf32, #tpu.memory_space<hbm>> -> memref<1000000x64xf32, #tpu.memory_space<hbm>>
        tpu.wait_indirect_dma semaphore(%arg10 : memref<!tpu.dma_semaphore, #tpu.memory_space<semaphore_mem>>) src(%dma_wait3A_1096 : memref<1000000x64xf32, #tpu.memory_space<hbm>>) dst(%dma_wait3A_1090 : memref<80x64xf32, #tpu.memory_space<vmem>>)
        %dma_wait3A_1097 = arith.constant 1 : i32
        %dma_wait3A_1098 = arith.constant 80 : i32
        %dma_wait3A_1099 = arith.constant 0 : i32
        %dma_wait3A_1100 = tpu.memref_slice %arg7[%dma_wait3A_1098, %dma_wait3A_1099] : memref<400x64xf32, #tpu.memory_space<vmem>> -> memref<80x64xf32, #tpu.memory_space<vmem>>
        %dma_wait3A_1101 = arith.constant 0 : i32
        %dma_wait3A_1102 = tpu.memref_slice %arg6[%dma_wait3A_1097, %dma_wait3A_1101] : memref<5x80xi32, #tpu.memory_space<vmem>> -> memref<1x80xi32, #tpu.memory_space<vmem>>
        %dma_wait3A_1103 = tpu.memref_squeeze %dma_wait3A_1102 : memref<1x80xi32, #tpu.memory_space<vmem>> -> memref<80xi32, #tpu.memory_space<vmem>>
        %dma_wait3A_1104 = arith.constant 0 : i32
        %dma_wait3A_1105 = arith.constant 0 : i32
        %dma_wait3A_1106 = tpu.memref_slice %arg2[%dma_wait3A_1104, %dma_wait3A_1105] : memref<1000000x64xf32, #tpu.memory_space<hbm>> -> memref<1000000x64xf32, #tpu.memory_space<hbm>>
        tpu.wait_indirect_dma semaphore(%arg10 : memref<!tpu.dma_semaphore, #tpu.memory_space<semaphore_mem>>) src(%dma_wait3A_1106 : memref<1000000x64xf32, #tpu.memory_space<hbm>>) dst(%dma_wait3A_1100 : memref<80x64xf32, #tpu.memory_space<vmem>>)
        %dma_wait3A_1107 = arith.constant 2 : i32
        %dma_wait3A_1108 = arith.constant 160 : i32
        %dma_wait3A_1109 = arith.constant 0 : i32
        %dma_wait3A_1110 = tpu.memref_slice %arg7[%dma_wait3A_1108, %dma_wait3A_1109] : memref<400x64xf32, #tpu.memory_space<vmem>> -> memref<80x64xf32, #tpu.memory_space<vmem>>
        %dma_wait3A_1111 = arith.constant 0 : i32
        %dma_wait3A_1112 = tpu.memref_slice %arg6[%dma_wait3A_1107, %dma_wait3A_1111] : memref<5x80xi32, #tpu.memory_space<vmem>> -> memref<1x80xi32, #tpu.memory_space<vmem>>
        %dma_wait3A_1113 = tpu.memref_squeeze %dma_wait3A_1112 : memref<1x80xi32, #tpu.memory_space<vmem>> -> memref<80xi32, #tpu.memory_space<vmem>>
        %dma_wait3A_1114 = arith.constant 0 : i32
        %dma_wait3A_1115 = arith.constant 0 : i32
        %dma_wait3A_1116 = tpu.memref_slice %arg2[%dma_wait3A_1114, %dma_wait3A_1115] : memref<1000000x64xf32, #tpu.memory_space<hbm>> -> memref<1000000x64xf32, #tpu.memory_space<hbm>>
        tpu.wait_indirect_dma semaphore(%arg10 : memref<!tpu.dma_semaphore, #tpu.memory_space<semaphore_mem>>) src(%dma_wait3A_1116 : memref<1000000x64xf32, #tpu.memory_space<hbm>>) dst(%dma_wait3A_1110 : memref<80x64xf32, #tpu.memory_space<vmem>>)
        %dma_wait3A_1117 = arith.constant 3 : i32
        %dma_wait3A_1118 = arith.constant 240 : i32
        %dma_wait3A_1119 = arith.constant 0 : i32
        %dma_wait3A_1120 = tpu.memref_slice %arg7[%dma_wait3A_1118, %dma_wait3A_1119] : memref<400x64xf32, #tpu.memory_space<vmem>> -> memref<80x64xf32, #tpu.memory_space<vmem>>
        %dma_wait3A_1121 = arith.constant 0 : i32
        %dma_wait3A_1122 = tpu.memref_slice %arg6[%dma_wait3A_1117, %dma_wait3A_1121] : memref<5x80xi32, #tpu.memory_space<vmem>> -> memref<1x80xi32, #tpu.memory_space<vmem>>
        %dma_wait3A_1123 = tpu.memref_squeeze %dma_wait3A_1122 : memref<1x80xi32, #tpu.memory_space<vmem>> -> memref<80xi32, #tpu.memory_space<vmem>>
        %dma_wait3A_1124 = arith.constant 0 : i32
        %dma_wait3A_1125 = arith.constant 0 : i32
        %dma_wait3A_1126 = tpu.memref_slice %arg2[%dma_wait3A_1124, %dma_wait3A_1125] : memref<1000000x64xf32, #tpu.memory_space<hbm>> -> memref<1000000x64xf32, #tpu.memory_space<hbm>>
        tpu.wait_indirect_dma semaphore(%arg10 : memref<!tpu.dma_semaphore, #tpu.memory_space<semaphore_mem>>) src(%dma_wait3A_1126 : memref<1000000x64xf32, #tpu.memory_space<hbm>>) dst(%dma_wait3A_1120 : memref<80x64xf32, #tpu.memory_space<vmem>>)
        %dma_wait3A_1127 = arith.constant 4 : i32
        %dma_wait3A_1128 = arith.constant 320 : i32
        %dma_wait3A_1129 = arith.constant 0 : i32
        %dma_wait3A_1130 = tpu.memref_slice %arg7[%dma_wait3A_1128, %dma_wait3A_1129] : memref<400x64xf32, #tpu.memory_space<vmem>> -> memref<80x64xf32, #tpu.memory_space<vmem>>
        %dma_wait3A_1131 = arith.constant 0 : i32
        %dma_wait3A_1132 = tpu.memref_slice %arg6[%dma_wait3A_1127, %dma_wait3A_1131] : memref<5x80xi32, #tpu.memory_space<vmem>> -> memref<1x80xi32, #tpu.memory_space<vmem>>
        %dma_wait3A_1133 = tpu.memref_squeeze %dma_wait3A_1132 : memref<1x80xi32, #tpu.memory_space<vmem>> -> memref<80xi32, #tpu.memory_space<vmem>>
        %dma_wait3A_1134 = arith.constant 0 : i32
        %dma_wait3A_1135 = arith.constant 0 : i32
        %dma_wait3A_1136 = tpu.memref_slice %arg2[%dma_wait3A_1134, %dma_wait3A_1135] : memref<1000000x64xf32, #tpu.memory_space<hbm>> -> memref<1000000x64xf32, #tpu.memory_space<hbm>>
        tpu.wait_indirect_dma semaphore(%arg10 : memref<!tpu.dma_semaphore, #tpu.memory_space<semaphore_mem>>) src(%dma_wait3A_1136 : memref<1000000x64xf32, #tpu.memory_space<hbm>>) dst(%dma_wait3A_1130 : memref<80x64xf32, #tpu.memory_space<vmem>>)
      } else {
      }
    }
    %scan3A_550 = arith.constant 63 : i32
    %add3A_551 = arith.constant 25200 : i32
    %add3A_552 = arith.addi %mul3A_2, %add3A_551 : i32
    %dma_start3A_553 = arith.constant 0 : i32
    %dma_start3A_554 = tpu.memref_slice %arg4[%add3A_552, %dma_start3A_553] : memref<819200x64xf32, #tpu.memory_space<hbm>> -> memref<400x64xf32, #tpu.memory_space<hbm>>
    %dma_start3A_555 = arith.constant 0 : i32
    %dma_start3A_556 = tpu.memref_slice %arg4[%add3A_552, %dma_start3A_555] : memref<819200x64xf32, #tpu.memory_space<hbm>> -> memref<400x64xf32, #tpu.memory_space<hbm>>
    tpu.enqueue_dma source(%arg8 : memref<400x64xf32, #tpu.memory_space<vmem>>) target(%dma_start3A_556 : memref<400x64xf32, #tpu.memory_space<hbm>>) target_semaphore(%arg11 : memref<!tpu.dma_semaphore, #tpu.memory_space<semaphore_mem>>)
    %dma_wait3A_557 = arith.constant 0 : i32
    %dma_wait3A_558 = tpu.memref_slice %arg4[%add3A_552, %dma_wait3A_557] : memref<819200x64xf32, #tpu.memory_space<hbm>> -> memref<400x64xf32, #tpu.memory_space<hbm>>
    %dma_wait3A_559 = arith.constant 0 : i32
    %dma_wait3A_560 = tpu.memref_slice %arg4[%add3A_552, %dma_wait3A_559] : memref<819200x64xf32, #tpu.memory_space<hbm>> -> memref<400x64xf32, #tpu.memory_space<hbm>>
    tpu.wait_dma2 semaphore(%arg11 : memref<!tpu.dma_semaphore, #tpu.memory_space<semaphore_mem>>) src(%arg8 : memref<400x64xf32, #tpu.memory_space<vmem>>) dst(%dma_wait3A_560 : memref<400x64xf32, #tpu.memory_space<hbm>>)
    return
  }
}

</mosaic_0001>

<sc_bundles>
// kernel: _sc_gather.3.cloned.1.call-start
scs
__scs_entry_jumppad:
0x0: {  	(pc) =	sbr.rel $0x88, $3  }
0x1: {  	(tag) =	ssettag $0x0;
	lr =	simm.s32 $0x1  }
0x2: {  	[smem:$0x3F9F] =	sst lr;
	_ =	strace $0xD0000000  }
0x3: {  	_ = 	snop  }
0x4: {  	_ = 	snop  }
0x5: {  	_ = 	snop  }
0x6: {  	_ = 	snop  }
0x7: {  	_ = 	snop  }
__scs_overlays_trampoline_lowered:
0x8: {  	[smem:$0x3FAE] =	sst s0  }
0x9: {  	[smem:$0x3FAF] =	sst s1  }
0xa: {  	[smem:$0x3FB0] =	sst s2  }
0xb: {  	[smem:$0x3FB1] =	sst s3  }
0xc: {  	[smem:$0x3FB2] =	sst s4  }
0xd: {  	[smem:$0x3FB3] =	sst s5  }
0xe: {  	[smem:$0x3FB4] =	sst s6  }
0xf: {  	[smem:$0x3FB5] =	sst s7  }
0x10: {  	[smem:$0x3FB6] =	sst s8  }
0x11: {  	[smem:$0x3FB7] =	sst s9;
	s0 =	simm.s32 @!p0 $0x0  }
0x12: {  	s1 =	sld [smem:$0x3F9D];
	s0 =	simm.s32 @p0 $0x1  }
0x13: {  	[smem:$0x3FB8] =	sst s0;
	s0 =	simm.s32 @!p1 $0x0  }
0x14: {  	s2 =	sld [smem:$0x3F9C];
	s0 =	simm.s32 @p1 $0x1  }
0x15: {  	[smem:$0x3FB9] =	sst s0;
	s0 =	simm.s32 @!p2 $0x0  }
0x16: {  	s3 =	sld [smem:$0x3FDB];
	s0 =	simm.s32 @p2 $0x1  }
0x17: {  	s4 =	simm.s32 $0x1BF5;
	[smem:$0x3FBB] =	sst s0  }
0x18: {  	s0 =	sld [smem:$0x3F9E];
	_ =	swait.ge [sflag:s4], $0x0  }
0x19: {  	s7 =	sld [smem:$0x3F9F]  }
0x1a: {  	s8 =	sadd.s32 $0xFFFFE003, lr  }
0x1b: {  	s9 =	sadd.s32 $0xFFFFFEF7, lr;
	s5 =	simm.s32 $0xFFFFFFFF;
	p2 =	slt.u32 s8, $0xFFFFF086  }
0x1c: {  	p1 =	slt.u32 s9, $0xF7A;
	s5 =	simm.s32 @!p2 $0x0  }
0x1d: {  	s5 =	simm.s32 @p1 $0x1;
	p0 =	seq.s32 s7, s2  }
0x1e: {  	s7 =	smul.u32 @!p0 $0xF7A, s2;
	p2 =	seq.s32 @!p0 s5, $0x0  }
0x1f: {  	s9 =	smul.u32 $0xF7A, s1;
	s8 =	simm.s32 @!p0 $0x1BF5;
	p2 =	por !p2, p0  }
0x20: {  	[sflag:s8] =	ssyncset.s32 @!p0 $0xFFFFF086;
	s6 =	sadd.s32 @!p0 s3, s7;
	s7 =	simm.s32 @!p0 $0x108  }
0x21: {  	s3 =	sadd.s32 s3, s9;
	s6 =	sadd.s32 @!p0 $0x88, s6;
	s7 =	simm.s32 @p2 $0x1082  }
0x22: {  	[simem:s7], [sflag:s8] =	dma.local @!p0 [hbm:s6], $0xF7A  }
0x23: {  	s9 =	sor.u32 $0xD0000000, s2;
	s6 =	simm.s32 $0x108;
	_ =	swait.ge @!p0 [sflag:s8], $0x0  }
0x24: {  	s3 =	sadd.s32 $0x88, s3;
	s6 =	simm.s32 @!p1 $0x1082;
	[sflag:s4] =	ssyncset.s32 $0xFFFFF086  }
0x25: {  	[simem:s6], [sflag:s4] =	dma.local [hbm:s3], $0xF7A  }
0x26: {  	[smem:$0x3F9F] =	sst s1;
	(tag) =	ssettag s2;
	_ =	strace s9  }
0x27: {  	s1 =	sld [smem:$0x3FAF]  }
0x28: {  	s2 =	sld [smem:$0x3FB0]  }
0x29: {  	s4 =	sld [smem:$0x3FB2]  }
0x2a: {  	p0 =	seq.s32 s5, $0x0;
	s5 =	sld [smem:$0x3FB3]  }
0x2b: {  	s6 =	sld [smem:$0x3FB4]  }
0x2c: {  	s7 =	sld [smem:$0x3FB5]  }
0x2d: {  	s3 =	simm.s32 $0x108;
	s8 =	sld [smem:$0x3FB6]  }
0x2e: {  	s3 =	simm.s32 @!p0 $0x1082;
	s9 =	sld [smem:$0x3FB7]  }
0x2f: {  	lr =	sadd.s32 s0, s3;
	s0 =	sld [smem:$0x3FAE]  }
0x30: {  	s3 =	sld [smem:$0x3FB1]  }
0x31: {  	[smem:$0x3FBA] =	sst s10  }
0x32: {  	s10 =	sld [smem:$0x3FB8];
	_ =	sdelay $0x3  }
0x33: {  	p0 =	seq.s32 s10, $0x1;
	s10 =	sld [smem:$0x3FBA];
	_ =	sdelay $0x3  }
0x34: {  	[smem:$0x3FBA] =	sst s10  }
0x35: {  	s10 =	sld [smem:$0x3FB9];
	_ =	sdelay $0x3  }
0x36: {  	p1 =	seq.s32 s10, $0x1;
	s10 =	sld [smem:$0x3FBA];
	_ =	sdelay $0x3  }
0x37: {  	[smem:$0x3FBA] =	sst s10  }
0x38: {  	s10 =	sld [smem:$0x3FBB]  }
0x39: {  	_ = 	snop;
	(pc) =	sbr.ind lr, $3  }
0x3a: {  	_ = 	snop  }
0x3b: {  	_ = 	snop  }
0x3c: {  	p2 =	seq.s32 s10, $0x1;
	s10 =	sld [smem:$0x3FBA]  }
0x3d: {  	_ =	shalt  }
0x3e: {  	_ =	shalt  }
0x3f: {  	_ =	shalt  }
0x40: {  	_ =	shalt  }
0x41: {  	_ =	shalt  }
0x42: {  	_ =	shalt  }
0x43: {  	_ =	shalt  }
0x44: {  	_ =	shalt  }
0x45: {  	_ =	shalt  }
0x46: {  	_ =	shalt  }
0x47: {  	_ =	shalt  }
0x48: {  	_ =	shalt  }
0x49: {  	_ =	shalt  }
0x4a: {  	_ =	shalt  }
0x4b: {  	_ =	shalt  }
0x4c: {  	_ =	shalt  }
0x4d: {  	_ =	shalt  }
0x4e: {  	_ =	shalt  }
0x4f: {  	_ =	shalt  }
0x50: {  	_ =	shalt  }
0x51: {  	_ =	shalt  }
0x52: {  	_ =	shalt  }
0x53: {  	_ =	shalt  }
0x54: {  	_ =	shalt  }
0x55: {  	_ =	shalt  }
0x56: {  	_ =	shalt  }
0x57: {  	_ =	shalt  }
0x58: {  	_ =	shalt  }
0x59: {  	_ =	shalt  }
0x5a: {  	_ =	shalt  }
0x5b: {  	_ =	shalt  }
0x5c: {  	_ =	shalt  }
0x5d: {  	_ =	shalt  }
0x5e: {  	_ =	shalt  }
0x5f: {  	_ =	shalt  }
0x60: {  	_ =	shalt  }
0x61: {  	_ =	shalt  }
0x62: {  	_ =	shalt  }
0x63: {  	_ =	shalt  }
0x64: {  	_ =	shalt  }
0x65: {  	_ =	shalt  }
0x66: {  	_ =	shalt  }
0x67: {  	_ =	shalt  }
0x68: {  	_ =	shalt  }
0x69: {  	_ =	shalt  }
0x6a: {  	_ =	shalt  }
0x6b: {  	_ =	shalt  }
0x6c: {  	_ =	shalt  }
0x6d: {  	_ =	shalt  }
0x6e: {  	_ =	shalt  }
0x6f: {  	_ =	shalt  }
0x70: {  	_ =	shalt  }
0x71: {  	_ =	shalt  }
0x72: {  	_ =	shalt  }
0x73: {  	_ =	shalt  }
0x74: {  	_ =	shalt  }
0x75: {  	_ =	shalt  }
0x76: {  	_ =	shalt  }
0x77: {  	_ =	shalt  }
0x78: {  	_ =	shalt  }
0x79: {  	_ =	shalt  }
0x7a: {  	_ =	shalt  }
0x7b: {  	_ =	shalt  }
0x7c: {  	_ =	shalt  }
0x7d: {  	_ =	shalt  }
0x7e: {  	_ =	shalt  }
0x7f: {  	_ =	shalt  }
0x80: {  	_ =	shalt  }
0x81: {  	_ =	shalt  }
0x82: {  	_ =	shalt  }
0x83: {  	_ =	shalt  }
0x84: {  	_ =	shalt  }
0x85: {  	_ =	shalt  }
0x86: {  	_ =	shalt  }
0x87: {  	_ =	shalt  }
.Lfunc_end0:
.L_simem_size_0:
called_computation.1_lowered:
.L_overlay_start_0:
0x88: {  	s2 =	sld [smem:$0x3FD9]  }
0x89: {  	s3 =	sld [smem:$0x3FFE];
	_ =	sdelay $0x1  }
0x8a: {  	s1 =	srdreg.scid  }
0x8b: {  	s0 =	sand.u32 $0x1, s1  }
0x8c: {  	s17 =	sshll.u32 s0, $0xA;
	s2 =	sadd.s32 s3, s2  }
0x8d: {  	s2 =	sadd.s32 s2, s17  }
0x8e: {  	[smem:$0x3FC6] =	sst s2  }
0x8f: {  	_ = 	snop  }
0x90: {  	s2 =	sld [smem:$0x3FC8]  }
0x91: {  	s18 =	sld [smem:$0x3FD0];
	(tm) =	ssettm $0x1  }
0x92: {  	s4 =	sld [smem:$0x3FFB];
	_ =	sdelay $0x3  }
0x93: {  	_ =	strace s4  }
0x94: {  	s4 =	sld [smem:$0x3FFC];
	_ =	sdelay $0x3  }
0x95: {  	_ =	strace s4  }
0x96: {  	s4 =	sld [smem:$0x3FFD];
	_ =	sdelay $0x3  }
0x97: {  	_ =	strace s4  }
0x98: {  	_ =	strace $0x8FFFFFFF  }
0x99: {  	s19 =	sld [smem:$0x3FDB];
	_ =	sdelay $0x1  }
0x9a: {  	s5 =	simm.s32 $_scs_section_size  }
0x9b: {  	s6 =	simm.s32 $_size__tile_overlayer_lowered;
	s7 =	simm.s32 $_tile_overlayer_lowered  }
0x9c: {  	s22 =	simm.s32 $0x1BFF;
	s21 =	sshll.u32 s7, $0x1;
	s4 =	sadd.s32 s5, s19  }
0x9d: {  	s8 =	simm.s32 $0x0;
	s20 =	sshll.u32 s6, $0x1;
	s6 =	sadd.s32 s21, s4  }
0x9e: {  	[timem:s8], [sflag:s22] =	dma.local [hbm:s6], s20  }
0x9f: {  	_ =	swait.ge [sflag:s22], s20  }
0xa0: {  	s5 =	ssub.s32 $0x0, s20;
	[sflag:s22] =	ssyncset.done $0x0  }
0xa1: {  	[sflag:s22] =	ssyncadd.s32 s5;
	_ =	sdelay $0x1  }
0xa2: {  	s23 =	simm.s32 $0x1B8B  }
0xa3: {  	_ =	swait.ge [sflag:s23], $0x1  }
0xa4: {  	[sflag:s23] =	ssyncset.done $0x0  }
0xa5: {  	s25 =	simm.s32 $0x1B8E;
	s24 =	sld [smem:$0x3FFE];
	[sflag:s23] =	ssyncadd.s32 $0xFFFFFFFF  }
0xa6: {  	s26 =	simm.s32 $execute0_lowered;
	[smem:$0x3FD2] =	sst s25  }
0xa7: {  	s6 =	sshll.u32 s26, $0x1;
	_ =	strace $0x80000046;
	[dreg:$0x1] =	wrdreg $0xFFFFFFFF  }
0xa8: {  	s28 =	simm.s32 $_size_execute0_lowered;
	s4 =	sadd.s32 s4, s6;
	[dreg:$0x0] =	wrdreg $0x0  }
0xa9: {  	s6 =	sshll.u32 s28, $0x1;
	[dreg:$0x2] =	wrdreg s4  }
0xaa: {  	[dreg:$0x3] =	wrdreg s6  }
0xab: {  	[dreg:$0x4] =	wrdreg $0xC0  }
0xac: {  	_ =	task [dreg:s8], $0x5FFFF  }
0xad: {  	[dreg:$0x1] =	wrdreg $0xFFFFFFFF  }
0xae: {  	[dreg:$0x0] =	wrdreg $0x60  }
0xaf: {  	[dreg:$0x2] =	wrdreg s24  }
0xb0: {  	[dreg:$0x3] =	wrdreg s2  }
0xb1: {  	[dreg:$0x4] =	wrdreg s18  }
0xb2: {  	[dreg:$0x5] =	wrdreg $0x9  }
0xb3: {  	_ =	task.clear_ibuf [dreg:s8], $0x6FFFF;
	_ =	strace $0x90000046  }
0xb4: {  	s29 =	simm.s32 $0x9;
	_ =	strace $0x80000048  }
0xb5: {  	_ =	swait.ge [sflag:s29], $0x1  }
0xb6: {  	[sflag:s29] =	ssyncadd.s32 $0xFFFFFFFF  }
0xb7: {  	_ =	strace $0x90000048  }
0xb8: {  	_ =	sfence  }
0xb9: {  	s30 =	sld [smem:$0x0];
	_ =	sdelay $0x2  }
0xba: {  	s31 =	sshll.u32 s1, $0xD;
	s1 =	sshrl.u32 s1, $0x2  }
0xbb: {  	s3 =	sand.u32 $0x4000, s31;
	s1 =	sadd.s32 s1, s30  }
0xbc: {  	s0 =	sor.u32 s3, s0;
	s1 =	sshll.u32 s1, $0x11  }
0xbd: {  	s0 =	sor.u32 s1, s0  }
0xbe: {  	s0 =	sadd.s32 $0x8F2B, s0  }
0xbf: {  	[sflag:s0] =	ssyncadd.remote.s32 $0x1  }
0xc0: {  	_ =	sfence.sel $0xFFFF  }
0xc1: {  	[dreg:$0x0] =	wrdreg $0xFFFFFFFF;
	(pc) =	sbr.abs _section_cstart, $3  }
0xc2: {  	[dreg:$0x1] =	wrdreg $0xFFFFFFFF  }
0xc3: {  	_ =	task.clear_ibuf [dreg:s8], $0x2FFFF;
	_ =	strace $0x9FFFFFFF  }
0xc4: {  	(tm) =	ssettm $0x7FFFFFFF  }
0xc5: {  	_ =	shalt  }
tec
execute0_lowered:
.L_overlay_start_1:
0x0: {  	(tag) =	ssettag $0x1  }
0x1: {  	s0 =	rddreg [dreg:$0x0]  }
0x2: {  	s1 =	srdreg.scid;
	s8 =	rddreg [dreg:$0x1]  }
0x3: {  	s12 =	stileid.u32;
	s2 =	rddreg [dreg:$0x2]  }
0x4: {  	s14 =	simm.s32 $0x1E0;
	s16 =	simm.s32 $0x230;
	s18 =	simm.s32 $0x280  }
0x5: {  	s20 =	simm.s32 $0x2D0;
	s21 =	simm.s32 $0x5320;
	s22 =	simm.s32 $0x1  }
0x6: {  	s23 =	simm.s32 $0x6720;
	s24 =	simm.s32 $0x2;
	s9 =	smul.u32 $0xC800, s12  }
0x7: {  	s1 =	sand.u32 $0x1, s1;
	s3 =	sshll.u32 s12, $0x1;
	s29 =	smul.u32 $0x64000, s12  }
0x8: {  	s25 =	simm.s32 $0x0;
	s4 =	sor.u32 s1, s3;
	s11 =	smul.u32 $0x6400, s1  }
0x9: {  	s3 =	simm.s32 $0x0;
	s7 =	ssub.s32 $0x2, s1;
	s1 =	smul.u32 $0x32000, s1  }
0xa: {  	s12 =	simm.s32 $0x190;
	s5 =	smul.u32 $0x6400, s4;
	[smem:$0x7FF] =	sst s3  }
0xb: {  	s6 =	smul.u32 $0x190000, s4;
	s10 =	sshrl.u32 s7, $0x1;
	s4 =	sadd.s32 $0xF42C00, s0  }
0xc: {  	_ =	strace $0x80000047;
	s26 =	ssub.s32 s7, s10;
	s28 =	sadd.s32 s11, s9  }
0xd: {  	s9 =	sadd.s32 s1, s29;
	s10 =	simm.s32 $0x3;
	s11 =	simm.s32 $0x50  }
0xe: {  	s5 =	sshrl.u32 s5, $0x3;
	s6 =	sshrl.u32 s6, $0x3;
	s30 =	sor.u32 $0x190, s28  }
0xf: {  	s7 =	smax.u32 s26, $0x1;
	s6 =	sadd.s32 s2, s6;
	s31 =	sshrl.u32 s30, $0x3  }
0x10: {  	s5 =	sadd.s32 s8, s5;
	s6 =	sadd.s32 $0x31380, s6;
	s8 =	sadd.s32 s31, s8  }
.LBB2_1:
0x11: {  	[tilespmem:s3], [sflag:$0x3] =	stream.linear.gather [hbm4b:s5+s3], $0x190, $0x38;
	[tilespmem:$0xCB20] =	vst v63  }
0x12: {  	_ =	swait.ge [sflag:s10], $0x190  }
0x13: {  	[sflag:s10] =	ssyncset.done $0x0  }
0x14: {  	[sflag:s10] =	ssyncadd.s32 $0xFFFFFE70  }
0x15: {  	v0 =	vld [tilespmem:$0x0]  }
0x16: {  	v1 =	vld [tilespmem:$0x10]  }
0x17: {  	v2 =	vld [tilespmem:$0x20]  }
0x18: {  	v3 =	vld [tilespmem:$0x30]  }
0x19: {  	v4 =	vld [tilespmem:$0x40]  }
0x1a: {  	v5 =	vld [tilespmem:$0x50];
	vm0 =	veq.s32 v0, $0x0;
	v0 =	vadd.s32 $0xFFFFFFFF, v0  }
0x1b: {  	v6 =	vld [tilespmem:$0x60];
	vm4 =	veq.s32 v1, $0x0;
	v1 =	vadd.s32 $0xFFFFFFFF, v1;
	v0 =	vsel vm0, $0xF423F, v0  }
0x1c: {  	v12 =	vld [tilespmem:$0x70];
	vm5 =	veq.s32 v2, $0x0;
	v11 =	vadd.s32 $0xFFFFFFFF, v2;
	v10 =	vsel vm4, $0xF423F, v1;
	[tilespmem:$0x190] =	vst v0  }
0x1d: {  	v15 =	vld [tilespmem:$0x80];
	vm6 =	veq.s32 v3, $0x0;
	v14 =	vadd.s32 $0xFFFFFFFF, v3;
	v13 =	vsel vm5, $0xF423F, v11;
	[tilespmem:$0x1A0] =	vst v10  }
0x1e: {  	v18 =	vld [tilespmem:$0x90];
	vm7 =	veq.s32 v4, $0x0;
	v17 =	vadd.s32 $0xFFFFFFFF, v4;
	v16 =	vsel vm6, $0xF423F, v14;
	[tilespmem:$0x1B0] =	vst v13  }
0x1f: {  	v21 =	vld [tilespmem:$0xA0];
	vm8 =	veq.s32 v5, $0x0;
	v20 =	vadd.s32 $0xFFFFFFFF, v5;
	v19 =	vsel vm7, $0xF423F, v17;
	[tilespmem:$0x1C0] =	vst v16  }
0x20: {  	v24 =	vld [tilespmem:$0xB0];
	vm9 =	veq.s32 v6, $0x0;
	v23 =	vadd.s32 $0xFFFFFFFF, v6;
	v22 =	vsel vm8, $0xF423F, v20;
	[tilespmem:$0x1D0] =	vst v19  }
0x21: {  	v27 =	vld [tilespmem:$0xC0];
	vm10 =	veq.s32 v12, $0x0;
	v26 =	vadd.s32 $0xFFFFFFFF, v12;
	v25 =	vsel vm9, $0xF423F, v23;
	[tilespmem:$0x1E0] =	vst v22  }
0x22: {  	v30 =	vld [tilespmem:$0xD0];
	vm11 =	veq.s32 v15, $0x0;
	v29 =	vadd.s32 $0xFFFFFFFF, v15;
	v28 =	vsel vm10, $0xF423F, v26;
	[tilespmem:$0x1F0] =	vst v25  }
0x23: {  	v33 =	vld [tilespmem:$0xE0];
	vm12 =	veq.s32 v18, $0x0;
	v32 =	vadd.s32 $0xFFFFFFFF, v18;
	v31 =	vsel vm11, $0xF423F, v29;
	[tilespmem:$0x200] =	vst v28  }
0x24: {  	v36 =	vld [tilespmem:$0xF0];
	vm13 =	veq.s32 v21, $0x0;
	v35 =	vadd.s32 $0xFFFFFFFF, v21;
	v34 =	vsel vm12, $0xF423F, v32;
	[tilespmem:$0x210] =	vst v31  }
0x25: {  	v39 =	vld [tilespmem:$0x100];
	vm14 =	veq.s32 v24, $0x0;
	v38 =	vadd.s32 $0xFFFFFFFF, v24;
	v37 =	vsel vm13, $0xF423F, v35;
	[tilespmem:$0x220] =	vst v34  }
0x26: {  	v42 =	vld [tilespmem:$0x110];
	vm15 =	veq.s32 v27, $0x0;
	v41 =	vadd.s32 $0xFFFFFFFF, v27;
	v40 =	vsel vm14, $0xF423F, v38;
	[tilespmem:$0x230] =	vst v37  }
0x27: {  	v45 =	vld [tilespmem:$0x120];
	v44 =	vadd.s32 $0xFFFFFFFF, v30;
	v43 =	vsel vm15, $0xF423F, v41;
	vm4 =	veq.s32 v30, $0x0;
	[tilespmem:$0x240] =	vst v40  }
0x28: {  	v48 =	vld [tilespmem:$0x130];
	v47 =	vadd.s32 $0xFFFFFFFF, v33;
	vm5 =	veq.s32 v33, $0x0;
	[tilespmem:$0x250] =	vst v43;
	v46 =	vsel vm4, $0xF423F, v44  }
0x29: {  	v51 =	vld [tilespmem:$0x140];
	v50 =	vadd.s32 $0xFFFFFFFF, v36;
	vm6 =	veq.s32 v36, $0x0;
	v49 =	vsel vm5, $0xF423F, v47;
	[tilespmem:$0x260] =	vst v46  }
0x2a: {  	v54 =	vld [tilespmem:$0x150];
	v53 =	vadd.s32 $0xFFFFFFFF, v39;
	vm7 =	veq.s32 v39, $0x0;
	v52 =	vsel vm6, $0xF423F, v50;
	[tilespmem:$0x270] =	vst v49  }
0x2b: {  	v60 =	vld [tilespmem:$0x170];
	v56 =	vadd.s32 $0xFFFFFFFF, v42;
	vm8 =	veq.s32 v42, $0x0;
	v55 =	vsel vm7, $0xF423F, v53;
	[tilespmem:$0x280] =	vst v52  }
0x2c: {  	v63 =	vld [tilespmem:$0x180];
	v59 =	vadd.s32 $0xFFFFFFFF, v45;
	vm9 =	veq.s32 v45, $0x0;
	v58 =	vsel vm8, $0xF423F, v56;
	[tilespmem:$0x290] =	vst v55  }
0x2d: {  	v57 =	vld [tilespmem:$0x160];
	v62 =	vadd.s32 $0xFFFFFFFF, v48;
	vm10 =	veq.s32 v48, $0x0;
	v61 =	vsel vm9, $0xF423F, v59;
	[tilespmem:$0x2A0] =	vst v58  }
0x2e: {  	v9 =	vadd.s32 $0xFFFFFFFF, v51;
	vm11 =	veq.s32 v51, $0x0;
	v8 =	vsel vm10, $0xF423F, v62;
	[tilespmem:$0x2B0] =	vst v61  }
0x2f: {  	vm12 =	veq.s32 v54, $0x0;
	v11 =	vadd.s32 $0xFFFFFFFF, v54;
	v10 =	vsel vm11, $0xF423F, v9;
	[tilespmem:$0x2C0] =	vst v8  }
0x30: {  	v15 =	vadd.s32 $0xFFFFFFFF, v60;
	vm14 =	veq.s32 v60, $0x0;
	v12 =	vsel vm12, $0xF423F, v11;
	[tilespmem:$0x2D0] =	vst v10  }
0x31: {  	vm15 =	veq.s32 v63, $0x0;
	v17 =	vadd.s32 $0xFFFFFFFF, v63;
	v16 =	vsel vm14, $0xF423F, v15;
	[tilespmem:$0x2E0] =	vst v12  }
0x32: {  	vm13 =	veq.s32 v57, $0x0;
	v13 =	vadd.s32 $0xFFFFFFFF, v57;
	v18 =	vsel vm15, $0xF423F, v17;
	[tilespmem:$0x300] =	vst v16  }
0x33: {  	v14 =	vsel vm13, $0xF423F, v13;
	[tilespmem:$0x310] =	vst v18  }
0x34: {  	s0 =	simm.s32 $0x320;
	[tilespmem:$0x2F0] =	vst v14  }
0x35: {  	[tilespmem:s0], [sflag:$0x1] =	stream.indirect.gather [hbm4b:s4+s11], $0x40, s12, s11, $0xb8;
	[tilespmem:$0xCB20] =	vst v63  }
0x36: {  	s15 =	simm.s32 $0x1720  }
0x37: {  	[tilespmem:s15], [sflag:$0x1] =	stream.indirect.gather [hbm4b:s4+s11], $0x40, s14, s11, $0xb8;
	[tilespmem:$0xCB20] =	vst v63  }
0x38: {  	s17 =	simm.s32 $0x2B20  }
0x39: {  	[tilespmem:s17], [sflag:$0x1] =	stream.indirect.gather [hbm4b:s4+s11], $0x40, s16, s11, $0xb8;
	[tilespmem:$0xCB20] =	vst v63  }
0x3a: {  	s19 =	simm.s32 $0x3F20  }
0x3b: {  	[tilespmem:s19], [sflag:$0x1] =	stream.indirect.gather [hbm4b:s4+s11], $0x40, s18, s11, $0xb8;
	[tilespmem:$0xCB20] =	vst v63  }
0x3c: {  	_ = 	snop  }
0x3d: {  	[tilespmem:s21], [sflag:$0x1] =	stream.indirect.gather [hbm4b:s4+s11], $0x40, s20, s11, $0xb8;
	[tilespmem:$0xCB20] =	vst v63  }
0x3e: {  	_ =	swait.ge [sflag:s22], $0x1400  }
0x3f: {  	[sflag:s22] =	ssyncset.done $0x0  }
0x40: {  	[sflag:s22] =	ssyncadd.s32 $0xFFFFEC00  }
0x41: {  	_ =	swait.ge [sflag:s22], $0x1400  }
0x42: {  	[sflag:s22] =	ssyncset.done $0x0  }
0x43: {  	[sflag:s22] =	ssyncadd.s32 $0xFFFFEC00  }
0x44: {  	_ =	swait.ge [sflag:s22], $0x1400  }
0x45: {  	[sflag:s22] =	ssyncset.done $0x0  }
0x46: {  	[sflag:s22] =	ssyncadd.s32 $0xFFFFEC00  }
0x47: {  	_ =	swait.ge [sflag:s22], $0x1400  }
0x48: {  	s26 =	sand.u32 $0x1, s3;
	[sflag:s22] =	ssyncset.done $0x0  }
0x49: {  	p0 =	seq.s32 s26, $0x1;
	[sflag:s22] =	ssyncadd.s32 $0xFFFFEC00  }
0x4a: {  	s0 =	sand.u32 @!p0 $0x1FFFFF00, s9;
	_ =	swait.ge [sflag:s22], $0x1400  }
0x4b: {  	s1 =	simm.s32 @!p0 $0x320;
	s0 =	smov.u32 @p0 s9;
	[sflag:s22] =	ssyncset.done $0x0  }
0x4c: {  	s1 =	simm.s32 @p0 $0x6720;
	s0 =	sadd.s32 s2, s0;
	[sflag:s22] =	ssyncadd.s32 $0xFFFFEC00  }
0x4d: {  	[hbm4b:s0+s3] =	stream.linear.scatter [tilespmem:s1], [sflag:$0x2], $0x6400, $0x38;
	[tilespmem:$0xCB20] =	vst v63  }
0x4e: {  	_ = 	snop  }
0x4f: {  	[tilespmem:s3], [sflag:$0x3] =	stream.linear.gather [hbm4b:s8+s3], $0x190, $0x38;
	[tilespmem:$0xCB20] =	vst v63  }
0x50: {  	_ =	swait.ge [sflag:s10], $0x190  }
0x51: {  	[sflag:s10] =	ssyncset.done $0x0  }
0x52: {  	[sflag:s10] =	ssyncadd.s32 $0xFFFFFE70  }
0x53: {  	v19 =	vld [tilespmem:$0x0]  }
0x54: {  	v20 =	vld [tilespmem:$0x120]  }
0x55: {  	v22 =	vld [tilespmem:$0xF0]  }
0x56: {  	v23 =	vld [tilespmem:$0x90]  }
0x57: {  	v24 =	vld [tilespmem:$0x30]  }
0x58: {  	v7 =	vld [tilespmem:$0x130];
	vm4 =	veq.s32 v19, $0x0;
	v0 =	vadd.s32 $0xFFFFFFFF, v19  }
0x59: {  	v28 =	vld [tilespmem:$0x170];
	vm5 =	veq.s32 v20, $0x0;
	v1 =	vadd.s32 $0xFFFFFFFF, v20;
	v0 =	vsel vm4, $0xF423F, v0  }
0x5a: {  	v32 =	vld [tilespmem:$0x160];
	vm6 =	veq.s32 v22, $0x0;
	v27 =	vadd.s32 $0xFFFFFFFF, v22;
	v1 =	vsel vm5, $0xF423F, v1;
	[tilespmem:$0x190] =	vst v0  }
0x5b: {  	v34 =	vld [tilespmem:$0xC0];
	vm7 =	veq.s32 v23, $0x0;
	v30 =	vadd.s32 $0xFFFFFFFF, v23;
	v29 =	vsel vm6, $0xF423F, v27;
	[tilespmem:$0x2B0] =	vst v1  }
0x5c: {  	v35 =	vld [tilespmem:$0xD0];
	vm8 =	veq.s32 v24, $0x0;
	v5 =	vadd.s32 $0xFFFFFFFF, v24;
	v2 =	vsel vm7, $0xF423F, v30;
	[tilespmem:$0x280] =	vst v29  }
0x5d: {  	v21 =	vld [tilespmem:$0xE0];
	vm10 =	veq.s32 v7, $0x0;
	v7 =	vadd.s32 $0xFFFFFFFF, v7;
	v5 =	vsel vm8, $0xF423F, v5;
	[tilespmem:$0x220] =	vst v2  }
0x5e: {  	v25 =	vld [tilespmem:$0x100];
	v36 =	vadd.s32 $0xFFFFFFFF, v28;
	vm11 =	veq.s32 v28, $0x0;
	v7 =	vsel vm10, $0xF423F, v7;
	[tilespmem:$0x1C0] =	vst v5  }
0x5f: {  	v8 =	vld [tilespmem:$0x70];
	vm13 =	veq.s32 v32, $0x0;
	v4 =	vadd.s32 $0xFFFFFFFF, v32;
	v3 =	vsel vm11, $0xF423F, v36;
	[tilespmem:$0x2C0] =	vst v7  }
0x60: {  	v38 =	vld [tilespmem:$0x180];
	vm14 =	veq.s32 v34, $0x0;
	v40 =	vadd.s32 $0xFFFFFFFF, v34;
	v39 =	vsel vm13, $0xF423F, v4;
	[tilespmem:$0x300] =	vst v3  }
0x61: {  	v41 =	vld [tilespmem:$0x50];
	v43 =	vadd.s32 $0xFFFFFFFF, v35;
	vm15 =	veq.s32 v35, $0x0;
	v4 =	vsel vm14, $0xF423F, v40;
	[tilespmem:$0x2F0] =	vst v39  }
0x62: {  	v54 =	vld [tilespmem:$0x110];
	vm1 =	veq.s32 v21, $0x0;
	v26 =	vadd.s32 $0xFFFFFFFF, v21;
	v46 =	vsel vm15, $0xF423F, v43;
	[tilespmem:$0x250] =	vst v4  }
0x63: {  	v55 =	vld [tilespmem:$0x140];
	vm9 =	veq.s32 v25, $0x0;
	v33 =	vadd.s32 $0xFFFFFFFF, v25;
	v0 =	vsel vm1, $0xF423F, v26;
	[tilespmem:$0x260] =	vst v46  }
0x64: {  	v47 =	vld [tilespmem:$0x40];
	v45 =	vadd.s32 $0xFFFFFFFF, v8;
	vm4 =	veq.s32 v8, $0x0;
	v1 =	vsel vm9, $0xF423F, v33;
	[tilespmem:$0x270] =	vst v0  }
0x65: {  	v48 =	vld [tilespmem:$0x60];
	v49 =	vadd.s32 $0xFFFFFFFF, v38;
	vm6 =	veq.s32 v38, $0x0;
	v3 =	vsel vm4, $0xF423F, v45;
	[tilespmem:$0x290] =	vst v1  }
0x66: {  	v31 =	vld [tilespmem:$0x150];
	v6 =	vadd.s32 $0xFFFFFFFF, v41;
	vm7 =	veq.s32 v41, $0x0;
	v51 =	vsel vm6, $0xF423F, v49;
	[tilespmem:$0x200] =	vst v3  }
0x67: {  	v37 =	vld [tilespmem:$0xB0];
	v60 =	vadd.s32 $0xFFFFFFFF, v54;
	vm14 =	veq.s32 v54, $0x0;
	v6 =	vsel vm7, $0xF423F, v6;
	[tilespmem:$0x310] =	vst v51  }
0x68: {  	v52 =	vld [tilespmem:$0x10];
	v61 =	vadd.s32 $0xFFFFFFFF, v55;
	vm15 =	veq.s32 v55, $0x0;
	v62 =	vsel vm14, $0xF423F, v60;
	[tilespmem:$0x1E0] =	vst v6  }
0x69: {  	v44 =	vld [tilespmem:$0x80];
	vm10 =	veq.s32 v47, $0x0;
	v7 =	vadd.s32 $0xFFFFFFFF, v47;
	v63 =	vsel vm15, $0xF423F, v61;
	[tilespmem:$0x2A0] =	vst v62  }
0x6a: {  	v42 =	vld [tilespmem:$0xA0];
	vm11 =	veq.s32 v48, $0x0;
	v4 =	vadd.s32 $0xFFFFFFFF, v48;
	v56 =	vsel vm10, $0xF423F, v7;
	[tilespmem:$0x2D0] =	vst v63  }
0x6b: {  	v50 =	vld [tilespmem:$0x20];
	vm12 =	veq.s32 v31, $0x0;
	v0 =	vadd.s32 $0xFFFFFFFF, v31;
	v58 =	vsel vm11, $0xF423F, v4;
	[tilespmem:$0x1D0] =	vst v56  }
0x6c: {  	vm5 =	veq.s32 v37, $0x0;
	v1 =	vadd.s32 $0xFFFFFFFF, v37;
	v0 =	vsel vm12, $0xF423F, v0;
	[tilespmem:$0x1F0] =	vst v58  }
0x6d: {  	vm13 =	veq.s32 v52, $0x0;
	v3 =	vadd.s32 $0xFFFFFFFF, v52;
	v1 =	vsel vm5, $0xF423F, v1;
	[tilespmem:$0x2E0] =	vst v0  }
0x6e: {  	v53 =	vadd.s32 $0xFFFFFFFF, v44;
	vm9 =	veq.s32 v44, $0x0;
	v59 =	vsel vm13, $0xF423F, v3;
	[tilespmem:$0x240] =	vst v1  }
0x6f: {  	vm8 =	veq.s32 v42, $0x0;
	v0 =	vadd.s32 $0xFFFFFFFF, v42;
	v1 =	vsel vm9, $0xF423F, v53;
	[tilespmem:$0x1A0] =	vst v59  }
0x70: {  	v57 =	vadd.s32 $0xFFFFFFFF, v50;
	vm12 =	veq.s32 v50, $0x0;
	v0 =	vsel vm8, $0xF423F, v0;
	[tilespmem:$0x210] =	vst v1  }
0x71: {  	s0 =	simm.s32 @!p0 $0x6720;
	v1 =	vsel vm12, $0xF423F, v57;
	[tilespmem:$0x230] =	vst v0  }
0x72: {  	s1 =	simm.s32 @!p0 $0x7B20;
	s0 =	simm.s32 @p0 $0x320;
	[tilespmem:$0x1B0] =	vst v1  }
0x73: {  	[tilespmem:s0], [sflag:$0x1] =	stream.indirect.gather [hbm4b:s4+s11], $0x40, s12, s11, $0xb8;
	[tilespmem:$0xCB20] =	vst v63  }
0x74: {  	s1 =	simm.s32 @p0 $0x1720;
	s0 =	simm.s32 @!p0 $0x8F20  }
0x75: {  	[tilespmem:s1], [sflag:$0x1] =	stream.indirect.gather [hbm4b:s4+s11], $0x40, s14, s11, $0xb8;
	[tilespmem:$0xCB20] =	vst v63  }
0x76: {  	s0 =	simm.s32 @p0 $0x2B20;
	s1 =	simm.s32 @!p0 $0xA320  }
0x77: {  	[tilespmem:s0], [sflag:$0x1] =	stream.indirect.gather [hbm4b:s4+s11], $0x40, s16, s11, $0xb8;
	[tilespmem:$0xCB20] =	vst v63  }
0x78: {  	s1 =	simm.s32 @p0 $0x3F20;
	s0 =	simm.s32 @!p0 $0xB720  }
0x79: {  	[tilespmem:s1], [sflag:$0x1] =	stream.indirect.gather [hbm4b:s4+s11], $0x40, s18, s11, $0xb8;
	[tilespmem:$0xCB20] =	vst v63  }
0x7a: {  	s0 =	simm.s32 @p0 $0x5320  }
0x7b: {  	[tilespmem:s0], [sflag:$0x1] =	stream.indirect.gather [hbm4b:s4+s11], $0x40, s20, s11, $0xb8;
	[tilespmem:$0xCB20] =	vst v63  }
0x7c: {  	_ =	swait.ge [sflag:s24], $0x6400  }
0x7d: {  	[sflag:s24] =	ssyncset.done $0x0  }
0x7e: {  	[sflag:s24] =	ssyncadd.s32 $0xFFFF9C00  }
0x7f: {  	_ =	swait.ge [sflag:s22], $0x1400  }
0x80: {  	[sflag:s22] =	ssyncset.done $0x0  }
0x81: {  	[sflag:s22] =	ssyncadd.s32 $0xFFFFEC00  }
0x82: {  	_ =	swait.ge [sflag:s22], $0x1400  }
0x83: {  	[sflag:s22] =	ssyncset.done $0x0  }
0x84: {  	[sflag:s22] =	ssyncadd.s32 $0xFFFFEC00  }
0x85: {  	_ =	swait.ge [sflag:s22], $0x1400  }
0x86: {  	[sflag:s22] =	ssyncset.done $0x0  }
0x87: {  	s31 =	simm.s32 $0x1;
	s13 =	sadd.s32 $0xC80, s9;
	[sflag:s22] =	ssyncadd.s32 $0xFFFFEC00  }
0x88: {  	s30 =	sadd.s32 $0x32, s8;
	s26 =	simm.s32 $0x2;
	_ =	swait.ge [sflag:s22], $0x1400  }
0x89: {  	s28 =	sadd.s32 $0xC80, s13;
	s0 =	sand.u32 $0x1, s31;
	[sflag:s22] =	ssyncset.done $0x0  }
0x8a: {  	s29 =	sadd.s32 $0x32, s30;
	p1 =	seq.s32 s0, $0x1;
	[sflag:s22] =	ssyncadd.s32 $0xFFFFEC00  }
0x8b: {  	s1 =	sand.u32 @!p1 $0x1FFFFF00, s13;
	s0 =	simm.s32 @!p1 $0x320;
	_ =	swait.ge [sflag:s22], $0x1400  }
0x8c: {  	s1 =	smov.u32 @p1 s13;
	s0 =	simm.s32 @p1 $0x6720;
	[sflag:s22] =	ssyncset.done $0x0  }
.LBB2_2:
0x8d: {  	s13 =	simm.s32 @!p1 $0x6720;
	s15 =	sadd.s32 s2, s1  }
0x8e: {  	[sflag:s22] =	ssyncadd.s32 $0xFFFFEC00;
	s1 =	smov.u32 s26;
	s31 =	smov.u32 s28  }
0x8f: {  	[hbm4b:s15+s3] =	stream.linear.scatter [tilespmem:s0], [sflag:$0x2], $0x6400, $0x38;
	[tilespmem:$0xCB20] =	vst v63  }
0x90: {  	s0 =	simm.s32 @!p1 $0xA320;
	s15 =	simm.s32 @!p1 $0x8F20;
	s13 =	simm.s32 @p1 $0x320  }
0x91: {  	[tilespmem:s3], [sflag:$0x3] =	stream.linear.gather [hbm4b:s30+s3], $0x190, $0x38;
	[tilespmem:$0xCB20] =	vst v63  }
0x92: {  	s19 =	simm.s32 @!p1 $0x7B20;
	s15 =	simm.s32 @p1 $0x2B20;
	_ =	swait.ge [sflag:s10], $0x190  }
0x93: {  	s17 =	simm.s32 @!p1 $0xB720;
	s0 =	simm.s32 @p1 $0x3F20;
	[sflag:s10] =	ssyncset.done $0x0  }
0x94: {  	s26 =	sadd.s32 $0x1, s26;
	s17 =	simm.s32 @p1 $0x5320;
	[sflag:s10] =	ssyncadd.s32 $0xFFFFFE70  }
0x95: {  	p0 =	sne.s32 s26, $0x3F;
	s19 =	simm.s32 @p1 $0x1720;
	s30 =	smov.u32 s29;
	v0 =	vld [tilespmem:$0xF0]  }
0x96: {  	v1 =	vld [tilespmem:$0x100]  }
0x97: {  	v2 =	vld [tilespmem:$0x0]  }
0x98: {  	v3 =	vld [tilespmem:$0x120]  }
0x99: {  	v4 =	vld [tilespmem:$0xE0]  }
0x9a: {  	v5 =	vld [tilespmem:$0x90];
	vm0 =	veq.s32 v0, $0x0;
	v0 =	vadd.s32 $0xFFFFFFFF, v0  }
0x9b: {  	v6 =	vld [tilespmem:$0x30];
	v0 =	vsel vm0, $0xF423F, v0;
	vm0 =	veq.s32 v1, $0x0;
	v1 =	vadd.s32 $0xFFFFFFFF, v1  }
0x9c: {  	vm1 =	veq.s32 v2, $0x0;
	v2 =	vadd.s32 $0xFFFFFFFF, v2;
	v1 =	vsel vm0, $0xF423F, v1;
	v7 =	vld [tilespmem:$0x170]  }
0x9d: {  	v2 =	vsel vm1, $0xF423F, v2;
	vm0 =	veq.s32 v3, $0x0;
	v3 =	vadd.s32 $0xFFFFFFFF, v3;
	v8 =	vld [tilespmem:$0x130]  }
0x9e: {  	[tilespmem:$0x190] =	vst v2;
	vm1 =	veq.s32 v4, $0x0;
	v2 =	vadd.s32 $0xFFFFFFFF, v4;
	v3 =	vsel vm0, $0xF423F, v3;
	v4 =	vld [tilespmem:$0x160]  }
0x9f: {  	vm0 =	veq.s32 v5, $0x0;
	v5 =	vadd.s32 $0xFFFFFFFF, v5;
	v2 =	vsel vm1, $0xF423F, v2;
	[tilespmem:$0x2B0] =	vst v3;
	v3 =	vld [tilespmem:$0x140]  }
0xa0: {  	vm1 =	veq.s32 v6, $0x0;
	v6 =	vadd.s32 $0xFFFFFFFF, v6;
	[tilespmem:$0x270] =	vst v2;
	v2 =	vld [tilespmem:$0x150]  }
0xa1: {  	v5 =	vsel vm0, $0xF423F, v5;
	v9 =	vld [tilespmem:$0xC0];
	[tilespmem:$0x280] =	vst v0;
	v0 =	vadd.s32 $0xFFFFFFFF, v7  }
0xa2: {  	v6 =	vsel vm1, $0xF423F, v6;
	[tilespmem:$0x220] =	vst v5;
	v5 =	vld [tilespmem:$0xD0];
	vm0 =	veq.s32 v8, $0x0;
	v8 =	vadd.s32 $0xFFFFFFFF, v8  }
0xa3: {  	[tilespmem:$0x1C0] =	vst v6;
	v6 =	vsel vm0, $0xF423F, v8;
	vm0 =	veq.s32 v4, $0x0;
	v4 =	vadd.s32 $0xFFFFFFFF, v4;
	v8 =	vld [tilespmem:$0x180]  }
0xa4: {  	v10 =	vld [tilespmem:$0x70];
	[tilespmem:$0x290] =	vst v1;
	v1 =	vadd.s32 $0xFFFFFFFF, v3;
	v4 =	vsel vm0, $0xF423F, v4;
	vm0 =	veq.s32 v7, $0x0  }
0xa5: {  	v7 =	vld [tilespmem:$0xB0];
	[tilespmem:$0x2C0] =	vst v6;
	vm1 =	veq.s32 v2, $0x0;
	v2 =	vadd.s32 $0xFFFFFFFF, v2;
	v0 =	vsel vm0, $0xF423F, v0  }
0xa6: {  	v6 =	vld [tilespmem:$0xA0];
	vm0 =	veq.s32 v9, $0x0;
	v9 =	vadd.s32 $0xFFFFFFFF, v9;
	v2 =	vsel vm1, $0xF423F, v2;
	[tilespmem:$0x300] =	vst v0  }
0xa7: {  	v0 =	vld [tilespmem:$0x50];
	v9 =	vsel vm0, $0xF423F, v9;
	v11 =	vadd.s32 $0xFFFFFFFF, v5;
	vm0 =	veq.s32 v3, $0x0;
	[tilespmem:$0x2E0] =	vst v2  }
0xa8: {  	vm1 =	veq.s32 v5, $0x0;
	v2 =	vld [tilespmem:$0x80];
	v1 =	vsel vm0, $0xF423F, v1;
	[tilespmem:$0x2F0] =	vst v4;
	vm0 =	veq.s32 v8, $0x0  }
0xa9: {  	v5 =	vsel vm1, $0xF423F, v11;
	v3 =	vld [tilespmem:$0x60];
	vm2 =	veq.s32 v10, $0x0;
	v4 =	vadd.s32 $0xFFFFFFFF, v10;
	[tilespmem:$0x250] =	vst v9  }
0xaa: {  	v9 =	vld [tilespmem:$0x40];
	v4 =	vsel vm2, $0xF423F, v4;
	vm1 =	veq.s32 v7, $0x0;
	v7 =	vadd.s32 $0xFFFFFFFF, v7;
	[tilespmem:$0x260] =	vst v5  }
0xab: {  	v5 =	vld [tilespmem:$0x20];
	[tilespmem:$0x200] =	vst v4;
	vm2 =	veq.s32 v6, $0x0;
	v4 =	vsel vm1, $0xF423F, v7;
	v7 =	vadd.s32 $0xFFFFFFFF, v8  }
0xac: {  	v8 =	vld [tilespmem:$0x10];
	vm1 =	veq.s32 v0, $0x0;
	v0 =	vadd.s32 $0xFFFFFFFF, v0;
	[tilespmem:$0x240] =	vst v4;
	v4 =	vsel vm0, $0xF423F, v7  }
0xad: {  	v6 =	vadd.s32 $0xFFFFFFFF, v6;
	v0 =	vsel vm1, $0xF423F, v0;
	v7 =	vadd.s32 $0xFFFFFFFF, v2;
	[tilespmem:$0x310] =	vst v4  }
0xae: {  	vm1 =	veq.s32 v2, $0x0;
	[tilespmem:$0x1E0] =	vst v0;
	vm0 =	veq.s32 v3, $0x0;
	v0 =	vsel vm2, $0xF423F, v6;
	v2 =	vld [tilespmem:$0x110]  }
0xaf: {  	v6 =	vsel vm1, $0xF423F, v7;
	vm2 =	veq.s32 v9, $0x0;
	v4 =	vadd.s32 $0xFFFFFFFF, v9;
	[tilespmem:$0x230] =	vst v0  }
0xb0: {  	v3 =	vadd.s32 $0xFFFFFFFF, v3;
	v0 =	vadd.s32 $0xFFFFFFFF, v5;
	v4 =	vsel vm2, $0xF423F, v4;
	[tilespmem:$0x210] =	vst v6  }
0xb1: {  	v3 =	vsel vm0, $0xF423F, v3;
	vm2 =	veq.s32 v5, $0x0;
	vm1 =	veq.s32 v8, $0x0;
	[tilespmem:$0x1D0] =	vst v4  }
0xb2: {  	v4 =	vadd.s32 $0xFFFFFFFF, v8;
	v0 =	vsel vm2, $0xF423F, v0;
	[tilespmem:$0x1F0] =	vst v3  }
0xb3: {  	v3 =	vsel vm1, $0xF423F, v4;
	[tilespmem:$0x1B0] =	vst v0;
	vm0 =	veq.s32 v2, $0x0;
	v0 =	vadd.s32 $0xFFFFFFFF, v2  }
0xb4: {  	[tilespmem:$0x1A0] =	vst v3;
	v0 =	vsel vm0, $0xF423F, v0  }
0xb5: {  	[tilespmem:$0x2A0] =	vst v0  }
0xb6: {  	[tilespmem:$0x2D0] =	vst v1  }
0xb7: {  	[tilespmem:s13], [sflag:$0x1] =	stream.indirect.gather [hbm4b:s4+s11], $0x40, s12, s11, $0xb8;
	[tilespmem:$0xCB20] =	vst v63  }
0xb8: {  	_ = 	snop  }
0xb9: {  	[tilespmem:s19], [sflag:$0x1] =	stream.indirect.gather [hbm4b:s4+s11], $0x40, s14, s11, $0xb8;
	[tilespmem:$0xCB20] =	vst v63  }
0xba: {  	_ = 	snop  }
0xbb: {  	[tilespmem:s15], [sflag:$0x1] =	stream.indirect.gather [hbm4b:s4+s11], $0x40, s16, s11, $0xb8;
	[tilespmem:$0xCB20] =	vst v63  }
0xbc: {  	_ = 	snop  }
0xbd: {  	[tilespmem:s0], [sflag:$0x1] =	stream.indirect.gather [hbm4b:s4+s11], $0x40, s18, s11, $0xb8;
	[tilespmem:$0xCB20] =	vst v63  }
0xbe: {  	_ = 	snop  }
0xbf: {  	[tilespmem:s17], [sflag:$0x1] =	stream.indirect.gather [hbm4b:s4+s11], $0x40, s20, s11, $0xb8;
	[tilespmem:$0xCB20] =	vst v63  }
0xc0: {  	_ =	swait.ge [sflag:s24], $0x6400  }
0xc1: {  	[sflag:s24] =	ssyncset.done $0x0  }
0xc2: {  	[sflag:s24] =	ssyncadd.s32 $0xFFFF9C00  }
0xc3: {  	_ =	swait.ge [sflag:s22], $0x1400  }
0xc4: {  	[sflag:s22] =	ssyncset.done $0x0  }
0xc5: {  	[sflag:s22] =	ssyncadd.s32 $0xFFFFEC00  }
0xc6: {  	_ =	swait.ge [sflag:s22], $0x1400  }
0xc7: {  	[sflag:s22] =	ssyncset.done $0x0  }
0xc8: {  	[sflag:s22] =	ssyncadd.s32 $0xFFFFEC00  }
0xc9: {  	_ =	swait.ge [sflag:s22], $0x1400  }
0xca: {  	[sflag:s22] =	ssyncset.done $0x0  }
0xcb: {  	[sflag:s22] =	ssyncadd.s32 $0xFFFFEC00  }
.Ltmp0:
0xcc: {  	_ =	swait.ge [sflag:s22], $0x1400;
	(pc) =	sbr.rel @p0 .LBB2_2-.Ltmp0, $4  }
0xcd: {  	s28 =	sadd.s32 $0xC80, s28;
	s0 =	sand.u32 $0x1, s1;
	[sflag:s22] =	ssyncset.done $0x0  }
0xce: {  	s29 =	sadd.s32 $0x32, s29;
	p1 =	seq.s32 s0, $0x1;
	[sflag:s22] =	ssyncadd.s32 $0xFFFFEC00  }
0xcf: {  	s1 =	sand.u32 @!p1 $0x1FFFFF00, s31;
	s0 =	simm.s32 @!p1 $0x320;
	_ =	swait.ge [sflag:s22], $0x1400  }
0xd0: {  	s1 =	smov.u32 @p1 s31;
	s0 =	simm.s32 @p1 $0x6720;
	[sflag:s22] =	ssyncset.done $0x0  }
0xd1: {  	s1 =	sadd.s32 s2, s1;
	[sflag:s22] =	ssyncadd.s32 $0xFFFFEC00  }
0xd2: {  	[hbm4b:s1+s3] =	stream.linear.scatter [tilespmem:s0], [sflag:$0x2], $0x6400, $0x38;
	[tilespmem:$0xCB20] =	vst v63  }
0xd3: {  	_ = 	snop  }
0xd4: {  	[tilespmem:s3], [sflag:$0x3] =	stream.linear.gather [hbm4b:s30+s3], $0x190, $0x38;
	[tilespmem:$0xCB20] =	vst v63  }
0xd5: {  	_ =	swait.ge [sflag:s10], $0x190  }
0xd6: {  	[sflag:s10] =	ssyncset.done $0x0  }
0xd7: {  	[sflag:s10] =	ssyncadd.s32 $0xFFFFFE70  }
0xd8: {  	v0 =	vld [tilespmem:$0x0]  }
0xd9: {  	v1 =	vld [tilespmem:$0x120]  }
0xda: {  	v2 =	vld [tilespmem:$0xE0]  }
0xdb: {  	v3 =	vld [tilespmem:$0xF0]  }
0xdc: {  	v4 =	vld [tilespmem:$0x90]  }
0xdd: {  	v5 =	vld [tilespmem:$0x30];
	vm0 =	veq.s32 v0, $0x0  }
0xde: {  	v7 =	vld [tilespmem:$0x130];
	v0 =	vadd.s32 $0xFFFFFFFF, v0;
	vm5 =	veq.s32 v1, $0x0;
	v1 =	vadd.s32 $0xFFFFFFFF, v1  }
0xdf: {  	v28 =	vld [tilespmem:$0x170];
	vm1 =	veq.s32 v2, $0x0;
	v26 =	vadd.s32 $0xFFFFFFFF, v2;
	v0 =	vsel vm0, $0xF423F, v0  }
0xe0: {  	v32 =	vld [tilespmem:$0x160];
	vm6 =	veq.s32 v3, $0x0;
	v27 =	vadd.s32 $0xFFFFFFFF, v3;
	v1 =	vsel vm5, $0xF423F, v1;
	[tilespmem:$0x190] =	vst v0  }
0xe1: {  	v34 =	vld [tilespmem:$0xC0];
	vm7 =	veq.s32 v4, $0x0;
	v30 =	vadd.s32 $0xFFFFFFFF, v4;
	v29 =	vsel vm6, $0xF423F, v27;
	[tilespmem:$0x2B0] =	vst v1  }
0xe2: {  	v35 =	vld [tilespmem:$0xD0];
	vm8 =	veq.s32 v5, $0x0;
	v5 =	vadd.s32 $0xFFFFFFFF, v5;
	v2 =	vsel vm7, $0xF423F, v30;
	[tilespmem:$0x280] =	vst v29  }
0xe3: {  	vm10 =	veq.s32 v7, $0x0;
	v7 =	vadd.s32 $0xFFFFFFFF, v7;
	v5 =	vsel vm8, $0xF423F, v5;
	[tilespmem:$0x220] =	vst v2  }
0xe4: {  	v6 =	vld [tilespmem:$0x100];
	v36 =	vadd.s32 $0xFFFFFFFF, v28;
	vm11 =	veq.s32 v28, $0x0;
	v7 =	vsel vm10, $0xF423F, v7;
	[tilespmem:$0x1C0] =	vst v5  }
0xe5: {  	v8 =	vld [tilespmem:$0x70];
	vm13 =	veq.s32 v32, $0x0;
	v4 =	vadd.s32 $0xFFFFFFFF, v32;
	v3 =	vsel vm11, $0xF423F, v36;
	[tilespmem:$0x2C0] =	vst v7  }
0xe6: {  	v38 =	vld [tilespmem:$0x180];
	vm14 =	veq.s32 v34, $0x0;
	v40 =	vadd.s32 $0xFFFFFFFF, v34;
	v39 =	vsel vm13, $0xF423F, v4;
	[tilespmem:$0x300] =	vst v3  }
0xe7: {  	v41 =	vld [tilespmem:$0x50];
	v43 =	vadd.s32 $0xFFFFFFFF, v35;
	vm15 =	veq.s32 v35, $0x0;
	v4 =	vsel vm14, $0xF423F, v40;
	[tilespmem:$0x2F0] =	vst v39  }
0xe8: {  	v54 =	vld [tilespmem:$0x110];
	v46 =	vsel vm15, $0xF423F, v43;
	[tilespmem:$0x250] =	vst v4  }
0xe9: {  	v55 =	vld [tilespmem:$0x140];
	vm9 =	veq.s32 v6, $0x0;
	v33 =	vadd.s32 $0xFFFFFFFF, v6;
	v0 =	vsel vm1, $0xF423F, v26;
	[tilespmem:$0x260] =	vst v46  }
0xea: {  	v47 =	vld [tilespmem:$0x40];
	vm4 =	veq.s32 v8, $0x0;
	v45 =	vadd.s32 $0xFFFFFFFF, v8;
	v1 =	vsel vm9, $0xF423F, v33;
	[tilespmem:$0x270] =	vst v0  }
0xeb: {  	v48 =	vld [tilespmem:$0x60];
	v49 =	vadd.s32 $0xFFFFFFFF, v38;
	vm6 =	veq.s32 v38, $0x0;
	v3 =	vsel vm4, $0xF423F, v45;
	[tilespmem:$0x290] =	vst v1  }
0xec: {  	v31 =	vld [tilespmem:$0x150];
	v6 =	vadd.s32 $0xFFFFFFFF, v41;
	vm7 =	veq.s32 v41, $0x0;
	v51 =	vsel vm6, $0xF423F, v49;
	[tilespmem:$0x200] =	vst v3  }
0xed: {  	v37 =	vld [tilespmem:$0xB0];
	v60 =	vadd.s32 $0xFFFFFFFF, v54;
	vm14 =	veq.s32 v54, $0x0;
	v6 =	vsel vm7, $0xF423F, v6;
	[tilespmem:$0x310] =	vst v51  }
0xee: {  	v52 =	vld [tilespmem:$0x10];
	v61 =	vadd.s32 $0xFFFFFFFF, v55;
	vm15 =	veq.s32 v55, $0x0;
	v62 =	vsel vm14, $0xF423F, v60;
	[tilespmem:$0x1E0] =	vst v6  }
0xef: {  	v44 =	vld [tilespmem:$0x80];
	vm10 =	veq.s32 v47, $0x0;
	v7 =	vadd.s32 $0xFFFFFFFF, v47;
	v63 =	vsel vm15, $0xF423F, v61;
	[tilespmem:$0x2A0] =	vst v62  }
0xf0: {  	v42 =	vld [tilespmem:$0xA0];
	vm11 =	veq.s32 v48, $0x0;
	v4 =	vadd.s32 $0xFFFFFFFF, v48;
	v56 =	vsel vm10, $0xF423F, v7;
	[tilespmem:$0x2D0] =	vst v63  }
0xf1: {  	v50 =	vld [tilespmem:$0x20];
	vm12 =	veq.s32 v31, $0x0;
	v0 =	vadd.s32 $0xFFFFFFFF, v31;
	v58 =	vsel vm11, $0xF423F, v4;
	[tilespmem:$0x1D0] =	vst v56  }
0xf2: {  	vm5 =	veq.s32 v37, $0x0;
	v1 =	vadd.s32 $0xFFFFFFFF, v37;
	v0 =	vsel vm12, $0xF423F, v0;
	[tilespmem:$0x1F0] =	vst v58  }
0xf3: {  	vm13 =	veq.s32 v52, $0x0;
	v3 =	vadd.s32 $0xFFFFFFFF, v52;
	v1 =	vsel vm5, $0xF423F, v1;
	[tilespmem:$0x2E0] =	vst v0  }
0xf4: {  	v53 =	vadd.s32 $0xFFFFFFFF, v44;
	vm9 =	veq.s32 v44, $0x0;
	v59 =	vsel vm13, $0xF423F, v3;
	[tilespmem:$0x240] =	vst v1  }
0xf5: {  	vm8 =	veq.s32 v42, $0x0;
	v0 =	vadd.s32 $0xFFFFFFFF, v42;
	v1 =	vsel vm9, $0xF423F, v53;
	[tilespmem:$0x1A0] =	vst v59  }
0xf6: {  	v57 =	vadd.s32 $0xFFFFFFFF, v50;
	vm12 =	veq.s32 v50, $0x0;
	v0 =	vsel vm8, $0xF423F, v0;
	[tilespmem:$0x210] =	vst v1  }
0xf7: {  	s0 =	simm.s32 @!p1 $0x6720;
	v1 =	vsel vm12, $0xF423F, v57;
	[tilespmem:$0x230] =	vst v0  }
0xf8: {  	s1 =	simm.s32 @!p1 $0x7B20;
	s0 =	simm.s32 @p1 $0x320;
	[tilespmem:$0x1B0] =	vst v1  }
0xf9: {  	[tilespmem:s0], [sflag:$0x1] =	stream.indirect.gather [hbm4b:s4+s11], $0x40, s12, s11, $0xb8;
	[tilespmem:$0xCB20] =	vst v63  }
0xfa: {  	s1 =	simm.s32 @p1 $0x1720;
	s0 =	simm.s32 @!p1 $0x8F20  }
0xfb: {  	[tilespmem:s1], [sflag:$0x1] =	stream.indirect.gather [hbm4b:s4+s11], $0x40, s14, s11, $0xb8;
	[tilespmem:$0xCB20] =	vst v63  }
0xfc: {  	s0 =	simm.s32 @p1 $0x2B20;
	s1 =	simm.s32 @!p1 $0xA320  }
0xfd: {  	[tilespmem:s0], [sflag:$0x1] =	stream.indirect.gather [hbm4b:s4+s11], $0x40, s16, s11, $0xb8;
	[tilespmem:$0xCB20] =	vst v63  }
0xfe: {  	s1 =	simm.s32 @p1 $0x3F20;
	s0 =	simm.s32 @!p1 $0xB720  }
0xff: {  	[tilespmem:s1], [sflag:$0x1] =	stream.indirect.gather [hbm4b:s4+s11], $0x40, s18, s11, $0xb8;
	[tilespmem:$0xCB20] =	vst v63  }
0x100: {  	s0 =	simm.s32 @p1 $0x5320  }
0x101: {  	[tilespmem:s0], [sflag:$0x1] =	stream.indirect.gather [hbm4b:s4+s11], $0x40, s20, s11, $0xb8;
	[tilespmem:$0xCB20] =	vst v63  }
0x102: {  	_ =	swait.ge [sflag:s24], $0x6400  }
0x103: {  	[sflag:s24] =	ssyncset.done $0x0  }
0x104: {  	[sflag:s24] =	ssyncadd.s32 $0xFFFF9C00  }
0x105: {  	_ =	swait.ge [sflag:s22], $0x1400  }
0x106: {  	[sflag:s22] =	ssyncset.done $0x0  }
0x107: {  	[sflag:s22] =	ssyncadd.s32 $0xFFFFEC00  }
0x108: {  	_ =	swait.ge [sflag:s22], $0x1400  }
0x109: {  	[sflag:s22] =	ssyncset.done $0x0  }
0x10a: {  	[sflag:s22] =	ssyncadd.s32 $0xFFFFEC00  }
0x10b: {  	_ =	swait.ge [sflag:s22], $0x1400  }
0x10c: {  	[sflag:s22] =	ssyncset.done $0x0  }
0x10d: {  	[sflag:s22] =	ssyncadd.s32 $0xFFFFEC00  }
0x10e: {  	_ =	swait.ge [sflag:s22], $0x1400  }
0x10f: {  	[sflag:s22] =	ssyncset.done $0x0  }
0x110: {  	[sflag:s22] =	ssyncadd.s32 $0xFFFFEC00  }
0x111: {  	s25 =	sadd.s32 $0x1, s25;
	_ =	swait.ge [sflag:s22], $0x1400  }
0x112: {  	p0 =	sne.s32 s25, s7;
	[sflag:s22] =	ssyncset.done $0x0  }
.Ltmp1:
0x113: {  	[sflag:s22] =	ssyncadd.s32 $0xFFFFEC00;
	(pc) =	sbr.rel @p0 .LBB2_1-.Ltmp1, $4  }
0x114: {  	[hbm4b:s6+s3] =	stream.linear.scatter [tilespmem:s23], [sflag:$0x2], $0x6400, $0x38;
	[tilespmem:$0xCB20] =	vst v63  }
0x115: {  	_ =	swait.ge [sflag:s24], $0x6400  }
0x116: {  	[sflag:s24] =	ssyncset.done $0x0  }
0x117: {  	[sflag:s24] =	ssyncadd.s32 $0xFFFF9C00  }
0x118: {  	_ =	sfence.sel $0x180000  }
0x119: {  	[bflag:$0x0] =	sbarrier.arrive $0xFFFF  }
0x11a: {  	_ =	strace $0x90000047  }
0x11b: {  	s0 =	stileid.u32;
	[bflag:$0x2] =	sbarrier.arrive $0xFFFF  }
0x11c: {  	p0 =	sne.s32 s0, $0x0;
	s0 =	rddreg [dreg:$0x3]  }
0x11d: {  	s0 =	sadd.s32 @!p0 $0x100000, s0  }
0x11e: {  	[sflag:s0] =	ssyncadd.tile.s32 @!p0 $0x1;
	_ =	shalt  }
.Lfunc_end2:
_tile_overlayer_lowered:
.L_overlay_start_2:
0x11f: {  	(tag) =	ssettag $0x2  }
0x120: {  	s0 =	rddreg [dreg:$0x0];
	s2 =	stileid.u32  }
0x121: {  	s1 =	rddreg [dreg:$0x1];
	p0 =	sne.s32 s2, $0x0  }
0x122: {  	s3 =	rddreg [dreg:$0x2];
	[bflag:$0x3] =	sbarrier.arrive $0xFFFF;
	s2 =	simm.s32 @!p0 $0x1C03  }
0x123: {  	[timem:s3], [sflag:s2] =	dma.local @!p0 [hbm:s0], s1  }
0x124: {  	s0 =	simm.s32 @!p0 $0x3  }
0x125: {  	_ =	swait.ge @!p0 [sflag:s0], s1  }
0x126: {  	s1 =	ssub.s32 @!p0 $0x0, s1;
	[sflag:s0] =	ssyncset.done @!p0 $0x0  }
0x127: {  	[sflag:s0] =	ssyncadd.s32 @!p0 s1  }
0x128: {  	[bflag:$0x3] =	sbarrier.arrive $0xFFFF  }
0x129: {  	_ =	shalt  }

// kernel: sparse-core-data-format-call.cloned.1.call-start
scs
called_computation_lowered:
.L_overlay_start_0:
0x0: {  	s2 =	sld [smem:$0x3FD9]  }
0x1: {  	s3 =	sld [smem:$0x3FFE];
	_ =	sdelay $0x1  }
0x2: {  	s1 =	srdreg.scid  }
0x3: {  	s0 =	sand.u32 $0x1, s1  }
0x4: {  	s18 =	sshll.u32 s0, $0xA;
	s2 =	sadd.s32 s3, s2  }
0x5: {  	s2 =	sadd.s32 s2, s18  }
0x6: {  	[smem:$0x3FC6] =	sst s2  }
0x7: {  	_ = 	snop  }
0x8: {  	s2 =	sld [smem:$0x3FD0];
	(tm) =	ssettm $0x1  }
0x9: {  	s19 =	sld [smem:$0x3FFB];
	_ =	sdelay $0x3  }
0xa: {  	_ =	strace s19  }
0xb: {  	s3 =	sld [smem:$0x3FFC];
	_ =	sdelay $0x3  }
0xc: {  	_ =	strace s3  }
0xd: {  	s3 =	sld [smem:$0x3FFD];
	_ =	sdelay $0x3  }
0xe: {  	_ =	strace s3  }
0xf: {  	_ =	strace $0x8FFFFFFF  }
0x10: {  	s20 =	sld [smem:$0x3FDB];
	_ =	sdelay $0x1  }
0x11: {  	s4 =	simm.s32 $_scs_section_size  }
0x12: {  	s5 =	simm.s32 $_size__tile_overlayer_lowered;
	s6 =	simm.s32 $_tile_overlayer_lowered  }
0x13: {  	s23 =	simm.s32 $0x1BFF;
	s22 =	sshll.u32 s6, $0x1;
	s3 =	sadd.s32 s4, s20  }
0x14: {  	s7 =	simm.s32 $0x0;
	s21 =	sshll.u32 s5, $0x1;
	s5 =	sadd.s32 s22, s3  }
0x15: {  	[timem:s7], [sflag:s23] =	dma.local [hbm:s5], s21  }
0x16: {  	_ =	swait.ge [sflag:s23], s21  }
0x17: {  	s4 =	ssub.s32 $0x0, s21;
	[sflag:s23] =	ssyncset.done $0x0  }
0x18: {  	[sflag:s23] =	ssyncadd.s32 s4;
	_ =	sdelay $0x1  }
0x19: {  	s24 =	simm.s32 $0x1B8B  }
0x1a: {  	_ =	swait.ge [sflag:s24], $0x1  }
0x1b: {  	[sflag:s24] =	ssyncset.done $0x0  }
0x1c: {  	s26 =	simm.s32 $0x1B8E;
	s25 =	sld [smem:$0x3FFE];
	[sflag:s24] =	ssyncadd.s32 $0xFFFFFFFF  }
0x1d: {  	s27 =	simm.s32 $execute0_lowered;
	[smem:$0x3FD2] =	sst s26  }
0x1e: {  	s5 =	sshll.u32 s27, $0x1;
	_ =	strace $0x80000049;
	[dreg:$0x1] =	wrdreg $0xFFFFFFFF  }
0x1f: {  	s28 =	simm.s32 $_size_execute0_lowered;
	s3 =	sadd.s32 s3, s5;
	[dreg:$0x0] =	wrdreg $0x0  }
0x20: {  	s5 =	sshll.u32 s28, $0x1;
	[dreg:$0x2] =	wrdreg s3  }
0x21: {  	[dreg:$0x3] =	wrdreg s5  }
0x22: {  	[dreg:$0x4] =	wrdreg $0xC0  }
0x23: {  	_ =	task [dreg:s7], $0x5FFFF  }
0x24: {  	[dreg:$0x1] =	wrdreg $0xFFFFFFFF  }
0x25: {  	[dreg:$0x0] =	wrdreg $0x60  }
0x26: {  	[dreg:$0x2] =	wrdreg s25  }
0x27: {  	[dreg:$0x3] =	wrdreg s2  }
0x28: {  	[dreg:$0x4] =	wrdreg $0x9  }
0x29: {  	_ =	task.clear_ibuf [dreg:s7], $0x5FFFF;
	_ =	strace $0x90000049  }
0x2a: {  	s29 =	simm.s32 $0x9;
	_ =	strace $0x8000004B  }
0x2b: {  	_ =	swait.ge [sflag:s29], $0x1  }
0x2c: {  	[sflag:s29] =	ssyncadd.s32 $0xFFFFFFFF  }
0x2d: {  	_ =	strace $0x9000004B  }
0x2e: {  	_ =	sfence  }
0x2f: {  	s30 =	sld [smem:$0x0];
	_ =	sdelay $0x2  }
0x30: {  	s31 =	sshll.u32 s1, $0xD;
	s1 =	sshrl.u32 s1, $0x2  }
0x31: {  	s3 =	sand.u32 $0x4000, s31;
	s1 =	sadd.s32 s1, s30  }
0x32: {  	s0 =	sor.u32 s3, s0;
	s1 =	sshll.u32 s1, $0x11  }
0x33: {  	s0 =	sor.u32 s1, s0  }
0x34: {  	s0 =	sadd.s32 $0x8F2B, s0  }
0x35: {  	[sflag:s0] =	ssyncadd.remote.s32 $0x1  }
0x36: {  	_ =	sfence.sel $0xFFFF  }
0x37: {  	[dreg:$0x0] =	wrdreg $0xFFFFFFFF;
	(pc) =	sbr.abs _section_cstart, $3  }
0x38: {  	[dreg:$0x1] =	wrdreg $0xFFFFFFFF  }
0x39: {  	_ =	task.clear_ibuf [dreg:s7], $0x2FFFF;
	_ =	strace $0x9FFFFFFF  }
0x3a: {  	(tm) =	ssettm $0x7FFFFFFF  }
0x3b: {  	_ =	shalt  }
tec
execute0_lowered:
.L_overlay_start_1:
0x0: {  	(tag) =	ssettag $0x1  }
0x1: {  	s0 =	srdreg.scid  }
0x2: {  	s1 =	sshll.u32 s0, $0x4  }
0x3: {  	s4 =	rddreg [dreg:$0x0];
	s0 =	stileid.u32;
	s1 =	sand.u32 $0x10, s1  }
0x4: {  	s2 =	rddreg [dreg:$0x1];
	s7 =	simm.s32 $0x1;
	s1 =	sor.u32 s0, s1  }
0x5: {  	s8 =	simm.s32 $0x2;
	s11 =	simm.s32 $0x0;
	s3 =	sshll.u32 s1, $0x7  }
0x6: {  	s10 =	simm.s32 $0x0;
	s4 =	sadd.s32 $0x800, s4;
	s6 =	ssub.s32 $0xC8000, s3  }
.Ltmp0:
0x7: {  	s1 =	rddreg [dreg:$0x2];
	s5 =	sand.u32 $0xF80, s6;
	(pc) =	sbr.rel .LBB1_1-.Ltmp0, $4  }
0x8: {  	_ =	strace $0x8000004A;
	s9 =	smov.u32 s3;
	p0 =	sne.s32 s5, $0x0  }
0x9: {  	s6 =	sshrl.u32 s6, $0xC;
	s5 =	simm.s32 $0x1;
	s7 =	simm.s32 @!p0 $0x0  }
0xa: {  	[sflag:s5] =	ssyncpa.u1 $0x0;
	p0 =	por $0x0, $0x0;
	s6 =	sadd.s32 s7, s6  }
0xb: {  	[sflag:s8] =	ssyncpa.u1 $0x0;
	s8 =	simm.s32 $0x640000;
	s7 =	sadd.s32 $0x1, s6  }
.LBB1_4:
0xc: {  	s14 =	sshll.u32 s11, $0x3  }
0xd: {  	s30 =	sand.u32 $0x7F, s11;
	s15 =	sand.u32 $0xFFFFFC00, s14  }
0xe: {  	s11 =	sor.u32 s30, s15  }
0xf: {  	s15 =	smulhi.u32 $0x51EB851F, s11  }
0x10: {  	s14 =	smulhi.u32 $0x51EB851F, s14  }
0x11: {  	s15 =	sshrl.u32 s15, $0x12  }
0x12: {  	s14 =	sshrl.u32 s14, $0x12;
	s15 =	smul.u32 $0xC8000, s15  }
0x13: {  	s14 =	sand.u32 $0x3F, s14  }
0x14: {  	s14 =	smul.u32 $0x19000, s14;
	s11 =	ssub.s32 s11, s15  }
0x15: {  	[tilespmem:s13+$0x810 ss:$0x81] =	vst.msk $0xffff, v2;
	s15 =	sand.u32 $0x7, s11  }
0x16: {  	[tilespmem:s13+$0x1020 ss:$0x81] =	vst.msk $0xffff, v0;
	s14 =	sadd.s32 s2, s14;
	s11 =	sshrl.u32 s11, $0x3;
	s15 =	sshll.u32 s15, $0x12  }
0x17: {  	[tilespmem:s13+$0x0 ss:$0x81] =	vst.msk $0xffff, v1;
	s11 =	sadd.s32 s11, s14;
	s31 =	sor.u32 $0x400, s15  }
0x18: {  	[hbm4b:s11+s31] =	stream.strided.scatter [tilespmem:s12], [sflag:$0x2], $0x2000, s8, s31, $0x20;
	[tilespmem:$0x8080] =	vst v63  }
.LBB1_5:
0x19: {  	s13 =	sadd.s32 $0x1000, s9  }
0x1a: {  	p2 =	sgt.s32 s13, $0xC7FFF  }
0x1b: {  	s13 =	smov.u32 @p2 s3;
	p2 =	sne.s32 s10, s7  }
.Ltmp1:
0x1c: {  	p1 =	slt.u32 s10, $0x2;
	(pc) =	sbr.rel @!p2 .LBB1_6-.Ltmp1, $4  }
0x1d: {  	s12 =	simm.s32 @!p1 $0x2  }
0x1e: {  	s14 =	sadd.s32 $0x1, s10;
	_ =	swait.ge @!p1 [sflag:s12], $0x2000  }
0x1f: {  	s11 =	smov.u32 s9;
	p0 =	por !p0, !p0;
	[sflag:s12] =	ssyncset.done @!p1 $0x0  }
0x20: {  	s10 =	smov.u32 s14;
	s9 =	smov.u32 s13;
	[sflag:s12] =	ssyncadd.s32 @!p1 $0xFFFFE000  }
.LBB1_1:
0x21: {  	p1 =	sge.u32 s10, s6  }
0x22: {  	s12 =	sand.u32 @!p1 $0x1FFFFFF, s9  }
0x23: {  	s13 =	smulhi.u32 @!p1 $0x147AE15, s12;
	_ =	sdelay $0x1  }
0x24: {  	s13 =	sshrl.u32 @!p1 s13, $0xC  }
0x25: {  	s13 =	smul.u32 @!p1 $0xC8000, s13;
	_ =	sdelay $0x1  }
0x26: {  	s31 =	sadd.s32 $0xFFFFFFFF, s10;
	s14 =	sxor.u32 @!p1 $0xFFFFFFFF, s10;
	s12 =	ssub.s32 @!p1 s12, s13  }
0x27: {  	s15 =	simm.s32 @!p1 $0x80;
	s14 =	sshll.u32 @!p1 s14, $0xD;
	s12 =	sshll.u32 @!p1 s12, $0x4  }
0x28: {  	s13 =	sand.u32 @!p1 $0x2000, s14;
	s14 =	simm.s32 @!p1 $0x40;
	s12 =	sadd.s32 @!p1 s4, s12  }
0x29: {  	[tilespmem:s13], [sflag:$0x1] =	stream.strided.gather @!p1 [hbm4b:s12+s14], $0x2000, s15, s14, $0x38;
	[tilespmem:$0x8080] =	vst v63  }
0x2a: {  	p1 =	sge.u32 s31, s6  }
.Ltmp2:
0x2b: {  	_ = 	snop;
	(pc) =	sbr.rel @p1 .LBB1_5-.Ltmp2, $1  }
0x2c: {  	_ =	sdelay $0x3  }
0x2d: {  	s12 =	simm.s32 $0x1  }
0x2e: {  	_ =	swait.ge [sflag:s5], $0x2000;
	s12 =	simm.s32 @!p0 $0x0  }
0x2f: {  	[sflag:s5] =	ssyncset.done $0x0;
	s13 =	sshll.u32 s12, $0xD  }
0x30: {  	[sflag:s5] =	ssyncadd.s32 $0xFFFFE000;
	s16 =	sor.u32 $0x20, s13  }
0x31: {  	s12 =	smul.u32 $0x8100, s12;
	v3 =	vld [tilespmem:s16+$0x10]  }
0x32: {  	s30 =	sand.u32 $0x1, s10;
	v2 =	vld [tilespmem:s16+$0xFFFFFFF0]  }
0x33: {  	s13 =	smul.u32 $0x8100, s30;
	s12 =	sshrl.u32 s12, $0x2;
	v0 =	vld [tilespmem:s16+$0x0]  }
0x34: {  	v1 =	vld [tilespmem:s16+$0xFFFFFFE0];
	s14 =	sor.u32 $0x4000, s12  }
0x35: {  	s31 =	sshrl.u32 s13, $0x2;
	s13 =	sadd.s32 $0x0, s14  }
0x36: {  	s15 =	simm.s32 $0x4;
	s16 =	sadd.s32 $0x40, s16;
	s12 =	sor.u32 $0x4000, s31;
	[tilespmem:s13+$0x1830 ss:$0x81] =	vst.msk $0xffff, v3  }
.LBB1_3:
0x37: {  	v3 =	vld [tilespmem:s16+$0x10];
	p1 =	sne.s32 s15, $0x1FC;
	[tilespmem:s13+$0x810 ss:$0x81] =	vst.msk $0xffff, v2;
	s17 =	smov.u32 s15;
	s15 =	sadd.s32 $0x4, s15  }
.Ltmp3:
0x38: {  	v2 =	vld [tilespmem:s16+$0xFFFFFFF0];
	[tilespmem:s13+$0x1020 ss:$0x81] =	vst.msk $0xffff, v0;
	(pc) =	sbr.rel @p1 .LBB1_3-.Ltmp3, $4  }
0x39: {  	v0 =	vld [tilespmem:s16+$0x0];
	[tilespmem:s13+$0x0 ss:$0x81] =	vst.msk $0xffff, v1  }
0x3a: {  	s13 =	sshra.s32 s17, $0x2;
	v1 =	vld [tilespmem:s16+$0xFFFFFFE0]  }
0x3b: {  	s13 =	sadd.s32 s13, s14  }
0x3c: {  	s16 =	sadd.s32 $0x40, s16;
	[tilespmem:s13+$0x1830 ss:$0x81] =	vst.msk $0xffff, v3  }
.Ltmp4:
0x3d: {  	_ = 	snop;
	(pc) =	sbr.rel .LBB1_4-.Ltmp4, $1  }
0x3e: {  	_ =	sdelay $0x3  }
.LBB1_6:
0x3f: {  	_ =	sfence.sel $0x180000  }
0x40: {  	s2 =	simm.s32 $0x1;
	[bflag:$0x0] =	sbarrier.arrive $0xFFFF  }
0x41: {  	s31 =	simm.s32 $0x2;
	[sflag:s2] =	ssyncpa.u1 $0x1  }
0x42: {  	[sflag:s31] =	ssyncpa.u1 $0x1  }
0x43: {  	p0 =	sne.s32 s0, $0x0;
	_ =	strace $0x9000004A  }
0x44: {  	s0 =	sadd.s32 @!p0 $0x100000, s1;
	[bflag:$0x2] =	sbarrier.arrive $0xFFFF  }
0x45: {  	[sflag:s0] =	ssyncadd.tile.s32 @!p0 $0x1;
	_ =	shalt  }
.Lfunc_end1:
_tile_overlayer_lowered:
.L_overlay_start_2:
0x46: {  	(tag) =	ssettag $0x2  }
0x47: {  	s0 =	rddreg [dreg:$0x0];
	s2 =	stileid.u32  }
0x48: {  	s1 =	rddreg [dreg:$0x1];
	p0 =	sne.s32 s2, $0x0  }
0x49: {  	s3 =	rddreg [dreg:$0x2];
	[bflag:$0x3] =	sbarrier.arrive $0xFFFF;
	s2 =	simm.s32 @!p0 $0x1C01  }
0x4a: {  	[timem:s3], [sflag:s2] =	dma.local @!p0 [hbm:s0], s1  }
0x4b: {  	s0 =	simm.s32 @!p0 $0x1  }
0x4c: {  	_ =	swait.ge @!p0 [sflag:s0], s1  }
0x4d: {  	s1 =	ssub.s32 @!p0 $0x0, s1;
	[sflag:s0] =	ssyncset.done @!p0 $0x0  }
0x4e: {  	[sflag:s0] =	ssyncadd.s32 @!p0 s1  }
0x4f: {  	[bflag:$0x3] =	sbarrier.arrive $0xFFFF  }
0x50: {  	_ =	shalt  }

</sc_bundles>
